<compile_context>
chip_gen: v7x
topology: tpu7x:2x2x1
jax: 0.10.2.dev20260603
libtpu: 0.0.44.dev20260713+nightly
codegen_flags: <defaults>
</compile_context>

<pallas_src>
import functools

import jax
import jax.numpy as jnp
from jax import lax
from jax.experimental import pallas as pl
from jax.experimental.pallas import tpu as pltpu
from jax.experimental.pallas import tpu_sc as plsc

_EPS = 1e-5
_K = 8



def _fps_body(pc_ref, perm_ref):
    x = pc_ref[0]
    y = pc_ref[1]
    z = pc_ref[2]
    bb, nn = x.shape
    lane = lax.broadcasted_iota(jnp.int32, (bb, nn), 1)
    boff = lax.broadcasted_iota(jnp.int32, (bb, nn), 0) * nn

    lane128 = lax.broadcasted_iota(jnp.int32, (bb, 128), 1)

    def body(j, st):
        dists, cperm = st
        far = jnp.argmax(dists, axis=1, keepdims=True).astype(jnp.int32)
        cperm = jnp.where(lane128 == j, far, cperm)
        sel = lane == far
        cx = jnp.sum(jnp.where(sel, x, 0.0), axis=1, keepdims=True)
        cy = jnp.sum(jnp.where(sel, y, 0.0), axis=1, keepdims=True)
        cz = jnp.sum(jnp.where(sel, z, 0.0), axis=1, keepdims=True)
        dx = x - cx
        dy = y - cy
        dz = z - cz
        d = dx * dx + dy * dy + dz * dz
        dists = jnp.minimum(dists, d)
        return dists, cperm

    def outer(c, st):
        dists, cperm = st
        dists, cperm = lax.fori_loop(0, 128, body, (dists, cperm))
        perm_ref[:, pl.ds(c * 128, 128)] = cperm
        return dists, cperm

    dists0 = (nn * 1.0 - lane.astype(jnp.float32)) * 1e6
    cperm0 = lane128 + lax.broadcasted_iota(jnp.int32, (bb, 128), 0)
    lax.fori_loop(0, nn // 128, outer, (dists0, cperm0))
    perm_ref[...] = perm_ref[...] + boff


def _fps(pc3, interpret=False):
    _, bb, nn = pc3.shape
    return pl.pallas_call(
        _fps_body,
        out_shape=jax.ShapeDtypeStruct((bb, nn), jnp.int32),
        interpret=interpret,
    )(pc3)



_RB = 256


def _knn_body(pc_ref, cen_ref, out_ref):
    b = pl.program_id(0)
    nn = pc_ref.shape[2]
    xyz = pc_ref[0]
    xj = xyz[0:1, :]
    yj = xyz[1:2, :]
    zj = xyz[2:3, :]
    cen = cen_ref[0]
    cx = cen[:, 0:1]
    cy = cen[:, 1:2]
    cz = cen[:, 2:3]
    dx = cx - xj
    dy = cy - yj
    dz = cz - zj
    d = dx * dx + dy * dy + dz * dz
    lane = lax.broadcasted_iota(jnp.int32, (d.shape[0], nn), 1)
    cols = []
    for _ in range(_K):
        j = jnp.argmin(d, axis=1, keepdims=True).astype(jnp.int32)
        cols.append(j)
        d = jnp.where(lane == j, jnp.inf, d)
    out_ref[0] = jnp.concatenate(cols, axis=1) + b * nn


def _knn(pc, xyzr, interpret=False):
    bb, _, nn = pc.shape
    return pl.pallas_call(
        _knn_body,
        grid=(bb, nn // _RB),
        in_specs=[
            pl.BlockSpec((1, 3, nn), lambda b, r: (b, 0, 0)),
            pl.BlockSpec((1, _RB, 3), lambda b, r: (b, r, 0)),
        ],
        out_specs=pl.BlockSpec((1, _RB, _K), lambda b, r: (b, r, 0)),
        out_shape=jax.ShapeDtypeStruct((bb, nn, _K), jnp.int32),
        interpret=interpret,
    )(pc, xyzr)



def _sc_gather(tables, idx2d):
    info = plsc.get_sparse_core_info()
    nw = info.num_cores * info.num_subcores
    nchunks_total, ch = idx2d.shape
    m = nchunks_total * ch
    nch = nchunks_total // nw
    ntab = len(tables)
    mesh = plsc.VectorSubcoreMesh(core_axis_name="c", subcore_axis_name="s")
    out_types = tuple(
        jax.ShapeDtypeStruct((m, t.shape[1]), t.dtype) for t in tables
    )
    scratch = [pltpu.VMEM((nch, ch), jnp.int32)]
    for t in tables:
        scratch.append(pltpu.VMEM((ch, t.shape[1]), t.dtype))
    scratch.append(pltpu.SemaphoreType.DMA)

    def body(*refs):
        tab_refs = refs[:ntab]
        idx_ref = refs[ntab]
        out_refs = refs[ntab + 1:2 * ntab + 1]
        idx_v = refs[2 * ntab + 1]
        row_bufs = refs[2 * ntab + 2:2 * ntab + 2 + ntab]
        sem = refs[-1]
        wid = lax.axis_index("s") * info.num_cores + lax.axis_index("c")
        base_chunk = wid * nch
        pltpu.sync_copy(idx_ref.at[pl.ds(base_chunk, nch)], idx_v)
        for c in range(nch):
            for t in range(ntab):
                pltpu.async_copy(
                    tab_refs[t].at[idx_v.at[c]], row_bufs[t], sem
                ).wait()
                pltpu.sync_copy(
                    row_bufs[t],
                    out_refs[t].at[pl.ds((base_chunk + c) * ch, ch)],
                )

    fn = pl.kernel(body, mesh=mesh, out_type=out_types, scratch_types=scratch)
    out = fn(*tables, idx2d)
    return out if isinstance(out, (tuple, list)) else (out,)



def _dot(a, b):
    return lax.dot_general(
        a, b, (((1,), (0,)), ((), ())), preferred_element_type=jnp.float32
    )


def _inorm_stats(xx):
    n = xx.shape[0]
    s1 = jnp.sum(xx, axis=0, keepdims=True) * (1.0 / n)
    s2 = jnp.sum(xx * xx, axis=0, keepdims=True) * (1.0 / n)
    r = 1.0 / jnp.sqrt(jnp.maximum(s2 - s1 * s1, 0.0) + _EPS)
    return s1, r


def _maxpool_k(y, npts):
    m = y[0:npts, :]
    for k in range(1, _K):
        m = jnp.maximum(m, y[k * npts:(k + 1) * npts, :])
    return m


def _prep_body(ft_ref, xyz_ref, w3_ref, wf_ref, b_ref, y_ref, cp_ref):
    cp = _dot(xyz_ref[0], w3_ref[...])
    cp_ref[0] = cp
    y_ref[0] = _dot(ft_ref[0], wf_ref[...]) + cp + b_ref[...]


def _prep(ft, xyz16r, w3, wf, b, interpret=False):
    bb, npts, dd = ft.shape
    wspec = lambda shp: pl.BlockSpec(shp, lambda b: tuple(0 for _ in shp))
    return pl.pallas_call(
        _prep_body,
        grid=(bb,),
        in_specs=[
            pl.BlockSpec((1, npts, dd), lambda b: (b, 0, 0)),
            pl.BlockSpec((1, npts, 16), lambda b: (b, 0, 0)),
            wspec(w3.shape), wspec(wf.shape), wspec(b.shape),
        ],
        out_specs=[
            pl.BlockSpec((1, npts, dd), lambda b: (b, 0, 0)),
            pl.BlockSpec((1, npts, dd), lambda b: (b, 0, 0)),
        ],
        out_shape=[
            jax.ShapeDtypeStruct((bb, npts, dd), jnp.float32),
            jax.ShapeDtypeStruct((bb, npts, dd), jnp.float32),
        ],
        interpret=interpret,
    )(ft, xyz16r, w3, wf, b)


def _sub_center(g, cp):
    npts = cp.shape[0]
    return jnp.concatenate(
        [g[k * npts:(k + 1) * npts] - cp for k in range(_K)], axis=0
    )


def _mlp1_body(g_ref, cp_ref, w2_ref, b2_ref, w3c_ref, b3_ref, out_ref):
    y = _sub_center(g_ref[0], cp_ref[0])
    m1, r1 = _inorm_stats(y)
    y = jnp.maximum(y - m1, 0.0)
    w2s = w2_ref[...] * jnp.transpose(r1)
    y = _dot(y, w2s) + b2_ref[...]
    m2, r2 = _inorm_stats(y)
    y = jnp.maximum(y - m2, 0.0)
    w3s = w3c_ref[...] * jnp.transpose(r2)
    y = _dot(y, w3s) + b3_ref[...]
    m3, r3 = _inorm_stats(y)
    out_ref[0] = _maxpool_k(jnp.maximum(y - m3, 0.0), out_ref.shape[1]) * r3


def _mlp1(g, cp, w2, b2, w3c, b3, interpret=False):
    bb, mk, dd = g.shape
    npts = mk // _K
    wspec = lambda shp: pl.BlockSpec(shp, lambda b: tuple(0 for _ in shp))
    return pl.pallas_call(
        _mlp1_body,
        grid=(bb,),
        in_specs=[
            pl.BlockSpec((1, mk, dd), lambda b: (b, 0, 0)),
            pl.BlockSpec((1, npts, dd), lambda b: (b, 0, 0)),
            wspec(w2.shape), wspec(b2.shape), wspec(w3c.shape), wspec(b3.shape),
        ],
        out_specs=pl.BlockSpec((1, npts, dd), lambda b: (b, 0, 0)),
        out_shape=jax.ShapeDtypeStruct((bb, npts, dd), jnp.float32),
        interpret=interpret,
    )(g, cp, w2, b2, w3c, b3)


def _mlp2_body(g_ref, cp_ref, out_ref):
    y = _sub_center(g_ref[0], cp_ref[0])
    m1, r1 = _inorm_stats(y)
    out_ref[0] = _maxpool_k(y - m1, out_ref.shape[1]) * r1


def _mlp2(g, cp, interpret=False):
    bb, mk, dd = g.shape
    npts = mk // _K
    return pl.pallas_call(
        _mlp2_body,
        grid=(bb,),
        in_specs=[
            pl.BlockSpec((1, mk, dd), lambda b: (b, 0, 0)),
            pl.BlockSpec((1, npts, dd), lambda b: (b, 0, 0)),
        ],
        out_specs=pl.BlockSpec((1, npts, dd), lambda b: (b, 0, 0)),
        out_shape=jax.ShapeDtypeStruct((bb, npts, dd), jnp.float32),
        interpret=interpret,
    )(g, cp)



def kernel(pc, feature, W1a, b1a, W1b, b1b, W1c, b1c, W2a, b2a):
    bb, _, nn = pc.shape
    dd = feature.shape[1]

    pc3 = jnp.transpose(pc, (1, 0, 2))
    xyzr = jnp.transpose(pc, (0, 2, 1))
    xyz16r = jnp.pad(xyzr, ((0, 0), (0, 0), (0, 13)))
    featr = jnp.transpose(feature, (0, 2, 1))

    perm_g = _fps(pc3)
    idx = _knn(pc, xyzr)
    idx_km = jnp.transpose(idx, (0, 2, 1))
    idx2d = idx_km.reshape(bb * _K * nn // 128, 128)
    perm2d = perm_g.reshape(bb * nn // 128, 128)

    w3a = jnp.pad(W1a[:, :3].T, ((0, 13), (0, 0)))
    wfa = W1a[:, 3:].T
    y1tab, cp1 = _prep(featr, xyz16r, w3a, wfa, b1a.reshape(1, -1))

    (g1g,) = _sc_gather([y1tab.reshape(bb * nn, dd)], idx2d)
    g1 = _mlp1(
        g1g.reshape(bb, _K * nn, dd), cp1,
        W1b.T, b1b.reshape(1, -1), W1c.T, b1c.reshape(1, -1),
    )

    (ftab,) = _sc_gather([g1.reshape(bb * nn, dd)], perm2d)

    w3b = jnp.pad(W2a[:, :3].T, ((0, 13), (0, 0)))
    wfb = W2a[:, 3:].T
    y2tab, cp2 = _prep(
        ftab.reshape(bb, nn, dd), xyz16r, w3b, wfb, b2a.reshape(1, -1)
    )

    (g2g,) = _sc_gather([y2tab.reshape(bb * nn, dd)], idx2d)
    h = _mlp2(g2g.reshape(bb, _K * nn, dd), cp2)

    (outr,) = _sc_gather([h.reshape(bb * nn, dd)], perm2d)
    return jnp.transpose(outr.reshape(bb, nn, dd), (0, 2, 1))

# --- scband reference (transcript-rebuilt; emitter-appended) ---
"""Pipeline reference for scband-h0-net-37546604101722 (READ-ONLY COPY).

The authoritative reference and input builder live on the scoring server;
editing this copy changes nothing except your own understanding.
"""

import jax, jax.numpy as jnp
import numpy as np

B, N, D_IN = 4, 2048, 128
NPOINT = 16384
S1 = int(NPOINT / 8)  # 2048 == N
NSAMPLE = 8
EPS = 1e-5


def fps(xyz, npoint):
    # xyz: [B, N, 3] -> indices [B, npoint] int32, deterministic start at index 0
    Bb, Nn, _ = xyz.shape
    idxs0 = jnp.zeros((Bb, npoint), dtype=jnp.int32)
    dists0 = jnp.full((Bb, Nn), 1e10, dtype=jnp.float32)
    far0 = jnp.zeros((Bb,), dtype=jnp.int32)

    def body(i, st):
        idxs, dists, far = st
        idxs = idxs.at[:, i].set(far)
        centroid = jnp.take_along_axis(xyz, far[:, None, None], axis=1)  # [B,1,3]
        d = jnp.sum((xyz - centroid) ** 2, axis=-1)  # [B,N]
        dists = jnp.minimum(dists, d)
        far = jnp.argmax(dists, axis=-1).astype(jnp.int32)
        return idxs, dists, far

    idxs, _, _ = jax.lax.fori_loop(0, npoint, body, (idxs0, dists0, far0))
    return idxs


def gather_points(points, idx):
    # points: [B, N, C]; idx: [B, S] or [B, S, K]
    if idx.ndim == 2:
        return jnp.take_along_axis(points, idx[..., None], axis=1)
    Bb, Ss, Kk = idx.shape
    flat = idx.reshape(Bb, Ss * Kk)
    out = jnp.take_along_axis(points, flat[..., None], axis=1)
    return out.reshape(Bb, Ss, Kk, points.shape[-1])


def knn(new_xyz, xyz, k):
    # radius=None -> pure kNN grouping
    d = jnp.sum((new_xyz[:, :, None, :] - xyz[:, None, :, :]) ** 2, axis=-1)  # [B,S,N]
    _, idx = jax.lax.top_k(-d, k)
    return idx


def set_abstraction(xyz_t, points_t, fps_idx, params, use_act):
    # xyz_t: [B,N,3]; points_t: [B,N,D]
    new_xyz = gather_points(xyz_t, fps_idx)                    # [B,S,3]
    idx = knn(new_xyz, xyz_t, NSAMPLE)                          # [B,S,K]
    grouped_xyz = gather_points(xyz_t, idx) - new_xyz[:, :, None, :]  # [B,S,K,3]
    grouped_pts = gather_points(points_t, idx)                  # [B,S,K,D]
    new_points = jnp.concatenate([grouped_xyz, grouped_pts], axis=-1)  # [B,S,K,3+D]
    x = jnp.transpose(new_points, (0, 3, 2, 1))                 # [B,C,K,S]
    for (W, b) in params:
        x = jnp.einsum('bcks,oc->boks', x, W) + b[None, :, None, None]  # 1x1 Conv2d
        mean = jnp.mean(x, axis=(2, 3), keepdims=True)          # InstanceNorm2d (affine=False)
        var = jnp.var(x, axis=(2, 3), keepdims=True)
        x = (x - mean) / jnp.sqrt(var + EPS)
        if use_act:
            x = jax.nn.relu(x)
    new_feat = jnp.max(x, axis=2)                               # max over nsample -> [B,C,S]
    return new_xyz, new_feat


def setup_inputs(seed: int = 0):
    key = jax.random.key(seed)
    ks = jax.random.split(key, 10)
    pc = jax.random.normal(ks[0], (B, 3, N), dtype=jnp.float32)
    feature = jax.random.normal(ks[1], (B, D_IN, N), dtype=jnp.float32)

    def conv_params(k, cin, cout):
        k1, k2 = jax.random.split(k)
        bound = 1.0 / np.sqrt(cin)
        W = jax.random.uniform(k1, (cout, cin), minval=-bound, maxval=bound, dtype=jnp.float32)
        b = jax.random.uniform(k2, (cout,), minval=-bound, maxval=bound, dtype=jnp.float32)
        return W, b

    W1a, b1a = conv_params(ks[2], D_IN + 3, 128)
    W1b, b1b = conv_params(ks[3], 128, 128)
    W1c, b1c = conv_params(ks[4], 128, 128)
    W2a, b2a = conv_params(ks[5], 128 + 3, 128)
    return {"pc": pc, "feature": feature,
            "W1a": W1a, "b1a": b1a, "W1b": W1b, "b1b": b1b,
            "W1c": W1c, "b1c": b1c, "W2a": W2a, "b2a": b2a}


def reference(pc, feature, W1a, b1a, W1b, b1b, W1c, b1c, W2a, b2a):
    xyz_t = jnp.transpose(pc, (0, 2, 1))        # [B,N,3]
    feat_t = jnp.transpose(feature, (0, 2, 1))  # [B,N,D]
    fps_idx = fps(xyz_t, S1)                    # same xyz for both SA layers -> same FPS result
    _, feat1 = set_abstraction(xyz_t, feat_t, fps_idx,
                               [(W1a, b1a), (W1b, b1b), (W1c, b1c)], True)
    feat1_t = jnp.transpose(feat1, (0, 2, 1))   # [B,S1,128]
    _, feat2 = set_abstraction(xyz_t, feat1_t, fps_idx, [(W2a, b2a)], False)
    return feat2  # [B,128,S1]

if __name__ == "__main__":
    import jax
    _d = setup_inputs()
    print(jax.jit(kernel)(*tuple(_d.values())))

</pallas_src>

<mosaic_0001>
#map = affine_map<(d0, d1) -> (0, 0)>
module attributes {stable_mosaic.version = 14 : i64} {
  func.func @body(%arg0: i32, %arg1: i32, %arg2: memref<8192x128xf32, #tpu.memory_space<hbm>>, %arg3: memref<512x128xi32, #tpu.memory_space<hbm>>, %arg4: memref<65536x128xf32, #tpu.memory_space<hbm>>, %arg5: memref<16x128xi32, #tpu.memory_space<vmem>>, %arg6: memref<128x128xf32, #tpu.memory_space<vmem>>, %arg7: memref<!tpu.dma_semaphore, #tpu.memory_space<semaphore_mem>>) attributes {dimension_semantics = [#tpu.dimension_semantics<core_parallel>, #tpu.dimension_semantics<subcore_parallel>], iteration_bounds = array<i64: 2, 16>, scalar_prefetch = 0 : i64, scratch_operands = 3 : i64, tpu.core_type = #tpu.core_type<sc_vector_subcore>, window_params = [{transform_indices = #map}, {transform_indices = #map}, {transform_indices = #map}]} {
    %mul3A = arith.constant 2 : i32
    %mul3A_0 = arith.muli %arg1, %mul3A : i32
    %add3A = arith.addi %mul3A_0, %arg0 : i32
    %mul3A_1 = arith.constant 16 : i32
    %mul3A_2 = arith.muli %add3A, %mul3A_1 : i32
    "tpu.region"() ({
      %run_scoped3A = tpu.sem_alloc : memref<!tpu.dma_semaphore, #tpu.memory_space<semaphore_mem>>
      %dma_start3A_289 = arith.constant 0 : i32
      %dma_start3A_290 = tpu.memref_slice %arg3[%mul3A_2, %dma_start3A_289] : memref<512x128xi32, #tpu.memory_space<hbm>> -> memref<16x128xi32, #tpu.memory_space<hbm>>
      %dma_start3A_291 = arith.constant 0 : i32
      %dma_start3A_292 = tpu.memref_slice %arg3[%mul3A_2, %dma_start3A_291] : memref<512x128xi32, #tpu.memory_space<hbm>> -> memref<16x128xi32, #tpu.memory_space<hbm>>
      tpu.enqueue_dma source(%dma_start3A_292 : memref<16x128xi32, #tpu.memory_space<hbm>>) target(%arg5 : memref<16x128xi32, #tpu.memory_space<vmem>>) target_semaphore(%run_scoped3A : memref<!tpu.dma_semaphore, #tpu.memory_space<semaphore_mem>>)
      %dma_wait3A_293 = arith.constant 0 : i32
      %dma_wait3A_294 = tpu.memref_slice %arg3[%mul3A_2, %dma_wait3A_293] : memref<512x128xi32, #tpu.memory_space<hbm>> -> memref<16x128xi32, #tpu.memory_space<hbm>>
      %dma_wait3A_295 = arith.constant 0 : i32
      %dma_wait3A_296 = tpu.memref_slice %arg3[%mul3A_2, %dma_wait3A_295] : memref<512x128xi32, #tpu.memory_space<hbm>> -> memref<16x128xi32, #tpu.memory_space<hbm>>
      tpu.wait_dma2 semaphore(%run_scoped3A : memref<!tpu.dma_semaphore, #tpu.memory_space<semaphore_mem>>) src(%dma_wait3A_296 : memref<16x128xi32, #tpu.memory_space<hbm>>) dst(%arg5 : memref<16x128xi32, #tpu.memory_space<vmem>>)
      tpu.yield
    }) : () -> ()
    %dma_start3A = arith.constant 0 : i32
    %dma_start3A_3 = arith.constant 0 : i32
    %dma_start3A_4 = tpu.memref_slice %arg5[%dma_start3A, %dma_start3A_3] : memref<16x128xi32, #tpu.memory_space<vmem>> -> memref<1x128xi32, #tpu.memory_space<vmem>>
    %dma_start3A_5 = tpu.memref_squeeze %dma_start3A_4 : memref<1x128xi32, #tpu.memory_space<vmem>> -> memref<128xi32, #tpu.memory_space<vmem>>
    %dma_start3A_6 = arith.constant 0 : i32
    %dma_start3A_7 = arith.constant 0 : i32
    %dma_start3A_8 = tpu.memref_slice %arg2[%dma_start3A_6, %dma_start3A_7] : memref<8192x128xf32, #tpu.memory_space<hbm>> -> memref<8192x128xf32, #tpu.memory_space<hbm>>
    tpu.enqueue_indirect_dma source(%dma_start3A_8 : memref<8192x128xf32, #tpu.memory_space<hbm>>) target(%arg6 : memref<128x128xf32, #tpu.memory_space<vmem>>) offsets(%dma_start3A_5 : memref<128xi32, #tpu.memory_space<vmem>>) semaphore(%arg7 : memref<!tpu.dma_semaphore, #tpu.memory_space<semaphore_mem>>)
    %dma_wait3A = arith.constant 0 : i32
    %dma_wait3A_9 = arith.constant 0 : i32
    %dma_wait3A_10 = tpu.memref_slice %arg5[%dma_wait3A, %dma_wait3A_9] : memref<16x128xi32, #tpu.memory_space<vmem>> -> memref<1x128xi32, #tpu.memory_space<vmem>>
    %dma_wait3A_11 = tpu.memref_squeeze %dma_wait3A_10 : memref<1x128xi32, #tpu.memory_space<vmem>> -> memref<128xi32, #tpu.memory_space<vmem>>
    %dma_wait3A_12 = arith.constant 0 : i32
    %dma_wait3A_13 = arith.constant 0 : i32
    %dma_wait3A_14 = tpu.memref_slice %arg2[%dma_wait3A_12, %dma_wait3A_13] : memref<8192x128xf32, #tpu.memory_space<hbm>> -> memref<8192x128xf32, #tpu.memory_space<hbm>>
    tpu.wait_indirect_dma semaphore(%arg7 : memref<!tpu.dma_semaphore, #tpu.memory_space<semaphore_mem>>) src(%dma_wait3A_14 : memref<8192x128xf32, #tpu.memory_space<hbm>>) dst(%arg6 : memref<128x128xf32, #tpu.memory_space<vmem>>)
    %add3A_15 = arith.constant 0 : i32
    %add3A_16 = arith.addi %mul3A_2, %add3A_15 : i32
    %mul3A_17 = arith.constant 128 : i32
    %mul3A_18 = arith.muli %add3A_16, %mul3A_17 : i32
    "tpu.region"() ({
      %run_scoped3A = tpu.sem_alloc : memref<!tpu.dma_semaphore, #tpu.memory_space<semaphore_mem>>
      %dma_start3A_289 = arith.constant 0 : i32
      %dma_start3A_290 = tpu.memref_slice %arg4[%mul3A_18, %dma_start3A_289] : memref<65536x128xf32, #tpu.memory_space<hbm>> -> memref<128x128xf32, #tpu.memory_space<hbm>>
      %dma_start3A_291 = arith.constant 0 : i32
      %dma_start3A_292 = tpu.memref_slice %arg4[%mul3A_18, %dma_start3A_291] : memref<65536x128xf32, #tpu.memory_space<hbm>> -> memref<128x128xf32, #tpu.memory_space<hbm>>
      tpu.enqueue_dma source(%arg6 : memref<128x128xf32, #tpu.memory_space<vmem>>) target(%dma_start3A_292 : memref<128x128xf32, #tpu.memory_space<hbm>>) target_semaphore(%run_scoped3A : memref<!tpu.dma_semaphore, #tpu.memory_space<semaphore_mem>>)
      %dma_wait3A_293 = arith.constant 0 : i32
      %dma_wait3A_294 = tpu.memref_slice %arg4[%mul3A_18, %dma_wait3A_293] : memref<65536x128xf32, #tpu.memory_space<hbm>> -> memref<128x128xf32, #tpu.memory_space<hbm>>
      %dma_wait3A_295 = arith.constant 0 : i32
      %dma_wait3A_296 = tpu.memref_slice %arg4[%mul3A_18, %dma_wait3A_295] : memref<65536x128xf32, #tpu.memory_space<hbm>> -> memref<128x128xf32, #tpu.memory_space<hbm>>
      tpu.wait_dma2 semaphore(%run_scoped3A : memref<!tpu.dma_semaphore, #tpu.memory_space<semaphore_mem>>) src(%arg6 : memref<128x128xf32, #tpu.memory_space<vmem>>) dst(%dma_wait3A_296 : memref<128x128xf32, #tpu.memory_space<hbm>>)
      tpu.yield
    }) : () -> ()
    %dma_start3A_19 = arith.constant 1 : i32
    %dma_start3A_20 = arith.constant 0 : i32
    %dma_start3A_21 = tpu.memref_slice %arg5[%dma_start3A_19, %dma_start3A_20] : memref<16x128xi32, #tpu.memory_space<vmem>> -> memref<1x128xi32, #tpu.memory_space<vmem>>
    %dma_start3A_22 = tpu.memref_squeeze %dma_start3A_21 : memref<1x128xi32, #tpu.memory_space<vmem>> -> memref<128xi32, #tpu.memory_space<vmem>>
    %dma_start3A_23 = arith.constant 0 : i32
    %dma_start3A_24 = arith.constant 0 : i32
    %dma_start3A_25 = tpu.memref_slice %arg2[%dma_start3A_23, %dma_start3A_24] : memref<8192x128xf32, #tpu.memory_space<hbm>> -> memref<8192x128xf32, #tpu.memory_space<hbm>>
    tpu.enqueue_indirect_dma source(%dma_start3A_25 : memref<8192x128xf32, #tpu.memory_space<hbm>>) target(%arg6 : memref<128x128xf32, #tpu.memory_space<vmem>>) offsets(%dma_start3A_22 : memref<128xi32, #tpu.memory_space<vmem>>) semaphore(%arg7 : memref<!tpu.dma_semaphore, #tpu.memory_space<semaphore_mem>>)
    %dma_wait3A_26 = arith.constant 1 : i32
    %dma_wait3A_27 = arith.constant 0 : i32
    %dma_wait3A_28 = tpu.memref_slice %arg5[%dma_wait3A_26, %dma_wait3A_27] : memref<16x128xi32, #tpu.memory_space<vmem>> -> memref<1x128xi32, #tpu.memory_space<vmem>>
    %dma_wait3A_29 = tpu.memref_squeeze %dma_wait3A_28 : memref<1x128xi32, #tpu.memory_space<vmem>> -> memref<128xi32, #tpu.memory_space<vmem>>
    %dma_wait3A_30 = arith.constant 0 : i32
    %dma_wait3A_31 = arith.constant 0 : i32
    %dma_wait3A_32 = tpu.memref_slice %arg2[%dma_wait3A_30, %dma_wait3A_31] : memref<8192x128xf32, #tpu.memory_space<hbm>> -> memref<8192x128xf32, #tpu.memory_space<hbm>>
    tpu.wait_indirect_dma semaphore(%arg7 : memref<!tpu.dma_semaphore, #tpu.memory_space<semaphore_mem>>) src(%dma_wait3A_32 : memref<8192x128xf32, #tpu.memory_space<hbm>>) dst(%arg6 : memref<128x128xf32, #tpu.memory_space<vmem>>)
    %add3A_33 = arith.constant 1 : i32
    %add3A_34 = arith.addi %mul3A_2, %add3A_33 : i32
    %mul3A_35 = arith.constant 128 : i32
    %mul3A_36 = arith.muli %add3A_34, %mul3A_35 : i32
    "tpu.region"() ({
      %run_scoped3A = tpu.sem_alloc : memref<!tpu.dma_semaphore, #tpu.memory_space<semaphore_mem>>
      %dma_start3A_289 = arith.constant 0 : i32
      %dma_start3A_290 = tpu.memref_slice %arg4[%mul3A_36, %dma_start3A_289] : memref<65536x128xf32, #tpu.memory_space<hbm>> -> memref<128x128xf32, #tpu.memory_space<hbm>>
      %dma_start3A_291 = arith.constant 0 : i32
      %dma_start3A_292 = tpu.memref_slice %arg4[%mul3A_36, %dma_start3A_291] : memref<65536x128xf32, #tpu.memory_space<hbm>> -> memref<128x128xf32, #tpu.memory_space<hbm>>
      tpu.enqueue_dma source(%arg6 : memref<128x128xf32, #tpu.memory_space<vmem>>) target(%dma_start3A_292 : memref<128x128xf32, #tpu.memory_space<hbm>>) target_semaphore(%run_scoped3A : memref<!tpu.dma_semaphore, #tpu.memory_space<semaphore_mem>>)
      %dma_wait3A_293 = arith.constant 0 : i32
      %dma_wait3A_294 = tpu.memref_slice %arg4[%mul3A_36, %dma_wait3A_293] : memref<65536x128xf32, #tpu.memory_space<hbm>> -> memref<128x128xf32, #tpu.memory_space<hbm>>
      %dma_wait3A_295 = arith.constant 0 : i32
      %dma_wait3A_296 = tpu.memref_slice %arg4[%mul3A_36, %dma_wait3A_295] : memref<65536x128xf32, #tpu.memory_space<hbm>> -> memref<128x128xf32, #tpu.memory_space<hbm>>
      tpu.wait_dma2 semaphore(%run_scoped3A : memref<!tpu.dma_semaphore, #tpu.memory_space<semaphore_mem>>) src(%arg6 : memref<128x128xf32, #tpu.memory_space<vmem>>) dst(%dma_wait3A_296 : memref<128x128xf32, #tpu.memory_space<hbm>>)
      tpu.yield
    }) : () -> ()
    %dma_start3A_37 = arith.constant 2 : i32
    %dma_start3A_38 = arith.constant 0 : i32
    %dma_start3A_39 = tpu.memref_slice %arg5[%dma_start3A_37, %dma_start3A_38] : memref<16x128xi32, #tpu.memory_space<vmem>> -> memref<1x128xi32, #tpu.memory_space<vmem>>
    %dma_start3A_40 = tpu.memref_squeeze %dma_start3A_39 : memref<1x128xi32, #tpu.memory_space<vmem>> -> memref<128xi32, #tpu.memory_space<vmem>>
    %dma_start3A_41 = arith.constant 0 : i32
    %dma_start3A_42 = arith.constant 0 : i32
    %dma_start3A_43 = tpu.memref_slice %arg2[%dma_start3A_41, %dma_start3A_42] : memref<8192x128xf32, #tpu.memory_space<hbm>> -> memref<8192x128xf32, #tpu.memory_space<hbm>>
    tpu.enqueue_indirect_dma source(%dma_start3A_43 : memref<8192x128xf32, #tpu.memory_space<hbm>>) target(%arg6 : memref<128x128xf32, #tpu.memory_space<vmem>>) offsets(%dma_start3A_40 : memref<128xi32, #tpu.memory_space<vmem>>) semaphore(%arg7 : memref<!tpu.dma_semaphore, #tpu.memory_space<semaphore_mem>>)
    %dma_wait3A_44 = arith.constant 2 : i32
    %dma_wait3A_45 = arith.constant 0 : i32
    %dma_wait3A_46 = tpu.memref_slice %arg5[%dma_wait3A_44, %dma_wait3A_45] : memref<16x128xi32, #tpu.memory_space<vmem>> -> memref<1x128xi32, #tpu.memory_space<vmem>>
    %dma_wait3A_47 = tpu.memref_squeeze %dma_wait3A_46 : memref<1x128xi32, #tpu.memory_space<vmem>> -> memref<128xi32, #tpu.memory_space<vmem>>
    %dma_wait3A_48 = arith.constant 0 : i32
    %dma_wait3A_49 = arith.constant 0 : i32
    %dma_wait3A_50 = tpu.memref_slice %arg2[%dma_wait3A_48, %dma_wait3A_49] : memref<8192x128xf32, #tpu.memory_space<hbm>> -> memref<8192x128xf32, #tpu.memory_space<hbm>>
    tpu.wait_indirect_dma semaphore(%arg7 : memref<!tpu.dma_semaphore, #tpu.memory_space<semaphore_mem>>) src(%dma_wait3A_50 : memref<8192x128xf32, #tpu.memory_space<hbm>>) dst(%arg6 : memref<128x128xf32, #tpu.memory_space<vmem>>)
    %add3A_51 = arith.constant 2 : i32
    %add3A_52 = arith.addi %mul3A_2, %add3A_51 : i32
    %mul3A_53 = arith.constant 128 : i32
    %mul3A_54 = arith.muli %add3A_52, %mul3A_53 : i32
    "tpu.region"() ({
      %run_scoped3A = tpu.sem_alloc : memref<!tpu.dma_semaphore, #tpu.memory_space<semaphore_mem>>
      %dma_start3A_289 = arith.constant 0 : i32
      %dma_start3A_290 = tpu.memref_slice %arg4[%mul3A_54, %dma_start3A_289] : memref<65536x128xf32, #tpu.memory_space<hbm>> -> memref<128x128xf32, #tpu.memory_space<hbm>>
      %dma_start3A_291 = arith.constant 0 : i32
      %dma_start3A_292 = tpu.memref_slice %arg4[%mul3A_54, %dma_start3A_291] : memref<65536x128xf32, #tpu.memory_space<hbm>> -> memref<128x128xf32, #tpu.memory_space<hbm>>
      tpu.enqueue_dma source(%arg6 : memref<128x128xf32, #tpu.memory_space<vmem>>) target(%dma_start3A_292 : memref<128x128xf32, #tpu.memory_space<hbm>>) target_semaphore(%run_scoped3A : memref<!tpu.dma_semaphore, #tpu.memory_space<semaphore_mem>>)
      %dma_wait3A_293 = arith.constant 0 : i32
      %dma_wait3A_294 = tpu.memref_slice %arg4[%mul3A_54, %dma_wait3A_293] : memref<65536x128xf32, #tpu.memory_space<hbm>> -> memref<128x128xf32, #tpu.memory_space<hbm>>
      %dma_wait3A_295 = arith.constant 0 : i32
      %dma_wait3A_296 = tpu.memref_slice %arg4[%mul3A_54, %dma_wait3A_295] : memref<65536x128xf32, #tpu.memory_space<hbm>> -> memref<128x128xf32, #tpu.memory_space<hbm>>
      tpu.wait_dma2 semaphore(%run_scoped3A : memref<!tpu.dma_semaphore, #tpu.memory_space<semaphore_mem>>) src(%arg6 : memref<128x128xf32, #tpu.memory_space<vmem>>) dst(%dma_wait3A_296 : memref<128x128xf32, #tpu.memory_space<hbm>>)
      tpu.yield
    }) : () -> ()
    %dma_start3A_55 = arith.constant 3 : i32
    %dma_start3A_56 = arith.constant 0 : i32
    %dma_start3A_57 = tpu.memref_slice %arg5[%dma_start3A_55, %dma_start3A_56] : memref<16x128xi32, #tpu.memory_space<vmem>> -> memref<1x128xi32, #tpu.memory_space<vmem>>
    %dma_start3A_58 = tpu.memref_squeeze %dma_start3A_57 : memref<1x128xi32, #tpu.memory_space<vmem>> -> memref<128xi32, #tpu.memory_space<vmem>>
    %dma_start3A_59 = arith.constant 0 : i32
    %dma_start3A_60 = arith.constant 0 : i32
    %dma_start3A_61 = tpu.memref_slice %arg2[%dma_start3A_59, %dma_start3A_60] : memref<8192x128xf32, #tpu.memory_space<hbm>> -> memref<8192x128xf32, #tpu.memory_space<hbm>>
    tpu.enqueue_indirect_dma source(%dma_start3A_61 : memref<8192x128xf32, #tpu.memory_space<hbm>>) target(%arg6 : memref<128x128xf32, #tpu.memory_space<vmem>>) offsets(%dma_start3A_58 : memref<128xi32, #tpu.memory_space<vmem>>) semaphore(%arg7 : memref<!tpu.dma_semaphore, #tpu.memory_space<semaphore_mem>>)
    %dma_wait3A_62 = arith.constant 3 : i32
    %dma_wait3A_63 = arith.constant 0 : i32
    %dma_wait3A_64 = tpu.memref_slice %arg5[%dma_wait3A_62, %dma_wait3A_63] : memref<16x128xi32, #tpu.memory_space<vmem>> -> memref<1x128xi32, #tpu.memory_space<vmem>>
    %dma_wait3A_65 = tpu.memref_squeeze %dma_wait3A_64 : memref<1x128xi32, #tpu.memory_space<vmem>> -> memref<128xi32, #tpu.memory_space<vmem>>
    %dma_wait3A_66 = arith.constant 0 : i32
    %dma_wait3A_67 = arith.constant 0 : i32
    %dma_wait3A_68 = tpu.memref_slice %arg2[%dma_wait3A_66, %dma_wait3A_67] : memref<8192x128xf32, #tpu.memory_space<hbm>> -> memref<8192x128xf32, #tpu.memory_space<hbm>>
    tpu.wait_indirect_dma semaphore(%arg7 : memref<!tpu.dma_semaphore, #tpu.memory_space<semaphore_mem>>) src(%dma_wait3A_68 : memref<8192x128xf32, #tpu.memory_space<hbm>>) dst(%arg6 : memref<128x128xf32, #tpu.memory_space<vmem>>)
    %add3A_69 = arith.constant 3 : i32
    %add3A_70 = arith.addi %mul3A_2, %add3A_69 : i32
    %mul3A_71 = arith.constant 128 : i32
    %mul3A_72 = arith.muli %add3A_70, %mul3A_71 : i32
    "tpu.region"() ({
      %run_scoped3A = tpu.sem_alloc : memref<!tpu.dma_semaphore, #tpu.memory_space<semaphore_mem>>
      %dma_start3A_289 = arith.constant 0 : i32
      %dma_start3A_290 = tpu.memref_slice %arg4[%mul3A_72, %dma_start3A_289] : memref<65536x128xf32, #tpu.memory_space<hbm>> -> memref<128x128xf32, #tpu.memory_space<hbm>>
      %dma_start3A_291 = arith.constant 0 : i32
      %dma_start3A_292 = tpu.memref_slice %arg4[%mul3A_72, %dma_start3A_291] : memref<65536x128xf32, #tpu.memory_space<hbm>> -> memref<128x128xf32, #tpu.memory_space<hbm>>
      tpu.enqueue_dma source(%arg6 : memref<128x128xf32, #tpu.memory_space<vmem>>) target(%dma_start3A_292 : memref<128x128xf32, #tpu.memory_space<hbm>>) target_semaphore(%run_scoped3A : memref<!tpu.dma_semaphore, #tpu.memory_space<semaphore_mem>>)
      %dma_wait3A_293 = arith.constant 0 : i32
      %dma_wait3A_294 = tpu.memref_slice %arg4[%mul3A_72, %dma_wait3A_293] : memref<65536x128xf32, #tpu.memory_space<hbm>> -> memref<128x128xf32, #tpu.memory_space<hbm>>
      %dma_wait3A_295 = arith.constant 0 : i32
      %dma_wait3A_296 = tpu.memref_slice %arg4[%mul3A_72, %dma_wait3A_295] : memref<65536x128xf32, #tpu.memory_space<hbm>> -> memref<128x128xf32, #tpu.memory_space<hbm>>
      tpu.wait_dma2 semaphore(%run_scoped3A : memref<!tpu.dma_semaphore, #tpu.memory_space<semaphore_mem>>) src(%arg6 : memref<128x128xf32, #tpu.memory_space<vmem>>) dst(%dma_wait3A_296 : memref<128x128xf32, #tpu.memory_space<hbm>>)
      tpu.yield
    }) : () -> ()
    %dma_start3A_73 = arith.constant 4 : i32
    %dma_start3A_74 = arith.constant 0 : i32
    %dma_start3A_75 = tpu.memref_slice %arg5[%dma_start3A_73, %dma_start3A_74] : memref<16x128xi32, #tpu.memory_space<vmem>> -> memref<1x128xi32, #tpu.memory_space<vmem>>
    %dma_start3A_76 = tpu.memref_squeeze %dma_start3A_75 : memref<1x128xi32, #tpu.memory_space<vmem>> -> memref<128xi32, #tpu.memory_space<vmem>>
    %dma_start3A_77 = arith.constant 0 : i32
    %dma_start3A_78 = arith.constant 0 : i32
    %dma_start3A_79 = tpu.memref_slice %arg2[%dma_start3A_77, %dma_start3A_78] : memref<8192x128xf32, #tpu.memory_space<hbm>> -> memref<8192x128xf32, #tpu.memory_space<hbm>>
    tpu.enqueue_indirect_dma source(%dma_start3A_79 : memref<8192x128xf32, #tpu.memory_space<hbm>>) target(%arg6 : memref<128x128xf32, #tpu.memory_space<vmem>>) offsets(%dma_start3A_76 : memref<128xi32, #tpu.memory_space<vmem>>) semaphore(%arg7 : memref<!tpu.dma_semaphore, #tpu.memory_space<semaphore_mem>>)
    %dma_wait3A_80 = arith.constant 4 : i32
    %dma_wait3A_81 = arith.constant 0 : i32
    %dma_wait3A_82 = tpu.memref_slice %arg5[%dma_wait3A_80, %dma_wait3A_81] : memref<16x128xi32, #tpu.memory_space<vmem>> -> memref<1x128xi32, #tpu.memory_space<vmem>>
    %dma_wait3A_83 = tpu.memref_squeeze %dma_wait3A_82 : memref<1x128xi32, #tpu.memory_space<vmem>> -> memref<128xi32, #tpu.memory_space<vmem>>
    %dma_wait3A_84 = arith.constant 0 : i32
    %dma_wait3A_85 = arith.constant 0 : i32
    %dma_wait3A_86 = tpu.memref_slice %arg2[%dma_wait3A_84, %dma_wait3A_85] : memref<8192x128xf32, #tpu.memory_space<hbm>> -> memref<8192x128xf32, #tpu.memory_space<hbm>>
    tpu.wait_indirect_dma semaphore(%arg7 : memref<!tpu.dma_semaphore, #tpu.memory_space<semaphore_mem>>) src(%dma_wait3A_86 : memref<8192x128xf32, #tpu.memory_space<hbm>>) dst(%arg6 : memref<128x128xf32, #tpu.memory_space<vmem>>)
    %add3A_87 = arith.constant 4 : i32
    %add3A_88 = arith.addi %mul3A_2, %add3A_87 : i32
    %mul3A_89 = arith.constant 128 : i32
    %mul3A_90 = arith.muli %add3A_88, %mul3A_89 : i32
    "tpu.region"() ({
      %run_scoped3A = tpu.sem_alloc : memref<!tpu.dma_semaphore, #tpu.memory_space<semaphore_mem>>
      %dma_start3A_289 = arith.constant 0 : i32
      %dma_start3A_290 = tpu.memref_slice %arg4[%mul3A_90, %dma_start3A_289] : memref<65536x128xf32, #tpu.memory_space<hbm>> -> memref<128x128xf32, #tpu.memory_space<hbm>>
      %dma_start3A_291 = arith.constant 0 : i32
      %dma_start3A_292 = tpu.memref_slice %arg4[%mul3A_90, %dma_start3A_291] : memref<65536x128xf32, #tpu.memory_space<hbm>> -> memref<128x128xf32, #tpu.memory_space<hbm>>
      tpu.enqueue_dma source(%arg6 : memref<128x128xf32, #tpu.memory_space<vmem>>) target(%dma_start3A_292 : memref<128x128xf32, #tpu.memory_space<hbm>>) target_semaphore(%run_scoped3A : memref<!tpu.dma_semaphore, #tpu.memory_space<semaphore_mem>>)
      %dma_wait3A_293 = arith.constant 0 : i32
      %dma_wait3A_294 = tpu.memref_slice %arg4[%mul3A_90, %dma_wait3A_293] : memref<65536x128xf32, #tpu.memory_space<hbm>> -> memref<128x128xf32, #tpu.memory_space<hbm>>
      %dma_wait3A_295 = arith.constant 0 : i32
      %dma_wait3A_296 = tpu.memref_slice %arg4[%mul3A_90, %dma_wait3A_295] : memref<65536x128xf32, #tpu.memory_space<hbm>> -> memref<128x128xf32, #tpu.memory_space<hbm>>
      tpu.wait_dma2 semaphore(%run_scoped3A : memref<!tpu.dma_semaphore, #tpu.memory_space<semaphore_mem>>) src(%arg6 : memref<128x128xf32, #tpu.memory_space<vmem>>) dst(%dma_wait3A_296 : memref<128x128xf32, #tpu.memory_space<hbm>>)
      tpu.yield
    }) : () -> ()
    %dma_start3A_91 = arith.constant 5 : i32
    %dma_start3A_92 = arith.constant 0 : i32
    %dma_start3A_93 = tpu.memref_slice %arg5[%dma_start3A_91, %dma_start3A_92] : memref<16x128xi32, #tpu.memory_space<vmem>> -> memref<1x128xi32, #tpu.memory_space<vmem>>
    %dma_start3A_94 = tpu.memref_squeeze %dma_start3A_93 : memref<1x128xi32, #tpu.memory_space<vmem>> -> memref<128xi32, #tpu.memory_space<vmem>>
    %dma_start3A_95 = arith.constant 0 : i32
    %dma_start3A_96 = arith.constant 0 : i32
    %dma_start3A_97 = tpu.memref_slice %arg2[%dma_start3A_95, %dma_start3A_96] : memref<8192x128xf32, #tpu.memory_space<hbm>> -> memref<8192x128xf32, #tpu.memory_space<hbm>>
    tpu.enqueue_indirect_dma source(%dma_start3A_97 : memref<8192x128xf32, #tpu.memory_space<hbm>>) target(%arg6 : memref<128x128xf32, #tpu.memory_space<vmem>>) offsets(%dma_start3A_94 : memref<128xi32, #tpu.memory_space<vmem>>) semaphore(%arg7 : memref<!tpu.dma_semaphore, #tpu.memory_space<semaphore_mem>>)
    %dma_wait3A_98 = arith.constant 5 : i32
    %dma_wait3A_99 = arith.constant 0 : i32
    %dma_wait3A_100 = tpu.memref_slice %arg5[%dma_wait3A_98, %dma_wait3A_99] : memref<16x128xi32, #tpu.memory_space<vmem>> -> memref<1x128xi32, #tpu.memory_space<vmem>>
    %dma_wait3A_101 = tpu.memref_squeeze %dma_wait3A_100 : memref<1x128xi32, #tpu.memory_space<vmem>> -> memref<128xi32, #tpu.memory_space<vmem>>
    %dma_wait3A_102 = arith.constant 0 : i32
    %dma_wait3A_103 = arith.constant 0 : i32
    %dma_wait3A_104 = tpu.memref_slice %arg2[%dma_wait3A_102, %dma_wait3A_103] : memref<8192x128xf32, #tpu.memory_space<hbm>> -> memref<8192x128xf32, #tpu.memory_space<hbm>>
    tpu.wait_indirect_dma semaphore(%arg7 : memref<!tpu.dma_semaphore, #tpu.memory_space<semaphore_mem>>) src(%dma_wait3A_104 : memref<8192x128xf32, #tpu.memory_space<hbm>>) dst(%arg6 : memref<128x128xf32, #tpu.memory_space<vmem>>)
    %add3A_105 = arith.constant 5 : i32
    %add3A_106 = arith.addi %mul3A_2, %add3A_105 : i32
    %mul3A_107 = arith.constant 128 : i32
    %mul3A_108 = arith.muli %add3A_106, %mul3A_107 : i32
    "tpu.region"() ({
      %run_scoped3A = tpu.sem_alloc : memref<!tpu.dma_semaphore, #tpu.memory_space<semaphore_mem>>
      %dma_start3A_289 = arith.constant 0 : i32
      %dma_start3A_290 = tpu.memref_slice %arg4[%mul3A_108, %dma_start3A_289] : memref<65536x128xf32, #tpu.memory_space<hbm>> -> memref<128x128xf32, #tpu.memory_space<hbm>>
      %dma_start3A_291 = arith.constant 0 : i32
      %dma_start3A_292 = tpu.memref_slice %arg4[%mul3A_108, %dma_start3A_291] : memref<65536x128xf32, #tpu.memory_space<hbm>> -> memref<128x128xf32, #tpu.memory_space<hbm>>
      tpu.enqueue_dma source(%arg6 : memref<128x128xf32, #tpu.memory_space<vmem>>) target(%dma_start3A_292 : memref<128x128xf32, #tpu.memory_space<hbm>>) target_semaphore(%run_scoped3A : memref<!tpu.dma_semaphore, #tpu.memory_space<semaphore_mem>>)
      %dma_wait3A_293 = arith.constant 0 : i32
      %dma_wait3A_294 = tpu.memref_slice %arg4[%mul3A_108, %dma_wait3A_293] : memref<65536x128xf32, #tpu.memory_space<hbm>> -> memref<128x128xf32, #tpu.memory_space<hbm>>
      %dma_wait3A_295 = arith.constant 0 : i32
      %dma_wait3A_296 = tpu.memref_slice %arg4[%mul3A_108, %dma_wait3A_295] : memref<65536x128xf32, #tpu.memory_space<hbm>> -> memref<128x128xf32, #tpu.memory_space<hbm>>
      tpu.wait_dma2 semaphore(%run_scoped3A : memref<!tpu.dma_semaphore, #tpu.memory_space<semaphore_mem>>) src(%arg6 : memref<128x128xf32, #tpu.memory_space<vmem>>) dst(%dma_wait3A_296 : memref<128x128xf32, #tpu.memory_space<hbm>>)
      tpu.yield
    }) : () -> ()
    %dma_start3A_109 = arith.constant 6 : i32
    %dma_start3A_110 = arith.constant 0 : i32
    %dma_start3A_111 = tpu.memref_slice %arg5[%dma_start3A_109, %dma_start3A_110] : memref<16x128xi32, #tpu.memory_space<vmem>> -> memref<1x128xi32, #tpu.memory_space<vmem>>
    %dma_start3A_112 = tpu.memref_squeeze %dma_start3A_111 : memref<1x128xi32, #tpu.memory_space<vmem>> -> memref<128xi32, #tpu.memory_space<vmem>>
    %dma_start3A_113 = arith.constant 0 : i32
    %dma_start3A_114 = arith.constant 0 : i32
    %dma_start3A_115 = tpu.memref_slice %arg2[%dma_start3A_113, %dma_start3A_114] : memref<8192x128xf32, #tpu.memory_space<hbm>> -> memref<8192x128xf32, #tpu.memory_space<hbm>>
    tpu.enqueue_indirect_dma source(%dma_start3A_115 : memref<8192x128xf32, #tpu.memory_space<hbm>>) target(%arg6 : memref<128x128xf32, #tpu.memory_space<vmem>>) offsets(%dma_start3A_112 : memref<128xi32, #tpu.memory_space<vmem>>) semaphore(%arg7 : memref<!tpu.dma_semaphore, #tpu.memory_space<semaphore_mem>>)
    %dma_wait3A_116 = arith.constant 6 : i32
    %dma_wait3A_117 = arith.constant 0 : i32
    %dma_wait3A_118 = tpu.memref_slice %arg5[%dma_wait3A_116, %dma_wait3A_117] : memref<16x128xi32, #tpu.memory_space<vmem>> -> memref<1x128xi32, #tpu.memory_space<vmem>>
    %dma_wait3A_119 = tpu.memref_squeeze %dma_wait3A_118 : memref<1x128xi32, #tpu.memory_space<vmem>> -> memref<128xi32, #tpu.memory_space<vmem>>
    %dma_wait3A_120 = arith.constant 0 : i32
    %dma_wait3A_121 = arith.constant 0 : i32
    %dma_wait3A_122 = tpu.memref_slice %arg2[%dma_wait3A_120, %dma_wait3A_121] : memref<8192x128xf32, #tpu.memory_space<hbm>> -> memref<8192x128xf32, #tpu.memory_space<hbm>>
    tpu.wait_indirect_dma semaphore(%arg7 : memref<!tpu.dma_semaphore, #tpu.memory_space<semaphore_mem>>) src(%dma_wait3A_122 : memref<8192x128xf32, #tpu.memory_space<hbm>>) dst(%arg6 : memref<128x128xf32, #tpu.memory_space<vmem>>)
    %add3A_123 = arith.constant 6 : i32
    %add3A_124 = arith.addi %mul3A_2, %add3A_123 : i32
    %mul3A_125 = arith.constant 128 : i32
    %mul3A_126 = arith.muli %add3A_124, %mul3A_125 : i32
    "tpu.region"() ({
      %run_scoped3A = tpu.sem_alloc : memref<!tpu.dma_semaphore, #tpu.memory_space<semaphore_mem>>
      %dma_start3A_289 = arith.constant 0 : i32
      %dma_start3A_290 = tpu.memref_slice %arg4[%mul3A_126, %dma_start3A_289] : memref<65536x128xf32, #tpu.memory_space<hbm>> -> memref<128x128xf32, #tpu.memory_space<hbm>>
      %dma_start3A_291 = arith.constant 0 : i32
      %dma_start3A_292 = tpu.memref_slice %arg4[%mul3A_126, %dma_start3A_291] : memref<65536x128xf32, #tpu.memory_space<hbm>> -> memref<128x128xf32, #tpu.memory_space<hbm>>
      tpu.enqueue_dma source(%arg6 : memref<128x128xf32, #tpu.memory_space<vmem>>) target(%dma_start3A_292 : memref<128x128xf32, #tpu.memory_space<hbm>>) target_semaphore(%run_scoped3A : memref<!tpu.dma_semaphore, #tpu.memory_space<semaphore_mem>>)
      %dma_wait3A_293 = arith.constant 0 : i32
      %dma_wait3A_294 = tpu.memref_slice %arg4[%mul3A_126, %dma_wait3A_293] : memref<65536x128xf32, #tpu.memory_space<hbm>> -> memref<128x128xf32, #tpu.memory_space<hbm>>
      %dma_wait3A_295 = arith.constant 0 : i32
      %dma_wait3A_296 = tpu.memref_slice %arg4[%mul3A_126, %dma_wait3A_295] : memref<65536x128xf32, #tpu.memory_space<hbm>> -> memref<128x128xf32, #tpu.memory_space<hbm>>
      tpu.wait_dma2 semaphore(%run_scoped3A : memref<!tpu.dma_semaphore, #tpu.memory_space<semaphore_mem>>) src(%arg6 : memref<128x128xf32, #tpu.memory_space<vmem>>) dst(%dma_wait3A_296 : memref<128x128xf32, #tpu.memory_space<hbm>>)
      tpu.yield
    }) : () -> ()
    %dma_start3A_127 = arith.constant 7 : i32
    %dma_start3A_128 = arith.constant 0 : i32
    %dma_start3A_129 = tpu.memref_slice %arg5[%dma_start3A_127, %dma_start3A_128] : memref<16x128xi32, #tpu.memory_space<vmem>> -> memref<1x128xi32, #tpu.memory_space<vmem>>
    %dma_start3A_130 = tpu.memref_squeeze %dma_start3A_129 : memref<1x128xi32, #tpu.memory_space<vmem>> -> memref<128xi32, #tpu.memory_space<vmem>>
    %dma_start3A_131 = arith.constant 0 : i32
    %dma_start3A_132 = arith.constant 0 : i32
    %dma_start3A_133 = tpu.memref_slice %arg2[%dma_start3A_131, %dma_start3A_132] : memref<8192x128xf32, #tpu.memory_space<hbm>> -> memref<8192x128xf32, #tpu.memory_space<hbm>>
    tpu.enqueue_indirect_dma source(%dma_start3A_133 : memref<8192x128xf32, #tpu.memory_space<hbm>>) target(%arg6 : memref<128x128xf32, #tpu.memory_space<vmem>>) offsets(%dma_start3A_130 : memref<128xi32, #tpu.memory_space<vmem>>) semaphore(%arg7 : memref<!tpu.dma_semaphore, #tpu.memory_space<semaphore_mem>>)
    %dma_wait3A_134 = arith.constant 7 : i32
    %dma_wait3A_135 = arith.constant 0 : i32
    %dma_wait3A_136 = tpu.memref_slice %arg5[%dma_wait3A_134, %dma_wait3A_135] : memref<16x128xi32, #tpu.memory_space<vmem>> -> memref<1x128xi32, #tpu.memory_space<vmem>>
    %dma_wait3A_137 = tpu.memref_squeeze %dma_wait3A_136 : memref<1x128xi32, #tpu.memory_space<vmem>> -> memref<128xi32, #tpu.memory_space<vmem>>
    %dma_wait3A_138 = arith.constant 0 : i32
    %dma_wait3A_139 = arith.constant 0 : i32
    %dma_wait3A_140 = tpu.memref_slice %arg2[%dma_wait3A_138, %dma_wait3A_139] : memref<8192x128xf32, #tpu.memory_space<hbm>> -> memref<8192x128xf32, #tpu.memory_space<hbm>>
    tpu.wait_indirect_dma semaphore(%arg7 : memref<!tpu.dma_semaphore, #tpu.memory_space<semaphore_mem>>) src(%dma_wait3A_140 : memref<8192x128xf32, #tpu.memory_space<hbm>>) dst(%arg6 : memref<128x128xf32, #tpu.memory_space<vmem>>)
    %add3A_141 = arith.constant 7 : i32
    %add3A_142 = arith.addi %mul3A_2, %add3A_141 : i32
    %mul3A_143 = arith.constant 128 : i32
    %mul3A_144 = arith.muli %add3A_142, %mul3A_143 : i32
    "tpu.region"() ({
      %run_scoped3A = tpu.sem_alloc : memref<!tpu.dma_semaphore, #tpu.memory_space<semaphore_mem>>
      %dma_start3A_289 = arith.constant 0 : i32
      %dma_start3A_290 = tpu.memref_slice %arg4[%mul3A_144, %dma_start3A_289] : memref<65536x128xf32, #tpu.memory_space<hbm>> -> memref<128x128xf32, #tpu.memory_space<hbm>>
      %dma_start3A_291 = arith.constant 0 : i32
      %dma_start3A_292 = tpu.memref_slice %arg4[%mul3A_144, %dma_start3A_291] : memref<65536x128xf32, #tpu.memory_space<hbm>> -> memref<128x128xf32, #tpu.memory_space<hbm>>
      tpu.enqueue_dma source(%arg6 : memref<128x128xf32, #tpu.memory_space<vmem>>) target(%dma_start3A_292 : memref<128x128xf32, #tpu.memory_space<hbm>>) target_semaphore(%run_scoped3A : memref<!tpu.dma_semaphore, #tpu.memory_space<semaphore_mem>>)
      %dma_wait3A_293 = arith.constant 0 : i32
      %dma_wait3A_294 = tpu.memref_slice %arg4[%mul3A_144, %dma_wait3A_293] : memref<65536x128xf32, #tpu.memory_space<hbm>> -> memref<128x128xf32, #tpu.memory_space<hbm>>
      %dma_wait3A_295 = arith.constant 0 : i32
      %dma_wait3A_296 = tpu.memref_slice %arg4[%mul3A_144, %dma_wait3A_295] : memref<65536x128xf32, #tpu.memory_space<hbm>> -> memref<128x128xf32, #tpu.memory_space<hbm>>
      tpu.wait_dma2 semaphore(%run_scoped3A : memref<!tpu.dma_semaphore, #tpu.memory_space<semaphore_mem>>) src(%arg6 : memref<128x128xf32, #tpu.memory_space<vmem>>) dst(%dma_wait3A_296 : memref<128x128xf32, #tpu.memory_space<hbm>>)
      tpu.yield
    }) : () -> ()
    %dma_start3A_145 = arith.constant 8 : i32
    %dma_start3A_146 = arith.constant 0 : i32
    %dma_start3A_147 = tpu.memref_slice %arg5[%dma_start3A_145, %dma_start3A_146] : memref<16x128xi32, #tpu.memory_space<vmem>> -> memref<1x128xi32, #tpu.memory_space<vmem>>
    %dma_start3A_148 = tpu.memref_squeeze %dma_start3A_147 : memref<1x128xi32, #tpu.memory_space<vmem>> -> memref<128xi32, #tpu.memory_space<vmem>>
    %dma_start3A_149 = arith.constant 0 : i32
    %dma_start3A_150 = arith.constant 0 : i32
    %dma_start3A_151 = tpu.memref_slice %arg2[%dma_start3A_149, %dma_start3A_150] : memref<8192x128xf32, #tpu.memory_space<hbm>> -> memref<8192x128xf32, #tpu.memory_space<hbm>>
    tpu.enqueue_indirect_dma source(%dma_start3A_151 : memref<8192x128xf32, #tpu.memory_space<hbm>>) target(%arg6 : memref<128x128xf32, #tpu.memory_space<vmem>>) offsets(%dma_start3A_148 : memref<128xi32, #tpu.memory_space<vmem>>) semaphore(%arg7 : memref<!tpu.dma_semaphore, #tpu.memory_space<semaphore_mem>>)
    %dma_wait3A_152 = arith.constant 8 : i32
    %dma_wait3A_153 = arith.constant 0 : i32
    %dma_wait3A_154 = tpu.memref_slice %arg5[%dma_wait3A_152, %dma_wait3A_153] : memref<16x128xi32, #tpu.memory_space<vmem>> -> memref<1x128xi32, #tpu.memory_space<vmem>>
    %dma_wait3A_155 = tpu.memref_squeeze %dma_wait3A_154 : memref<1x128xi32, #tpu.memory_space<vmem>> -> memref<128xi32, #tpu.memory_space<vmem>>
    %dma_wait3A_156 = arith.constant 0 : i32
    %dma_wait3A_157 = arith.constant 0 : i32
    %dma_wait3A_158 = tpu.memref_slice %arg2[%dma_wait3A_156, %dma_wait3A_157] : memref<8192x128xf32, #tpu.memory_space<hbm>> -> memref<8192x128xf32, #tpu.memory_space<hbm>>
    tpu.wait_indirect_dma semaphore(%arg7 : memref<!tpu.dma_semaphore, #tpu.memory_space<semaphore_mem>>) src(%dma_wait3A_158 : memref<8192x128xf32, #tpu.memory_space<hbm>>) dst(%arg6 : memref<128x128xf32, #tpu.memory_space<vmem>>)
    %add3A_159 = arith.constant 8 : i32
    %add3A_160 = arith.addi %mul3A_2, %add3A_159 : i32
    %mul3A_161 = arith.constant 128 : i32
    %mul3A_162 = arith.muli %add3A_160, %mul3A_161 : i32
    "tpu.region"() ({
      %run_scoped3A = tpu.sem_alloc : memref<!tpu.dma_semaphore, #tpu.memory_space<semaphore_mem>>
      %dma_start3A_289 = arith.constant 0 : i32
      %dma_start3A_290 = tpu.memref_slice %arg4[%mul3A_162, %dma_start3A_289] : memref<65536x128xf32, #tpu.memory_space<hbm>> -> memref<128x128xf32, #tpu.memory_space<hbm>>
      %dma_start3A_291 = arith.constant 0 : i32
      %dma_start3A_292 = tpu.memref_slice %arg4[%mul3A_162, %dma_start3A_291] : memref<65536x128xf32, #tpu.memory_space<hbm>> -> memref<128x128xf32, #tpu.memory_space<hbm>>
      tpu.enqueue_dma source(%arg6 : memref<128x128xf32, #tpu.memory_space<vmem>>) target(%dma_start3A_292 : memref<128x128xf32, #tpu.memory_space<hbm>>) target_semaphore(%run_scoped3A : memref<!tpu.dma_semaphore, #tpu.memory_space<semaphore_mem>>)
      %dma_wait3A_293 = arith.constant 0 : i32
      %dma_wait3A_294 = tpu.memref_slice %arg4[%mul3A_162, %dma_wait3A_293] : memref<65536x128xf32, #tpu.memory_space<hbm>> -> memref<128x128xf32, #tpu.memory_space<hbm>>
      %dma_wait3A_295 = arith.constant 0 : i32
      %dma_wait3A_296 = tpu.memref_slice %arg4[%mul3A_162, %dma_wait3A_295] : memref<65536x128xf32, #tpu.memory_space<hbm>> -> memref<128x128xf32, #tpu.memory_space<hbm>>
      tpu.wait_dma2 semaphore(%run_scoped3A : memref<!tpu.dma_semaphore, #tpu.memory_space<semaphore_mem>>) src(%arg6 : memref<128x128xf32, #tpu.memory_space<vmem>>) dst(%dma_wait3A_296 : memref<128x128xf32, #tpu.memory_space<hbm>>)
      tpu.yield
    }) : () -> ()
    %dma_start3A_163 = arith.constant 9 : i32
    %dma_start3A_164 = arith.constant 0 : i32
    %dma_start3A_165 = tpu.memref_slice %arg5[%dma_start3A_163, %dma_start3A_164] : memref<16x128xi32, #tpu.memory_space<vmem>> -> memref<1x128xi32, #tpu.memory_space<vmem>>
    %dma_start3A_166 = tpu.memref_squeeze %dma_start3A_165 : memref<1x128xi32, #tpu.memory_space<vmem>> -> memref<128xi32, #tpu.memory_space<vmem>>
    %dma_start3A_167 = arith.constant 0 : i32
    %dma_start3A_168 = arith.constant 0 : i32
    %dma_start3A_169 = tpu.memref_slice %arg2[%dma_start3A_167, %dma_start3A_168] : memref<8192x128xf32, #tpu.memory_space<hbm>> -> memref<8192x128xf32, #tpu.memory_space<hbm>>
    tpu.enqueue_indirect_dma source(%dma_start3A_169 : memref<8192x128xf32, #tpu.memory_space<hbm>>) target(%arg6 : memref<128x128xf32, #tpu.memory_space<vmem>>) offsets(%dma_start3A_166 : memref<128xi32, #tpu.memory_space<vmem>>) semaphore(%arg7 : memref<!tpu.dma_semaphore, #tpu.memory_space<semaphore_mem>>)
    %dma_wait3A_170 = arith.constant 9 : i32
    %dma_wait3A_171 = arith.constant 0 : i32
    %dma_wait3A_172 = tpu.memref_slice %arg5[%dma_wait3A_170, %dma_wait3A_171] : memref<16x128xi32, #tpu.memory_space<vmem>> -> memref<1x128xi32, #tpu.memory_space<vmem>>
    %dma_wait3A_173 = tpu.memref_squeeze %dma_wait3A_172 : memref<1x128xi32, #tpu.memory_space<vmem>> -> memref<128xi32, #tpu.memory_space<vmem>>
    %dma_wait3A_174 = arith.constant 0 : i32
    %dma_wait3A_175 = arith.constant 0 : i32
    %dma_wait3A_176 = tpu.memref_slice %arg2[%dma_wait3A_174, %dma_wait3A_175] : memref<8192x128xf32, #tpu.memory_space<hbm>> -> memref<8192x128xf32, #tpu.memory_space<hbm>>
    tpu.wait_indirect_dma semaphore(%arg7 : memref<!tpu.dma_semaphore, #tpu.memory_space<semaphore_mem>>) src(%dma_wait3A_176 : memref<8192x128xf32, #tpu.memory_space<hbm>>) dst(%arg6 : memref<128x128xf32, #tpu.memory_space<vmem>>)
    %add3A_177 = arith.constant 9 : i32
    %add3A_178 = arith.addi %mul3A_2, %add3A_177 : i32
    %mul3A_179 = arith.constant 128 : i32
    %mul3A_180 = arith.muli %add3A_178, %mul3A_179 : i32
    "tpu.region"() ({
      %run_scoped3A = tpu.sem_alloc : memref<!tpu.dma_semaphore, #tpu.memory_space<semaphore_mem>>
      %dma_start3A_289 = arith.constant 0 : i32
      %dma_start3A_290 = tpu.memref_slice %arg4[%mul3A_180, %dma_start3A_289] : memref<65536x128xf32, #tpu.memory_space<hbm>> -> memref<128x128xf32, #tpu.memory_space<hbm>>
      %dma_start3A_291 = arith.constant 0 : i32
      %dma_start3A_292 = tpu.memref_slice %arg4[%mul3A_180, %dma_start3A_291] : memref<65536x128xf32, #tpu.memory_space<hbm>> -> memref<128x128xf32, #tpu.memory_space<hbm>>
      tpu.enqueue_dma source(%arg6 : memref<128x128xf32, #tpu.memory_space<vmem>>) target(%dma_start3A_292 : memref<128x128xf32, #tpu.memory_space<hbm>>) target_semaphore(%run_scoped3A : memref<!tpu.dma_semaphore, #tpu.memory_space<semaphore_mem>>)
      %dma_wait3A_293 = arith.constant 0 : i32
      %dma_wait3A_294 = tpu.memref_slice %arg4[%mul3A_180, %dma_wait3A_293] : memref<65536x128xf32, #tpu.memory_space<hbm>> -> memref<128x128xf32, #tpu.memory_space<hbm>>
      %dma_wait3A_295 = arith.constant 0 : i32
      %dma_wait3A_296 = tpu.memref_slice %arg4[%mul3A_180, %dma_wait3A_295] : memref<65536x128xf32, #tpu.memory_space<hbm>> -> memref<128x128xf32, #tpu.memory_space<hbm>>
      tpu.wait_dma2 semaphore(%run_scoped3A : memref<!tpu.dma_semaphore, #tpu.memory_space<semaphore_mem>>) src(%arg6 : memref<128x128xf32, #tpu.memory_space<vmem>>) dst(%dma_wait3A_296 : memref<128x128xf32, #tpu.memory_space<hbm>>)
      tpu.yield
    }) : () -> ()
    %dma_start3A_181 = arith.constant 10 : i32
    %dma_start3A_182 = arith.constant 0 : i32
    %dma_start3A_183 = tpu.memref_slice %arg5[%dma_start3A_181, %dma_start3A_182] : memref<16x128xi32, #tpu.memory_space<vmem>> -> memref<1x128xi32, #tpu.memory_space<vmem>>
    %dma_start3A_184 = tpu.memref_squeeze %dma_start3A_183 : memref<1x128xi32, #tpu.memory_space<vmem>> -> memref<128xi32, #tpu.memory_space<vmem>>
    %dma_start3A_185 = arith.constant 0 : i32
    %dma_start3A_186 = arith.constant 0 : i32
    %dma_start3A_187 = tpu.memref_slice %arg2[%dma_start3A_185, %dma_start3A_186] : memref<8192x128xf32, #tpu.memory_space<hbm>> -> memref<8192x128xf32, #tpu.memory_space<hbm>>
    tpu.enqueue_indirect_dma source(%dma_start3A_187 : memref<8192x128xf32, #tpu.memory_space<hbm>>) target(%arg6 : memref<128x128xf32, #tpu.memory_space<vmem>>) offsets(%dma_start3A_184 : memref<128xi32, #tpu.memory_space<vmem>>) semaphore(%arg7 : memref<!tpu.dma_semaphore, #tpu.memory_space<semaphore_mem>>)
    %dma_wait3A_188 = arith.constant 10 : i32
    %dma_wait3A_189 = arith.constant 0 : i32
    %dma_wait3A_190 = tpu.memref_slice %arg5[%dma_wait3A_188, %dma_wait3A_189] : memref<16x128xi32, #tpu.memory_space<vmem>> -> memref<1x128xi32, #tpu.memory_space<vmem>>
    %dma_wait3A_191 = tpu.memref_squeeze %dma_wait3A_190 : memref<1x128xi32, #tpu.memory_space<vmem>> -> memref<128xi32, #tpu.memory_space<vmem>>
    %dma_wait3A_192 = arith.constant 0 : i32
    %dma_wait3A_193 = arith.constant 0 : i32
    %dma_wait3A_194 = tpu.memref_slice %arg2[%dma_wait3A_192, %dma_wait3A_193] : memref<8192x128xf32, #tpu.memory_space<hbm>> -> memref<8192x128xf32, #tpu.memory_space<hbm>>
    tpu.wait_indirect_dma semaphore(%arg7 : memref<!tpu.dma_semaphore, #tpu.memory_space<semaphore_mem>>) src(%dma_wait3A_194 : memref<8192x128xf32, #tpu.memory_space<hbm>>) dst(%arg6 : memref<128x128xf32, #tpu.memory_space<vmem>>)
    %add3A_195 = arith.constant 10 : i32
    %add3A_196 = arith.addi %mul3A_2, %add3A_195 : i32
    %mul3A_197 = arith.constant 128 : i32
    %mul3A_198 = arith.muli %add3A_196, %mul3A_197 : i32
    "tpu.region"() ({
      %run_scoped3A = tpu.sem_alloc : memref<!tpu.dma_semaphore, #tpu.memory_space<semaphore_mem>>
      %dma_start3A_289 = arith.constant 0 : i32
      %dma_start3A_290 = tpu.memref_slice %arg4[%mul3A_198, %dma_start3A_289] : memref<65536x128xf32, #tpu.memory_space<hbm>> -> memref<128x128xf32, #tpu.memory_space<hbm>>
      %dma_start3A_291 = arith.constant 0 : i32
      %dma_start3A_292 = tpu.memref_slice %arg4[%mul3A_198, %dma_start3A_291] : memref<65536x128xf32, #tpu.memory_space<hbm>> -> memref<128x128xf32, #tpu.memory_space<hbm>>
      tpu.enqueue_dma source(%arg6 : memref<128x128xf32, #tpu.memory_space<vmem>>) target(%dma_start3A_292 : memref<128x128xf32, #tpu.memory_space<hbm>>) target_semaphore(%run_scoped3A : memref<!tpu.dma_semaphore, #tpu.memory_space<semaphore_mem>>)
      %dma_wait3A_293 = arith.constant 0 : i32
      %dma_wait3A_294 = tpu.memref_slice %arg4[%mul3A_198, %dma_wait3A_293] : memref<65536x128xf32, #tpu.memory_space<hbm>> -> memref<128x128xf32, #tpu.memory_space<hbm>>
      %dma_wait3A_295 = arith.constant 0 : i32
      %dma_wait3A_296 = tpu.memref_slice %arg4[%mul3A_198, %dma_wait3A_295] : memref<65536x128xf32, #tpu.memory_space<hbm>> -> memref<128x128xf32, #tpu.memory_space<hbm>>
      tpu.wait_dma2 semaphore(%run_scoped3A : memref<!tpu.dma_semaphore, #tpu.memory_space<semaphore_mem>>) src(%arg6 : memref<128x128xf32, #tpu.memory_space<vmem>>) dst(%dma_wait3A_296 : memref<128x128xf32, #tpu.memory_space<hbm>>)
      tpu.yield
    }) : () -> ()
    %dma_start3A_199 = arith.constant 11 : i32
    %dma_start3A_200 = arith.constant 0 : i32
    %dma_start3A_201 = tpu.memref_slice %arg5[%dma_start3A_199, %dma_start3A_200] : memref<16x128xi32, #tpu.memory_space<vmem>> -> memref<1x128xi32, #tpu.memory_space<vmem>>
    %dma_start3A_202 = tpu.memref_squeeze %dma_start3A_201 : memref<1x128xi32, #tpu.memory_space<vmem>> -> memref<128xi32, #tpu.memory_space<vmem>>
    %dma_start3A_203 = arith.constant 0 : i32
    %dma_start3A_204 = arith.constant 0 : i32
    %dma_start3A_205 = tpu.memref_slice %arg2[%dma_start3A_203, %dma_start3A_204] : memref<8192x128xf32, #tpu.memory_space<hbm>> -> memref<8192x128xf32, #tpu.memory_space<hbm>>
    tpu.enqueue_indirect_dma source(%dma_start3A_205 : memref<8192x128xf32, #tpu.memory_space<hbm>>) target(%arg6 : memref<128x128xf32, #tpu.memory_space<vmem>>) offsets(%dma_start3A_202 : memref<128xi32, #tpu.memory_space<vmem>>) semaphore(%arg7 : memref<!tpu.dma_semaphore, #tpu.memory_space<semaphore_mem>>)
    %dma_wait3A_206 = arith.constant 11 : i32
    %dma_wait3A_207 = arith.constant 0 : i32
    %dma_wait3A_208 = tpu.memref_slice %arg5[%dma_wait3A_206, %dma_wait3A_207] : memref<16x128xi32, #tpu.memory_space<vmem>> -> memref<1x128xi32, #tpu.memory_space<vmem>>
    %dma_wait3A_209 = tpu.memref_squeeze %dma_wait3A_208 : memref<1x128xi32, #tpu.memory_space<vmem>> -> memref<128xi32, #tpu.memory_space<vmem>>
    %dma_wait3A_210 = arith.constant 0 : i32
    %dma_wait3A_211 = arith.constant 0 : i32
    %dma_wait3A_212 = tpu.memref_slice %arg2[%dma_wait3A_210, %dma_wait3A_211] : memref<8192x128xf32, #tpu.memory_space<hbm>> -> memref<8192x128xf32, #tpu.memory_space<hbm>>
    tpu.wait_indirect_dma semaphore(%arg7 : memref<!tpu.dma_semaphore, #tpu.memory_space<semaphore_mem>>) src(%dma_wait3A_212 : memref<8192x128xf32, #tpu.memory_space<hbm>>) dst(%arg6 : memref<128x128xf32, #tpu.memory_space<vmem>>)
    %add3A_213 = arith.constant 11 : i32
    %add3A_214 = arith.addi %mul3A_2, %add3A_213 : i32
    %mul3A_215 = arith.constant 128 : i32
    %mul3A_216 = arith.muli %add3A_214, %mul3A_215 : i32
    "tpu.region"() ({
      %run_scoped3A = tpu.sem_alloc : memref<!tpu.dma_semaphore, #tpu.memory_space<semaphore_mem>>
      %dma_start3A_289 = arith.constant 0 : i32
      %dma_start3A_290 = tpu.memref_slice %arg4[%mul3A_216, %dma_start3A_289] : memref<65536x128xf32, #tpu.memory_space<hbm>> -> memref<128x128xf32, #tpu.memory_space<hbm>>
      %dma_start3A_291 = arith.constant 0 : i32
      %dma_start3A_292 = tpu.memref_slice %arg4[%mul3A_216, %dma_start3A_291] : memref<65536x128xf32, #tpu.memory_space<hbm>> -> memref<128x128xf32, #tpu.memory_space<hbm>>
      tpu.enqueue_dma source(%arg6 : memref<128x128xf32, #tpu.memory_space<vmem>>) target(%dma_start3A_292 : memref<128x128xf32, #tpu.memory_space<hbm>>) target_semaphore(%run_scoped3A : memref<!tpu.dma_semaphore, #tpu.memory_space<semaphore_mem>>)
      %dma_wait3A_293 = arith.constant 0 : i32
      %dma_wait3A_294 = tpu.memref_slice %arg4[%mul3A_216, %dma_wait3A_293] : memref<65536x128xf32, #tpu.memory_space<hbm>> -> memref<128x128xf32, #tpu.memory_space<hbm>>
      %dma_wait3A_295 = arith.constant 0 : i32
      %dma_wait3A_296 = tpu.memref_slice %arg4[%mul3A_216, %dma_wait3A_295] : memref<65536x128xf32, #tpu.memory_space<hbm>> -> memref<128x128xf32, #tpu.memory_space<hbm>>
      tpu.wait_dma2 semaphore(%run_scoped3A : memref<!tpu.dma_semaphore, #tpu.memory_space<semaphore_mem>>) src(%arg6 : memref<128x128xf32, #tpu.memory_space<vmem>>) dst(%dma_wait3A_296 : memref<128x128xf32, #tpu.memory_space<hbm>>)
      tpu.yield
    }) : () -> ()
    %dma_start3A_217 = arith.constant 12 : i32
    %dma_start3A_218 = arith.constant 0 : i32
    %dma_start3A_219 = tpu.memref_slice %arg5[%dma_start3A_217, %dma_start3A_218] : memref<16x128xi32, #tpu.memory_space<vmem>> -> memref<1x128xi32, #tpu.memory_space<vmem>>
    %dma_start3A_220 = tpu.memref_squeeze %dma_start3A_219 : memref<1x128xi32, #tpu.memory_space<vmem>> -> memref<128xi32, #tpu.memory_space<vmem>>
    %dma_start3A_221 = arith.constant 0 : i32
    %dma_start3A_222 = arith.constant 0 : i32
    %dma_start3A_223 = tpu.memref_slice %arg2[%dma_start3A_221, %dma_start3A_222] : memref<8192x128xf32, #tpu.memory_space<hbm>> -> memref<8192x128xf32, #tpu.memory_space<hbm>>
    tpu.enqueue_indirect_dma source(%dma_start3A_223 : memref<8192x128xf32, #tpu.memory_space<hbm>>) target(%arg6 : memref<128x128xf32, #tpu.memory_space<vmem>>) offsets(%dma_start3A_220 : memref<128xi32, #tpu.memory_space<vmem>>) semaphore(%arg7 : memref<!tpu.dma_semaphore, #tpu.memory_space<semaphore_mem>>)
    %dma_wait3A_224 = arith.constant 12 : i32
    %dma_wait3A_225 = arith.constant 0 : i32
    %dma_wait3A_226 = tpu.memref_slice %arg5[%dma_wait3A_224, %dma_wait3A_225] : memref<16x128xi32, #tpu.memory_space<vmem>> -> memref<1x128xi32, #tpu.memory_space<vmem>>
    %dma_wait3A_227 = tpu.memref_squeeze %dma_wait3A_226 : memref<1x128xi32, #tpu.memory_space<vmem>> -> memref<128xi32, #tpu.memory_space<vmem>>
    %dma_wait3A_228 = arith.constant 0 : i32
    %dma_wait3A_229 = arith.constant 0 : i32
    %dma_wait3A_230 = tpu.memref_slice %arg2[%dma_wait3A_228, %dma_wait3A_229] : memref<8192x128xf32, #tpu.memory_space<hbm>> -> memref<8192x128xf32, #tpu.memory_space<hbm>>
    tpu.wait_indirect_dma semaphore(%arg7 : memref<!tpu.dma_semaphore, #tpu.memory_space<semaphore_mem>>) src(%dma_wait3A_230 : memref<8192x128xf32, #tpu.memory_space<hbm>>) dst(%arg6 : memref<128x128xf32, #tpu.memory_space<vmem>>)
    %add3A_231 = arith.constant 12 : i32
    %add3A_232 = arith.addi %mul3A_2, %add3A_231 : i32
    %mul3A_233 = arith.constant 128 : i32
    %mul3A_234 = arith.muli %add3A_232, %mul3A_233 : i32
    "tpu.region"() ({
      %run_scoped3A = tpu.sem_alloc : memref<!tpu.dma_semaphore, #tpu.memory_space<semaphore_mem>>
      %dma_start3A_289 = arith.constant 0 : i32
      %dma_start3A_290 = tpu.memref_slice %arg4[%mul3A_234, %dma_start3A_289] : memref<65536x128xf32, #tpu.memory_space<hbm>> -> memref<128x128xf32, #tpu.memory_space<hbm>>
      %dma_start3A_291 = arith.constant 0 : i32
      %dma_start3A_292 = tpu.memref_slice %arg4[%mul3A_234, %dma_start3A_291] : memref<65536x128xf32, #tpu.memory_space<hbm>> -> memref<128x128xf32, #tpu.memory_space<hbm>>
      tpu.enqueue_dma source(%arg6 : memref<128x128xf32, #tpu.memory_space<vmem>>) target(%dma_start3A_292 : memref<128x128xf32, #tpu.memory_space<hbm>>) target_semaphore(%run_scoped3A : memref<!tpu.dma_semaphore, #tpu.memory_space<semaphore_mem>>)
      %dma_wait3A_293 = arith.constant 0 : i32
      %dma_wait3A_294 = tpu.memref_slice %arg4[%mul3A_234, %dma_wait3A_293] : memref<65536x128xf32, #tpu.memory_space<hbm>> -> memref<128x128xf32, #tpu.memory_space<hbm>>
      %dma_wait3A_295 = arith.constant 0 : i32
      %dma_wait3A_296 = tpu.memref_slice %arg4[%mul3A_234, %dma_wait3A_295] : memref<65536x128xf32, #tpu.memory_space<hbm>> -> memref<128x128xf32, #tpu.memory_space<hbm>>
      tpu.wait_dma2 semaphore(%run_scoped3A : memref<!tpu.dma_semaphore, #tpu.memory_space<semaphore_mem>>) src(%arg6 : memref<128x128xf32, #tpu.memory_space<vmem>>) dst(%dma_wait3A_296 : memref<128x128xf32, #tpu.memory_space<hbm>>)
      tpu.yield
    }) : () -> ()
    %dma_start3A_235 = arith.constant 13 : i32
    %dma_start3A_236 = arith.constant 0 : i32
    %dma_start3A_237 = tpu.memref_slice %arg5[%dma_start3A_235, %dma_start3A_236] : memref<16x128xi32, #tpu.memory_space<vmem>> -> memref<1x128xi32, #tpu.memory_space<vmem>>
    %dma_start3A_238 = tpu.memref_squeeze %dma_start3A_237 : memref<1x128xi32, #tpu.memory_space<vmem>> -> memref<128xi32, #tpu.memory_space<vmem>>
    %dma_start3A_239 = arith.constant 0 : i32
    %dma_start3A_240 = arith.constant 0 : i32
    %dma_start3A_241 = tpu.memref_slice %arg2[%dma_start3A_239, %dma_start3A_240] : memref<8192x128xf32, #tpu.memory_space<hbm>> -> memref<8192x128xf32, #tpu.memory_space<hbm>>
    tpu.enqueue_indirect_dma source(%dma_start3A_241 : memref<8192x128xf32, #tpu.memory_space<hbm>>) target(%arg6 : memref<128x128xf32, #tpu.memory_space<vmem>>) offsets(%dma_start3A_238 : memref<128xi32, #tpu.memory_space<vmem>>) semaphore(%arg7 : memref<!tpu.dma_semaphore, #tpu.memory_space<semaphore_mem>>)
    %dma_wait3A_242 = arith.constant 13 : i32
    %dma_wait3A_243 = arith.constant 0 : i32
    %dma_wait3A_244 = tpu.memref_slice %arg5[%dma_wait3A_242, %dma_wait3A_243] : memref<16x128xi32, #tpu.memory_space<vmem>> -> memref<1x128xi32, #tpu.memory_space<vmem>>
    %dma_wait3A_245 = tpu.memref_squeeze %dma_wait3A_244 : memref<1x128xi32, #tpu.memory_space<vmem>> -> memref<128xi32, #tpu.memory_space<vmem>>
    %dma_wait3A_246 = arith.constant 0 : i32
    %dma_wait3A_247 = arith.constant 0 : i32
    %dma_wait3A_248 = tpu.memref_slice %arg2[%dma_wait3A_246, %dma_wait3A_247] : memref<8192x128xf32, #tpu.memory_space<hbm>> -> memref<8192x128xf32, #tpu.memory_space<hbm>>
    tpu.wait_indirect_dma semaphore(%arg7 : memref<!tpu.dma_semaphore, #tpu.memory_space<semaphore_mem>>) src(%dma_wait3A_248 : memref<8192x128xf32, #tpu.memory_space<hbm>>) dst(%arg6 : memref<128x128xf32, #tpu.memory_space<vmem>>)
    %add3A_249 = arith.constant 13 : i32
    %add3A_250 = arith.addi %mul3A_2, %add3A_249 : i32
    %mul3A_251 = arith.constant 128 : i32
    %mul3A_252 = arith.muli %add3A_250, %mul3A_251 : i32
    "tpu.region"() ({
      %run_scoped3A = tpu.sem_alloc : memref<!tpu.dma_semaphore, #tpu.memory_space<semaphore_mem>>
      %dma_start3A_289 = arith.constant 0 : i32
      %dma_start3A_290 = tpu.memref_slice %arg4[%mul3A_252, %dma_start3A_289] : memref<65536x128xf32, #tpu.memory_space<hbm>> -> memref<128x128xf32, #tpu.memory_space<hbm>>
      %dma_start3A_291 = arith.constant 0 : i32
      %dma_start3A_292 = tpu.memref_slice %arg4[%mul3A_252, %dma_start3A_291] : memref<65536x128xf32, #tpu.memory_space<hbm>> -> memref<128x128xf32, #tpu.memory_space<hbm>>
      tpu.enqueue_dma source(%arg6 : memref<128x128xf32, #tpu.memory_space<vmem>>) target(%dma_start3A_292 : memref<128x128xf32, #tpu.memory_space<hbm>>) target_semaphore(%run_scoped3A : memref<!tpu.dma_semaphore, #tpu.memory_space<semaphore_mem>>)
      %dma_wait3A_293 = arith.constant 0 : i32
      %dma_wait3A_294 = tpu.memref_slice %arg4[%mul3A_252, %dma_wait3A_293] : memref<65536x128xf32, #tpu.memory_space<hbm>> -> memref<128x128xf32, #tpu.memory_space<hbm>>
      %dma_wait3A_295 = arith.constant 0 : i32
      %dma_wait3A_296 = tpu.memref_slice %arg4[%mul3A_252, %dma_wait3A_295] : memref<65536x128xf32, #tpu.memory_space<hbm>> -> memref<128x128xf32, #tpu.memory_space<hbm>>
      tpu.wait_dma2 semaphore(%run_scoped3A : memref<!tpu.dma_semaphore, #tpu.memory_space<semaphore_mem>>) src(%arg6 : memref<128x128xf32, #tpu.memory_space<vmem>>) dst(%dma_wait3A_296 : memref<128x128xf32, #tpu.memory_space<hbm>>)
      tpu.yield
    }) : () -> ()
    %dma_start3A_253 = arith.constant 14 : i32
    %dma_start3A_254 = arith.constant 0 : i32
    %dma_start3A_255 = tpu.memref_slice %arg5[%dma_start3A_253, %dma_start3A_254] : memref<16x128xi32, #tpu.memory_space<vmem>> -> memref<1x128xi32, #tpu.memory_space<vmem>>
    %dma_start3A_256 = tpu.memref_squeeze %dma_start3A_255 : memref<1x128xi32, #tpu.memory_space<vmem>> -> memref<128xi32, #tpu.memory_space<vmem>>
    %dma_start3A_257 = arith.constant 0 : i32
    %dma_start3A_258 = arith.constant 0 : i32
    %dma_start3A_259 = tpu.memref_slice %arg2[%dma_start3A_257, %dma_start3A_258] : memref<8192x128xf32, #tpu.memory_space<hbm>> -> memref<8192x128xf32, #tpu.memory_space<hbm>>
    tpu.enqueue_indirect_dma source(%dma_start3A_259 : memref<8192x128xf32, #tpu.memory_space<hbm>>) target(%arg6 : memref<128x128xf32, #tpu.memory_space<vmem>>) offsets(%dma_start3A_256 : memref<128xi32, #tpu.memory_space<vmem>>) semaphore(%arg7 : memref<!tpu.dma_semaphore, #tpu.memory_space<semaphore_mem>>)
    %dma_wait3A_260 = arith.constant 14 : i32
    %dma_wait3A_261 = arith.constant 0 : i32
    %dma_wait3A_262 = tpu.memref_slice %arg5[%dma_wait3A_260, %dma_wait3A_261] : memref<16x128xi32, #tpu.memory_space<vmem>> -> memref<1x128xi32, #tpu.memory_space<vmem>>
    %dma_wait3A_263 = tpu.memref_squeeze %dma_wait3A_262 : memref<1x128xi32, #tpu.memory_space<vmem>> -> memref<128xi32, #tpu.memory_space<vmem>>
    %dma_wait3A_264 = arith.constant 0 : i32
    %dma_wait3A_265 = arith.constant 0 : i32
    %dma_wait3A_266 = tpu.memref_slice %arg2[%dma_wait3A_264, %dma_wait3A_265] : memref<8192x128xf32, #tpu.memory_space<hbm>> -> memref<8192x128xf32, #tpu.memory_space<hbm>>
    tpu.wait_indirect_dma semaphore(%arg7 : memref<!tpu.dma_semaphore, #tpu.memory_space<semaphore_mem>>) src(%dma_wait3A_266 : memref<8192x128xf32, #tpu.memory_space<hbm>>) dst(%arg6 : memref<128x128xf32, #tpu.memory_space<vmem>>)
    %add3A_267 = arith.constant 14 : i32
    %add3A_268 = arith.addi %mul3A_2, %add3A_267 : i32
    %mul3A_269 = arith.constant 128 : i32
    %mul3A_270 = arith.muli %add3A_268, %mul3A_269 : i32
    "tpu.region"() ({
      %run_scoped3A = tpu.sem_alloc : memref<!tpu.dma_semaphore, #tpu.memory_space<semaphore_mem>>
      %dma_start3A_289 = arith.constant 0 : i32
      %dma_start3A_290 = tpu.memref_slice %arg4[%mul3A_270, %dma_start3A_289] : memref<65536x128xf32, #tpu.memory_space<hbm>> -> memref<128x128xf32, #tpu.memory_space<hbm>>
      %dma_start3A_291 = arith.constant 0 : i32
      %dma_start3A_292 = tpu.memref_slice %arg4[%mul3A_270, %dma_start3A_291] : memref<65536x128xf32, #tpu.memory_space<hbm>> -> memref<128x128xf32, #tpu.memory_space<hbm>>
      tpu.enqueue_dma source(%arg6 : memref<128x128xf32, #tpu.memory_space<vmem>>) target(%dma_start3A_292 : memref<128x128xf32, #tpu.memory_space<hbm>>) target_semaphore(%run_scoped3A : memref<!tpu.dma_semaphore, #tpu.memory_space<semaphore_mem>>)
      %dma_wait3A_293 = arith.constant 0 : i32
      %dma_wait3A_294 = tpu.memref_slice %arg4[%mul3A_270, %dma_wait3A_293] : memref<65536x128xf32, #tpu.memory_space<hbm>> -> memref<128x128xf32, #tpu.memory_space<hbm>>
      %dma_wait3A_295 = arith.constant 0 : i32
      %dma_wait3A_296 = tpu.memref_slice %arg4[%mul3A_270, %dma_wait3A_295] : memref<65536x128xf32, #tpu.memory_space<hbm>> -> memref<128x128xf32, #tpu.memory_space<hbm>>
      tpu.wait_dma2 semaphore(%run_scoped3A : memref<!tpu.dma_semaphore, #tpu.memory_space<semaphore_mem>>) src(%arg6 : memref<128x128xf32, #tpu.memory_space<vmem>>) dst(%dma_wait3A_296 : memref<128x128xf32, #tpu.memory_space<hbm>>)
      tpu.yield
    }) : () -> ()
    %dma_start3A_271 = arith.constant 15 : i32
    %dma_start3A_272 = arith.constant 0 : i32
    %dma_start3A_273 = tpu.memref_slice %arg5[%dma_start3A_271, %dma_start3A_272] : memref<16x128xi32, #tpu.memory_space<vmem>> -> memref<1x128xi32, #tpu.memory_space<vmem>>
    %dma_start3A_274 = tpu.memref_squeeze %dma_start3A_273 : memref<1x128xi32, #tpu.memory_space<vmem>> -> memref<128xi32, #tpu.memory_space<vmem>>
    %dma_start3A_275 = arith.constant 0 : i32
    %dma_start3A_276 = arith.constant 0 : i32
    %dma_start3A_277 = tpu.memref_slice %arg2[%dma_start3A_275, %dma_start3A_276] : memref<8192x128xf32, #tpu.memory_space<hbm>> -> memref<8192x128xf32, #tpu.memory_space<hbm>>
    tpu.enqueue_indirect_dma source(%dma_start3A_277 : memref<8192x128xf32, #tpu.memory_space<hbm>>) target(%arg6 : memref<128x128xf32, #tpu.memory_space<vmem>>) offsets(%dma_start3A_274 : memref<128xi32, #tpu.memory_space<vmem>>) semaphore(%arg7 : memref<!tpu.dma_semaphore, #tpu.memory_space<semaphore_mem>>)
    %dma_wait3A_278 = arith.constant 15 : i32
    %dma_wait3A_279 = arith.constant 0 : i32
    %dma_wait3A_280 = tpu.memref_slice %arg5[%dma_wait3A_278, %dma_wait3A_279] : memref<16x128xi32, #tpu.memory_space<vmem>> -> memref<1x128xi32, #tpu.memory_space<vmem>>
    %dma_wait3A_281 = tpu.memref_squeeze %dma_wait3A_280 : memref<1x128xi32, #tpu.memory_space<vmem>> -> memref<128xi32, #tpu.memory_space<vmem>>
    %dma_wait3A_282 = arith.constant 0 : i32
    %dma_wait3A_283 = arith.constant 0 : i32
    %dma_wait3A_284 = tpu.memref_slice %arg2[%dma_wait3A_282, %dma_wait3A_283] : memref<8192x128xf32, #tpu.memory_space<hbm>> -> memref<8192x128xf32, #tpu.memory_space<hbm>>
    tpu.wait_indirect_dma semaphore(%arg7 : memref<!tpu.dma_semaphore, #tpu.memory_space<semaphore_mem>>) src(%dma_wait3A_284 : memref<8192x128xf32, #tpu.memory_space<hbm>>) dst(%arg6 : memref<128x128xf32, #tpu.memory_space<vmem>>)
    %add3A_285 = arith.constant 15 : i32
    %add3A_286 = arith.addi %mul3A_2, %add3A_285 : i32
    %mul3A_287 = arith.constant 128 : i32
    %mul3A_288 = arith.muli %add3A_286, %mul3A_287 : i32
    "tpu.region"() ({
      %run_scoped3A = tpu.sem_alloc : memref<!tpu.dma_semaphore, #tpu.memory_space<semaphore_mem>>
      %dma_start3A_289 = arith.constant 0 : i32
      %dma_start3A_290 = tpu.memref_slice %arg4[%mul3A_288, %dma_start3A_289] : memref<65536x128xf32, #tpu.memory_space<hbm>> -> memref<128x128xf32, #tpu.memory_space<hbm>>
      %dma_start3A_291 = arith.constant 0 : i32
      %dma_start3A_292 = tpu.memref_slice %arg4[%mul3A_288, %dma_start3A_291] : memref<65536x128xf32, #tpu.memory_space<hbm>> -> memref<128x128xf32, #tpu.memory_space<hbm>>
      tpu.enqueue_dma source(%arg6 : memref<128x128xf32, #tpu.memory_space<vmem>>) target(%dma_start3A_292 : memref<128x128xf32, #tpu.memory_space<hbm>>) target_semaphore(%run_scoped3A : memref<!tpu.dma_semaphore, #tpu.memory_space<semaphore_mem>>)
      %dma_wait3A_293 = arith.constant 0 : i32
      %dma_wait3A_294 = tpu.memref_slice %arg4[%mul3A_288, %dma_wait3A_293] : memref<65536x128xf32, #tpu.memory_space<hbm>> -> memref<128x128xf32, #tpu.memory_space<hbm>>
      %dma_wait3A_295 = arith.constant 0 : i32
      %dma_wait3A_296 = tpu.memref_slice %arg4[%mul3A_288, %dma_wait3A_295] : memref<65536x128xf32, #tpu.memory_space<hbm>> -> memref<128x128xf32, #tpu.memory_space<hbm>>
      tpu.wait_dma2 semaphore(%run_scoped3A : memref<!tpu.dma_semaphore, #tpu.memory_space<semaphore_mem>>) src(%arg6 : memref<128x128xf32, #tpu.memory_space<vmem>>) dst(%dma_wait3A_296 : memref<128x128xf32, #tpu.memory_space<hbm>>)
      tpu.yield
    }) : () -> ()
    return
  }
}

#map = affine_map<(d0, d1) -> (0, 0)>
module attributes {stable_mosaic.version = 14 : i64} {
  func.func @body(%arg0: i32, %arg1: i32, %arg2: memref<8192x128xf32, #tpu.memory_space<hbm>>, %arg3: memref<512x128xi32, #tpu.memory_space<hbm>>, %arg4: memref<65536x128xf32, #tpu.memory_space<hbm>>, %arg5: memref<16x128xi32, #tpu.memory_space<vmem>>, %arg6: memref<128x128xf32, #tpu.memory_space<vmem>>, %arg7: memref<!tpu.dma_semaphore, #tpu.memory_space<semaphore_mem>>) attributes {dimension_semantics = [#tpu.dimension_semantics<core_parallel>, #tpu.dimension_semantics<subcore_parallel>], iteration_bounds = array<i64: 2, 16>, scalar_prefetch = 0 : i64, scratch_operands = 3 : i64, tpu.core_type = #tpu.core_type<sc_vector_subcore>, window_params = [{transform_indices = #map}, {transform_indices = #map}, {transform_indices = #map}]} {
    %mul3A = arith.constant 2 : i32
    %mul3A_0 = arith.muli %arg1, %mul3A : i32
    %add3A = arith.addi %mul3A_0, %arg0 : i32
    %mul3A_1 = arith.constant 16 : i32
    %mul3A_2 = arith.muli %add3A, %mul3A_1 : i32
    "tpu.region"() ({
      %run_scoped3A = tpu.sem_alloc : memref<!tpu.dma_semaphore, #tpu.memory_space<semaphore_mem>>
      %dma_start3A_289 = arith.constant 0 : i32
      %dma_start3A_290 = tpu.memref_slice %arg3[%mul3A_2, %dma_start3A_289] : memref<512x128xi32, #tpu.memory_space<hbm>> -> memref<16x128xi32, #tpu.memory_space<hbm>>
      %dma_start3A_291 = arith.constant 0 : i32
      %dma_start3A_292 = tpu.memref_slice %arg3[%mul3A_2, %dma_start3A_291] : memref<512x128xi32, #tpu.memory_space<hbm>> -> memref<16x128xi32, #tpu.memory_space<hbm>>
      tpu.enqueue_dma source(%dma_start3A_292 : memref<16x128xi32, #tpu.memory_space<hbm>>) target(%arg5 : memref<16x128xi32, #tpu.memory_space<vmem>>) target_semaphore(%run_scoped3A : memref<!tpu.dma_semaphore, #tpu.memory_space<semaphore_mem>>)
      %dma_wait3A_293 = arith.constant 0 : i32
      %dma_wait3A_294 = tpu.memref_slice %arg3[%mul3A_2, %dma_wait3A_293] : memref<512x128xi32, #tpu.memory_space<hbm>> -> memref<16x128xi32, #tpu.memory_space<hbm>>
      %dma_wait3A_295 = arith.constant 0 : i32
      %dma_wait3A_296 = tpu.memref_slice %arg3[%mul3A_2, %dma_wait3A_295] : memref<512x128xi32, #tpu.memory_space<hbm>> -> memref<16x128xi32, #tpu.memory_space<hbm>>
      tpu.wait_dma2 semaphore(%run_scoped3A : memref<!tpu.dma_semaphore, #tpu.memory_space<semaphore_mem>>) src(%dma_wait3A_296 : memref<16x128xi32, #tpu.memory_space<hbm>>) dst(%arg5 : memref<16x128xi32, #tpu.memory_space<vmem>>)
      tpu.yield
    }) : () -> ()
    %dma_start3A = arith.constant 0 : i32
    %dma_start3A_3 = arith.constant 0 : i32
    %dma_start3A_4 = tpu.memref_slice %arg5[%dma_start3A, %dma_start3A_3] : memref<16x128xi32, #tpu.memory_space<vmem>> -> memref<1x128xi32, #tpu.memory_space<vmem>>
    %dma_start3A_5 = tpu.memref_squeeze %dma_start3A_4 : memref<1x128xi32, #tpu.memory_space<vmem>> -> memref<128xi32, #tpu.memory_space<vmem>>
    %dma_start3A_6 = arith.constant 0 : i32
    %dma_start3A_7 = arith.constant 0 : i32
    %dma_start3A_8 = tpu.memref_slice %arg2[%dma_start3A_6, %dma_start3A_7] : memref<8192x128xf32, #tpu.memory_space<hbm>> -> memref<8192x128xf32, #tpu.memory_space<hbm>>
    tpu.enqueue_indirect_dma source(%dma_start3A_8 : memref<8192x128xf32, #tpu.memory_space<hbm>>) target(%arg6 : memref<128x128xf32, #tpu.memory_space<vmem>>) offsets(%dma_start3A_5 : memref<128xi32, #tpu.memory_space<vmem>>) semaphore(%arg7 : memref<!tpu.dma_semaphore, #tpu.memory_space<semaphore_mem>>)
    %dma_wait3A = arith.constant 0 : i32
    %dma_wait3A_9 = arith.constant 0 : i32
    %dma_wait3A_10 = tpu.memref_slice %arg5[%dma_wait3A, %dma_wait3A_9] : memref<16x128xi32, #tpu.memory_space<vmem>> -> memref<1x128xi32, #tpu.memory_space<vmem>>
    %dma_wait3A_11 = tpu.memref_squeeze %dma_wait3A_10 : memref<1x128xi32, #tpu.memory_space<vmem>> -> memref<128xi32, #tpu.memory_space<vmem>>
    %dma_wait3A_12 = arith.constant 0 : i32
    %dma_wait3A_13 = arith.constant 0 : i32
    %dma_wait3A_14 = tpu.memref_slice %arg2[%dma_wait3A_12, %dma_wait3A_13] : memref<8192x128xf32, #tpu.memory_space<hbm>> -> memref<8192x128xf32, #tpu.memory_space<hbm>>
    tpu.wait_indirect_dma semaphore(%arg7 : memref<!tpu.dma_semaphore, #tpu.memory_space<semaphore_mem>>) src(%dma_wait3A_14 : memref<8192x128xf32, #tpu.memory_space<hbm>>) dst(%arg6 : memref<128x128xf32, #tpu.memory_space<vmem>>)
    %add3A_15 = arith.constant 0 : i32
    %add3A_16 = arith.addi %mul3A_2, %add3A_15 : i32
    %mul3A_17 = arith.constant 128 : i32
    %mul3A_18 = arith.muli %add3A_16, %mul3A_17 : i32
    "tpu.region"() ({
      %run_scoped3A = tpu.sem_alloc : memref<!tpu.dma_semaphore, #tpu.memory_space<semaphore_mem>>
      %dma_start3A_289 = arith.constant 0 : i32
      %dma_start3A_290 = tpu.memref_slice %arg4[%mul3A_18, %dma_start3A_289] : memref<65536x128xf32, #tpu.memory_space<hbm>> -> memref<128x128xf32, #tpu.memory_space<hbm>>
      %dma_start3A_291 = arith.constant 0 : i32
      %dma_start3A_292 = tpu.memref_slice %arg4[%mul3A_18, %dma_start3A_291] : memref<65536x128xf32, #tpu.memory_space<hbm>> -> memref<128x128xf32, #tpu.memory_space<hbm>>
      tpu.enqueue_dma source(%arg6 : memref<128x128xf32, #tpu.memory_space<vmem>>) target(%dma_start3A_292 : memref<128x128xf32, #tpu.memory_space<hbm>>) target_semaphore(%run_scoped3A : memref<!tpu.dma_semaphore, #tpu.memory_space<semaphore_mem>>)
      %dma_wait3A_293 = arith.constant 0 : i32
      %dma_wait3A_294 = tpu.memref_slice %arg4[%mul3A_18, %dma_wait3A_293] : memref<65536x128xf32, #tpu.memory_space<hbm>> -> memref<128x128xf32, #tpu.memory_space<hbm>>
      %dma_wait3A_295 = arith.constant 0 : i32
      %dma_wait3A_296 = tpu.memref_slice %arg4[%mul3A_18, %dma_wait3A_295] : memref<65536x128xf32, #tpu.memory_space<hbm>> -> memref<128x128xf32, #tpu.memory_space<hbm>>
      tpu.wait_dma2 semaphore(%run_scoped3A : memref<!tpu.dma_semaphore, #tpu.memory_space<semaphore_mem>>) src(%arg6 : memref<128x128xf32, #tpu.memory_space<vmem>>) dst(%dma_wait3A_296 : memref<128x128xf32, #tpu.memory_space<hbm>>)
      tpu.yield
    }) : () -> ()
    %dma_start3A_19 = arith.constant 1 : i32
    %dma_start3A_20 = arith.constant 0 : i32
    %dma_start3A_21 = tpu.memref_slice %arg5[%dma_start3A_19, %dma_start3A_20] : memref<16x128xi32, #tpu.memory_space<vmem>> -> memref<1x128xi32, #tpu.memory_space<vmem>>
    %dma_start3A_22 = tpu.memref_squeeze %dma_start3A_21 : memref<1x128xi32, #tpu.memory_space<vmem>> -> memref<128xi32, #tpu.memory_space<vmem>>
    %dma_start3A_23 = arith.constant 0 : i32
    %dma_start3A_24 = arith.constant 0 : i32
    %dma_start3A_25 = tpu.memref_slice %arg2[%dma_start3A_23, %dma_start3A_24] : memref<8192x128xf32, #tpu.memory_space<hbm>> -> memref<8192x128xf32, #tpu.memory_space<hbm>>
    tpu.enqueue_indirect_dma source(%dma_start3A_25 : memref<8192x128xf32, #tpu.memory_space<hbm>>) target(%arg6 : memref<128x128xf32, #tpu.memory_space<vmem>>) offsets(%dma_start3A_22 : memref<128xi32, #tpu.memory_space<vmem>>) semaphore(%arg7 : memref<!tpu.dma_semaphore, #tpu.memory_space<semaphore_mem>>)
    %dma_wait3A_26 = arith.constant 1 : i32
    %dma_wait3A_27 = arith.constant 0 : i32
    %dma_wait3A_28 = tpu.memref_slice %arg5[%dma_wait3A_26, %dma_wait3A_27] : memref<16x128xi32, #tpu.memory_space<vmem>> -> memref<1x128xi32, #tpu.memory_space<vmem>>
    %dma_wait3A_29 = tpu.memref_squeeze %dma_wait3A_28 : memref<1x128xi32, #tpu.memory_space<vmem>> -> memref<128xi32, #tpu.memory_space<vmem>>
    %dma_wait3A_30 = arith.constant 0 : i32
    %dma_wait3A_31 = arith.constant 0 : i32
    %dma_wait3A_32 = tpu.memref_slice %arg2[%dma_wait3A_30, %dma_wait3A_31] : memref<8192x128xf32, #tpu.memory_space<hbm>> -> memref<8192x128xf32, #tpu.memory_space<hbm>>
    tpu.wait_indirect_dma semaphore(%arg7 : memref<!tpu.dma_semaphore, #tpu.memory_space<semaphore_mem>>) src(%dma_wait3A_32 : memref<8192x128xf32, #tpu.memory_space<hbm>>) dst(%arg6 : memref<128x128xf32, #tpu.memory_space<vmem>>)
    %add3A_33 = arith.constant 1 : i32
    %add3A_34 = arith.addi %mul3A_2, %add3A_33 : i32
    %mul3A_35 = arith.constant 128 : i32
    %mul3A_36 = arith.muli %add3A_34, %mul3A_35 : i32
    "tpu.region"() ({
      %run_scoped3A = tpu.sem_alloc : memref<!tpu.dma_semaphore, #tpu.memory_space<semaphore_mem>>
      %dma_start3A_289 = arith.constant 0 : i32
      %dma_start3A_290 = tpu.memref_slice %arg4[%mul3A_36, %dma_start3A_289] : memref<65536x128xf32, #tpu.memory_space<hbm>> -> memref<128x128xf32, #tpu.memory_space<hbm>>
      %dma_start3A_291 = arith.constant 0 : i32
      %dma_start3A_292 = tpu.memref_slice %arg4[%mul3A_36, %dma_start3A_291] : memref<65536x128xf32, #tpu.memory_space<hbm>> -> memref<128x128xf32, #tpu.memory_space<hbm>>
      tpu.enqueue_dma source(%arg6 : memref<128x128xf32, #tpu.memory_space<vmem>>) target(%dma_start3A_292 : memref<128x128xf32, #tpu.memory_space<hbm>>) target_semaphore(%run_scoped3A : memref<!tpu.dma_semaphore, #tpu.memory_space<semaphore_mem>>)
      %dma_wait3A_293 = arith.constant 0 : i32
      %dma_wait3A_294 = tpu.memref_slice %arg4[%mul3A_36, %dma_wait3A_293] : memref<65536x128xf32, #tpu.memory_space<hbm>> -> memref<128x128xf32, #tpu.memory_space<hbm>>
      %dma_wait3A_295 = arith.constant 0 : i32
      %dma_wait3A_296 = tpu.memref_slice %arg4[%mul3A_36, %dma_wait3A_295] : memref<65536x128xf32, #tpu.memory_space<hbm>> -> memref<128x128xf32, #tpu.memory_space<hbm>>
      tpu.wait_dma2 semaphore(%run_scoped3A : memref<!tpu.dma_semaphore, #tpu.memory_space<semaphore_mem>>) src(%arg6 : memref<128x128xf32, #tpu.memory_space<vmem>>) dst(%dma_wait3A_296 : memref<128x128xf32, #tpu.memory_space<hbm>>)
      tpu.yield
    }) : () -> ()
    %dma_start3A_37 = arith.constant 2 : i32
    %dma_start3A_38 = arith.constant 0 : i32
    %dma_start3A_39 = tpu.memref_slice %arg5[%dma_start3A_37, %dma_start3A_38] : memref<16x128xi32, #tpu.memory_space<vmem>> -> memref<1x128xi32, #tpu.memory_space<vmem>>
    %dma_start3A_40 = tpu.memref_squeeze %dma_start3A_39 : memref<1x128xi32, #tpu.memory_space<vmem>> -> memref<128xi32, #tpu.memory_space<vmem>>
    %dma_start3A_41 = arith.constant 0 : i32
    %dma_start3A_42 = arith.constant 0 : i32
    %dma_start3A_43 = tpu.memref_slice %arg2[%dma_start3A_41, %dma_start3A_42] : memref<8192x128xf32, #tpu.memory_space<hbm>> -> memref<8192x128xf32, #tpu.memory_space<hbm>>
    tpu.enqueue_indirect_dma source(%dma_start3A_43 : memref<8192x128xf32, #tpu.memory_space<hbm>>) target(%arg6 : memref<128x128xf32, #tpu.memory_space<vmem>>) offsets(%dma_start3A_40 : memref<128xi32, #tpu.memory_space<vmem>>) semaphore(%arg7 : memref<!tpu.dma_semaphore, #tpu.memory_space<semaphore_mem>>)
    %dma_wait3A_44 = arith.constant 2 : i32
    %dma_wait3A_45 = arith.constant 0 : i32
    %dma_wait3A_46 = tpu.memref_slice %arg5[%dma_wait3A_44, %dma_wait3A_45] : memref<16x128xi32, #tpu.memory_space<vmem>> -> memref<1x128xi32, #tpu.memory_space<vmem>>
    %dma_wait3A_47 = tpu.memref_squeeze %dma_wait3A_46 : memref<1x128xi32, #tpu.memory_space<vmem>> -> memref<128xi32, #tpu.memory_space<vmem>>
    %dma_wait3A_48 = arith.constant 0 : i32
    %dma_wait3A_49 = arith.constant 0 : i32
    %dma_wait3A_50 = tpu.memref_slice %arg2[%dma_wait3A_48, %dma_wait3A_49] : memref<8192x128xf32, #tpu.memory_space<hbm>> -> memref<8192x128xf32, #tpu.memory_space<hbm>>
    tpu.wait_indirect_dma semaphore(%arg7 : memref<!tpu.dma_semaphore, #tpu.memory_space<semaphore_mem>>) src(%dma_wait3A_50 : memref<8192x128xf32, #tpu.memory_space<hbm>>) dst(%arg6 : memref<128x128xf32, #tpu.memory_space<vmem>>)
    %add3A_51 = arith.constant 2 : i32
    %add3A_52 = arith.addi %mul3A_2, %add3A_51 : i32
    %mul3A_53 = arith.constant 128 : i32
    %mul3A_54 = arith.muli %add3A_52, %mul3A_53 : i32
    "tpu.region"() ({
      %run_scoped3A = tpu.sem_alloc : memref<!tpu.dma_semaphore, #tpu.memory_space<semaphore_mem>>
      %dma_start3A_289 = arith.constant 0 : i32
      %dma_start3A_290 = tpu.memref_slice %arg4[%mul3A_54, %dma_start3A_289] : memref<65536x128xf32, #tpu.memory_space<hbm>> -> memref<128x128xf32, #tpu.memory_space<hbm>>
      %dma_start3A_291 = arith.constant 0 : i32
      %dma_start3A_292 = tpu.memref_slice %arg4[%mul3A_54, %dma_start3A_291] : memref<65536x128xf32, #tpu.memory_space<hbm>> -> memref<128x128xf32, #tpu.memory_space<hbm>>
      tpu.enqueue_dma source(%arg6 : memref<128x128xf32, #tpu.memory_space<vmem>>) target(%dma_start3A_292 : memref<128x128xf32, #tpu.memory_space<hbm>>) target_semaphore(%run_scoped3A : memref<!tpu.dma_semaphore, #tpu.memory_space<semaphore_mem>>)
      %dma_wait3A_293 = arith.constant 0 : i32
      %dma_wait3A_294 = tpu.memref_slice %arg4[%mul3A_54, %dma_wait3A_293] : memref<65536x128xf32, #tpu.memory_space<hbm>> -> memref<128x128xf32, #tpu.memory_space<hbm>>
      %dma_wait3A_295 = arith.constant 0 : i32
      %dma_wait3A_296 = tpu.memref_slice %arg4[%mul3A_54, %dma_wait3A_295] : memref<65536x128xf32, #tpu.memory_space<hbm>> -> memref<128x128xf32, #tpu.memory_space<hbm>>
      tpu.wait_dma2 semaphore(%run_scoped3A : memref<!tpu.dma_semaphore, #tpu.memory_space<semaphore_mem>>) src(%arg6 : memref<128x128xf32, #tpu.memory_space<vmem>>) dst(%dma_wait3A_296 : memref<128x128xf32, #tpu.memory_space<hbm>>)
      tpu.yield
    }) : () -> ()
    %dma_start3A_55 = arith.constant 3 : i32
    %dma_start3A_56 = arith.constant 0 : i32
    %dma_start3A_57 = tpu.memref_slice %arg5[%dma_start3A_55, %dma_start3A_56] : memref<16x128xi32, #tpu.memory_space<vmem>> -> memref<1x128xi32, #tpu.memory_space<vmem>>
    %dma_start3A_58 = tpu.memref_squeeze %dma_start3A_57 : memref<1x128xi32, #tpu.memory_space<vmem>> -> memref<128xi32, #tpu.memory_space<vmem>>
    %dma_start3A_59 = arith.constant 0 : i32
    %dma_start3A_60 = arith.constant 0 : i32
    %dma_start3A_61 = tpu.memref_slice %arg2[%dma_start3A_59, %dma_start3A_60] : memref<8192x128xf32, #tpu.memory_space<hbm>> -> memref<8192x128xf32, #tpu.memory_space<hbm>>
    tpu.enqueue_indirect_dma source(%dma_start3A_61 : memref<8192x128xf32, #tpu.memory_space<hbm>>) target(%arg6 : memref<128x128xf32, #tpu.memory_space<vmem>>) offsets(%dma_start3A_58 : memref<128xi32, #tpu.memory_space<vmem>>) semaphore(%arg7 : memref<!tpu.dma_semaphore, #tpu.memory_space<semaphore_mem>>)
    %dma_wait3A_62 = arith.constant 3 : i32
    %dma_wait3A_63 = arith.constant 0 : i32
    %dma_wait3A_64 = tpu.memref_slice %arg5[%dma_wait3A_62, %dma_wait3A_63] : memref<16x128xi32, #tpu.memory_space<vmem>> -> memref<1x128xi32, #tpu.memory_space<vmem>>
    %dma_wait3A_65 = tpu.memref_squeeze %dma_wait3A_64 : memref<1x128xi32, #tpu.memory_space<vmem>> -> memref<128xi32, #tpu.memory_space<vmem>>
    %dma_wait3A_66 = arith.constant 0 : i32
    %dma_wait3A_67 = arith.constant 0 : i32
    %dma_wait3A_68 = tpu.memref_slice %arg2[%dma_wait3A_66, %dma_wait3A_67] : memref<8192x128xf32, #tpu.memory_space<hbm>> -> memref<8192x128xf32, #tpu.memory_space<hbm>>
    tpu.wait_indirect_dma semaphore(%arg7 : memref<!tpu.dma_semaphore, #tpu.memory_space<semaphore_mem>>) src(%dma_wait3A_68 : memref<8192x128xf32, #tpu.memory_space<hbm>>) dst(%arg6 : memref<128x128xf32, #tpu.memory_space<vmem>>)
    %add3A_69 = arith.constant 3 : i32
    %add3A_70 = arith.addi %mul3A_2, %add3A_69 : i32
    %mul3A_71 = arith.constant 128 : i32
    %mul3A_72 = arith.muli %add3A_70, %mul3A_71 : i32
    "tpu.region"() ({
      %run_scoped3A = tpu.sem_alloc : memref<!tpu.dma_semaphore, #tpu.memory_space<semaphore_mem>>
      %dma_start3A_289 = arith.constant 0 : i32
      %dma_start3A_290 = tpu.memref_slice %arg4[%mul3A_72, %dma_start3A_289] : memref<65536x128xf32, #tpu.memory_space<hbm>> -> memref<128x128xf32, #tpu.memory_space<hbm>>
      %dma_start3A_291 = arith.constant 0 : i32
      %dma_start3A_292 = tpu.memref_slice %arg4[%mul3A_72, %dma_start3A_291] : memref<65536x128xf32, #tpu.memory_space<hbm>> -> memref<128x128xf32, #tpu.memory_space<hbm>>
      tpu.enqueue_dma source(%arg6 : memref<128x128xf32, #tpu.memory_space<vmem>>) target(%dma_start3A_292 : memref<128x128xf32, #tpu.memory_space<hbm>>) target_semaphore(%run_scoped3A : memref<!tpu.dma_semaphore, #tpu.memory_space<semaphore_mem>>)
      %dma_wait3A_293 = arith.constant 0 : i32
      %dma_wait3A_294 = tpu.memref_slice %arg4[%mul3A_72, %dma_wait3A_293] : memref<65536x128xf32, #tpu.memory_space<hbm>> -> memref<128x128xf32, #tpu.memory_space<hbm>>
      %dma_wait3A_295 = arith.constant 0 : i32
      %dma_wait3A_296 = tpu.memref_slice %arg4[%mul3A_72, %dma_wait3A_295] : memref<65536x128xf32, #tpu.memory_space<hbm>> -> memref<128x128xf32, #tpu.memory_space<hbm>>
      tpu.wait_dma2 semaphore(%run_scoped3A : memref<!tpu.dma_semaphore, #tpu.memory_space<semaphore_mem>>) src(%arg6 : memref<128x128xf32, #tpu.memory_space<vmem>>) dst(%dma_wait3A_296 : memref<128x128xf32, #tpu.memory_space<hbm>>)
      tpu.yield
    }) : () -> ()
    %dma_start3A_73 = arith.constant 4 : i32
    %dma_start3A_74 = arith.constant 0 : i32
    %dma_start3A_75 = tpu.memref_slice %arg5[%dma_start3A_73, %dma_start3A_74] : memref<16x128xi32, #tpu.memory_space<vmem>> -> memref<1x128xi32, #tpu.memory_space<vmem>>
    %dma_start3A_76 = tpu.memref_squeeze %dma_start3A_75 : memref<1x128xi32, #tpu.memory_space<vmem>> -> memref<128xi32, #tpu.memory_space<vmem>>
    %dma_start3A_77 = arith.constant 0 : i32
    %dma_start3A_78 = arith.constant 0 : i32
    %dma_start3A_79 = tpu.memref_slice %arg2[%dma_start3A_77, %dma_start3A_78] : memref<8192x128xf32, #tpu.memory_space<hbm>> -> memref<8192x128xf32, #tpu.memory_space<hbm>>
    tpu.enqueue_indirect_dma source(%dma_start3A_79 : memref<8192x128xf32, #tpu.memory_space<hbm>>) target(%arg6 : memref<128x128xf32, #tpu.memory_space<vmem>>) offsets(%dma_start3A_76 : memref<128xi32, #tpu.memory_space<vmem>>) semaphore(%arg7 : memref<!tpu.dma_semaphore, #tpu.memory_space<semaphore_mem>>)
    %dma_wait3A_80 = arith.constant 4 : i32
    %dma_wait3A_81 = arith.constant 0 : i32
    %dma_wait3A_82 = tpu.memref_slice %arg5[%dma_wait3A_80, %dma_wait3A_81] : memref<16x128xi32, #tpu.memory_space<vmem>> -> memref<1x128xi32, #tpu.memory_space<vmem>>
    %dma_wait3A_83 = tpu.memref_squeeze %dma_wait3A_82 : memref<1x128xi32, #tpu.memory_space<vmem>> -> memref<128xi32, #tpu.memory_space<vmem>>
    %dma_wait3A_84 = arith.constant 0 : i32
    %dma_wait3A_85 = arith.constant 0 : i32
    %dma_wait3A_86 = tpu.memref_slice %arg2[%dma_wait3A_84, %dma_wait3A_85] : memref<8192x128xf32, #tpu.memory_space<hbm>> -> memref<8192x128xf32, #tpu.memory_space<hbm>>
    tpu.wait_indirect_dma semaphore(%arg7 : memref<!tpu.dma_semaphore, #tpu.memory_space<semaphore_mem>>) src(%dma_wait3A_86 : memref<8192x128xf32, #tpu.memory_space<hbm>>) dst(%arg6 : memref<128x128xf32, #tpu.memory_space<vmem>>)
    %add3A_87 = arith.constant 4 : i32
    %add3A_88 = arith.addi %mul3A_2, %add3A_87 : i32
    %mul3A_89 = arith.constant 128 : i32
    %mul3A_90 = arith.muli %add3A_88, %mul3A_89 : i32
    "tpu.region"() ({
      %run_scoped3A = tpu.sem_alloc : memref<!tpu.dma_semaphore, #tpu.memory_space<semaphore_mem>>
      %dma_start3A_289 = arith.constant 0 : i32
      %dma_start3A_290 = tpu.memref_slice %arg4[%mul3A_90, %dma_start3A_289] : memref<65536x128xf32, #tpu.memory_space<hbm>> -> memref<128x128xf32, #tpu.memory_space<hbm>>
      %dma_start3A_291 = arith.constant 0 : i32
      %dma_start3A_292 = tpu.memref_slice %arg4[%mul3A_90, %dma_start3A_291] : memref<65536x128xf32, #tpu.memory_space<hbm>> -> memref<128x128xf32, #tpu.memory_space<hbm>>
      tpu.enqueue_dma source(%arg6 : memref<128x128xf32, #tpu.memory_space<vmem>>) target(%dma_start3A_292 : memref<128x128xf32, #tpu.memory_space<hbm>>) target_semaphore(%run_scoped3A : memref<!tpu.dma_semaphore, #tpu.memory_space<semaphore_mem>>)
      %dma_wait3A_293 = arith.constant 0 : i32
      %dma_wait3A_294 = tpu.memref_slice %arg4[%mul3A_90, %dma_wait3A_293] : memref<65536x128xf32, #tpu.memory_space<hbm>> -> memref<128x128xf32, #tpu.memory_space<hbm>>
      %dma_wait3A_295 = arith.constant 0 : i32
      %dma_wait3A_296 = tpu.memref_slice %arg4[%mul3A_90, %dma_wait3A_295] : memref<65536x128xf32, #tpu.memory_space<hbm>> -> memref<128x128xf32, #tpu.memory_space<hbm>>
      tpu.wait_dma2 semaphore(%run_scoped3A : memref<!tpu.dma_semaphore, #tpu.memory_space<semaphore_mem>>) src(%arg6 : memref<128x128xf32, #tpu.memory_space<vmem>>) dst(%dma_wait3A_296 : memref<128x128xf32, #tpu.memory_space<hbm>>)
      tpu.yield
    }) : () -> ()
    %dma_start3A_91 = arith.constant 5 : i32
    %dma_start3A_92 = arith.constant 0 : i32
    %dma_start3A_93 = tpu.memref_slice %arg5[%dma_start3A_91, %dma_start3A_92] : memref<16x128xi32, #tpu.memory_space<vmem>> -> memref<1x128xi32, #tpu.memory_space<vmem>>
    %dma_start3A_94 = tpu.memref_squeeze %dma_start3A_93 : memref<1x128xi32, #tpu.memory_space<vmem>> -> memref<128xi32, #tpu.memory_space<vmem>>
    %dma_start3A_95 = arith.constant 0 : i32
    %dma_start3A_96 = arith.constant 0 : i32
    %dma_start3A_97 = tpu.memref_slice %arg2[%dma_start3A_95, %dma_start3A_96] : memref<8192x128xf32, #tpu.memory_space<hbm>> -> memref<8192x128xf32, #tpu.memory_space<hbm>>
    tpu.enqueue_indirect_dma source(%dma_start3A_97 : memref<8192x128xf32, #tpu.memory_space<hbm>>) target(%arg6 : memref<128x128xf32, #tpu.memory_space<vmem>>) offsets(%dma_start3A_94 : memref<128xi32, #tpu.memory_space<vmem>>) semaphore(%arg7 : memref<!tpu.dma_semaphore, #tpu.memory_space<semaphore_mem>>)
    %dma_wait3A_98 = arith.constant 5 : i32
    %dma_wait3A_99 = arith.constant 0 : i32
    %dma_wait3A_100 = tpu.memref_slice %arg5[%dma_wait3A_98, %dma_wait3A_99] : memref<16x128xi32, #tpu.memory_space<vmem>> -> memref<1x128xi32, #tpu.memory_space<vmem>>
    %dma_wait3A_101 = tpu.memref_squeeze %dma_wait3A_100 : memref<1x128xi32, #tpu.memory_space<vmem>> -> memref<128xi32, #tpu.memory_space<vmem>>
    %dma_wait3A_102 = arith.constant 0 : i32
    %dma_wait3A_103 = arith.constant 0 : i32
    %dma_wait3A_104 = tpu.memref_slice %arg2[%dma_wait3A_102, %dma_wait3A_103] : memref<8192x128xf32, #tpu.memory_space<hbm>> -> memref<8192x128xf32, #tpu.memory_space<hbm>>
    tpu.wait_indirect_dma semaphore(%arg7 : memref<!tpu.dma_semaphore, #tpu.memory_space<semaphore_mem>>) src(%dma_wait3A_104 : memref<8192x128xf32, #tpu.memory_space<hbm>>) dst(%arg6 : memref<128x128xf32, #tpu.memory_space<vmem>>)
    %add3A_105 = arith.constant 5 : i32
    %add3A_106 = arith.addi %mul3A_2, %add3A_105 : i32
    %mul3A_107 = arith.constant 128 : i32
    %mul3A_108 = arith.muli %add3A_106, %mul3A_107 : i32
    "tpu.region"() ({
      %run_scoped3A = tpu.sem_alloc : memref<!tpu.dma_semaphore, #tpu.memory_space<semaphore_mem>>
      %dma_start3A_289 = arith.constant 0 : i32
      %dma_start3A_290 = tpu.memref_slice %arg4[%mul3A_108, %dma_start3A_289] : memref<65536x128xf32, #tpu.memory_space<hbm>> -> memref<128x128xf32, #tpu.memory_space<hbm>>
      %dma_start3A_291 = arith.constant 0 : i32
      %dma_start3A_292 = tpu.memref_slice %arg4[%mul3A_108, %dma_start3A_291] : memref<65536x128xf32, #tpu.memory_space<hbm>> -> memref<128x128xf32, #tpu.memory_space<hbm>>
      tpu.enqueue_dma source(%arg6 : memref<128x128xf32, #tpu.memory_space<vmem>>) target(%dma_start3A_292 : memref<128x128xf32, #tpu.memory_space<hbm>>) target_semaphore(%run_scoped3A : memref<!tpu.dma_semaphore, #tpu.memory_space<semaphore_mem>>)
      %dma_wait3A_293 = arith.constant 0 : i32
      %dma_wait3A_294 = tpu.memref_slice %arg4[%mul3A_108, %dma_wait3A_293] : memref<65536x128xf32, #tpu.memory_space<hbm>> -> memref<128x128xf32, #tpu.memory_space<hbm>>
      %dma_wait3A_295 = arith.constant 0 : i32
      %dma_wait3A_296 = tpu.memref_slice %arg4[%mul3A_108, %dma_wait3A_295] : memref<65536x128xf32, #tpu.memory_space<hbm>> -> memref<128x128xf32, #tpu.memory_space<hbm>>
      tpu.wait_dma2 semaphore(%run_scoped3A : memref<!tpu.dma_semaphore, #tpu.memory_space<semaphore_mem>>) src(%arg6 : memref<128x128xf32, #tpu.memory_space<vmem>>) dst(%dma_wait3A_296 : memref<128x128xf32, #tpu.memory_space<hbm>>)
      tpu.yield
    }) : () -> ()
    %dma_start3A_109 = arith.constant 6 : i32
    %dma_start3A_110 = arith.constant 0 : i32
    %dma_start3A_111 = tpu.memref_slice %arg5[%dma_start3A_109, %dma_start3A_110] : memref<16x128xi32, #tpu.memory_space<vmem>> -> memref<1x128xi32, #tpu.memory_space<vmem>>
    %dma_start3A_112 = tpu.memref_squeeze %dma_start3A_111 : memref<1x128xi32, #tpu.memory_space<vmem>> -> memref<128xi32, #tpu.memory_space<vmem>>
    %dma_start3A_113 = arith.constant 0 : i32
    %dma_start3A_114 = arith.constant 0 : i32
    %dma_start3A_115 = tpu.memref_slice %arg2[%dma_start3A_113, %dma_start3A_114] : memref<8192x128xf32, #tpu.memory_space<hbm>> -> memref<8192x128xf32, #tpu.memory_space<hbm>>
    tpu.enqueue_indirect_dma source(%dma_start3A_115 : memref<8192x128xf32, #tpu.memory_space<hbm>>) target(%arg6 : memref<128x128xf32, #tpu.memory_space<vmem>>) offsets(%dma_start3A_112 : memref<128xi32, #tpu.memory_space<vmem>>) semaphore(%arg7 : memref<!tpu.dma_semaphore, #tpu.memory_space<semaphore_mem>>)
    %dma_wait3A_116 = arith.constant 6 : i32
    %dma_wait3A_117 = arith.constant 0 : i32
    %dma_wait3A_118 = tpu.memref_slice %arg5[%dma_wait3A_116, %dma_wait3A_117] : memref<16x128xi32, #tpu.memory_space<vmem>> -> memref<1x128xi32, #tpu.memory_space<vmem>>
    %dma_wait3A_119 = tpu.memref_squeeze %dma_wait3A_118 : memref<1x128xi32, #tpu.memory_space<vmem>> -> memref<128xi32, #tpu.memory_space<vmem>>
    %dma_wait3A_120 = arith.constant 0 : i32
    %dma_wait3A_121 = arith.constant 0 : i32
    %dma_wait3A_122 = tpu.memref_slice %arg2[%dma_wait3A_120, %dma_wait3A_121] : memref<8192x128xf32, #tpu.memory_space<hbm>> -> memref<8192x128xf32, #tpu.memory_space<hbm>>
    tpu.wait_indirect_dma semaphore(%arg7 : memref<!tpu.dma_semaphore, #tpu.memory_space<semaphore_mem>>) src(%dma_wait3A_122 : memref<8192x128xf32, #tpu.memory_space<hbm>>) dst(%arg6 : memref<128x128xf32, #tpu.memory_space<vmem>>)
    %add3A_123 = arith.constant 6 : i32
    %add3A_124 = arith.addi %mul3A_2, %add3A_123 : i32
    %mul3A_125 = arith.constant 128 : i32
    %mul3A_126 = arith.muli %add3A_124, %mul3A_125 : i32
    "tpu.region"() ({
      %run_scoped3A = tpu.sem_alloc : memref<!tpu.dma_semaphore, #tpu.memory_space<semaphore_mem>>
      %dma_start3A_289 = arith.constant 0 : i32
      %dma_start3A_290 = tpu.memref_slice %arg4[%mul3A_126, %dma_start3A_289] : memref<65536x128xf32, #tpu.memory_space<hbm>> -> memref<128x128xf32, #tpu.memory_space<hbm>>
      %dma_start3A_291 = arith.constant 0 : i32
      %dma_start3A_292 = tpu.memref_slice %arg4[%mul3A_126, %dma_start3A_291] : memref<65536x128xf32, #tpu.memory_space<hbm>> -> memref<128x128xf32, #tpu.memory_space<hbm>>
      tpu.enqueue_dma source(%arg6 : memref<128x128xf32, #tpu.memory_space<vmem>>) target(%dma_start3A_292 : memref<128x128xf32, #tpu.memory_space<hbm>>) target_semaphore(%run_scoped3A : memref<!tpu.dma_semaphore, #tpu.memory_space<semaphore_mem>>)
      %dma_wait3A_293 = arith.constant 0 : i32
      %dma_wait3A_294 = tpu.memref_slice %arg4[%mul3A_126, %dma_wait3A_293] : memref<65536x128xf32, #tpu.memory_space<hbm>> -> memref<128x128xf32, #tpu.memory_space<hbm>>
      %dma_wait3A_295 = arith.constant 0 : i32
      %dma_wait3A_296 = tpu.memref_slice %arg4[%mul3A_126, %dma_wait3A_295] : memref<65536x128xf32, #tpu.memory_space<hbm>> -> memref<128x128xf32, #tpu.memory_space<hbm>>
      tpu.wait_dma2 semaphore(%run_scoped3A : memref<!tpu.dma_semaphore, #tpu.memory_space<semaphore_mem>>) src(%arg6 : memref<128x128xf32, #tpu.memory_space<vmem>>) dst(%dma_wait3A_296 : memref<128x128xf32, #tpu.memory_space<hbm>>)
      tpu.yield
    }) : () -> ()
    %dma_start3A_127 = arith.constant 7 : i32
    %dma_start3A_128 = arith.constant 0 : i32
    %dma_start3A_129 = tpu.memref_slice %arg5[%dma_start3A_127, %dma_start3A_128] : memref<16x128xi32, #tpu.memory_space<vmem>> -> memref<1x128xi32, #tpu.memory_space<vmem>>
    %dma_start3A_130 = tpu.memref_squeeze %dma_start3A_129 : memref<1x128xi32, #tpu.memory_space<vmem>> -> memref<128xi32, #tpu.memory_space<vmem>>
    %dma_start3A_131 = arith.constant 0 : i32
    %dma_start3A_132 = arith.constant 0 : i32
    %dma_start3A_133 = tpu.memref_slice %arg2[%dma_start3A_131, %dma_start3A_132] : memref<8192x128xf32, #tpu.memory_space<hbm>> -> memref<8192x128xf32, #tpu.memory_space<hbm>>
    tpu.enqueue_indirect_dma source(%dma_start3A_133 : memref<8192x128xf32, #tpu.memory_space<hbm>>) target(%arg6 : memref<128x128xf32, #tpu.memory_space<vmem>>) offsets(%dma_start3A_130 : memref<128xi32, #tpu.memory_space<vmem>>) semaphore(%arg7 : memref<!tpu.dma_semaphore, #tpu.memory_space<semaphore_mem>>)
    %dma_wait3A_134 = arith.constant 7 : i32
    %dma_wait3A_135 = arith.constant 0 : i32
    %dma_wait3A_136 = tpu.memref_slice %arg5[%dma_wait3A_134, %dma_wait3A_135] : memref<16x128xi32, #tpu.memory_space<vmem>> -> memref<1x128xi32, #tpu.memory_space<vmem>>
    %dma_wait3A_137 = tpu.memref_squeeze %dma_wait3A_136 : memref<1x128xi32, #tpu.memory_space<vmem>> -> memref<128xi32, #tpu.memory_space<vmem>>
    %dma_wait3A_138 = arith.constant 0 : i32
    %dma_wait3A_139 = arith.constant 0 : i32
    %dma_wait3A_140 = tpu.memref_slice %arg2[%dma_wait3A_138, %dma_wait3A_139] : memref<8192x128xf32, #tpu.memory_space<hbm>> -> memref<8192x128xf32, #tpu.memory_space<hbm>>
    tpu.wait_indirect_dma semaphore(%arg7 : memref<!tpu.dma_semaphore, #tpu.memory_space<semaphore_mem>>) src(%dma_wait3A_140 : memref<8192x128xf32, #tpu.memory_space<hbm>>) dst(%arg6 : memref<128x128xf32, #tpu.memory_space<vmem>>)
    %add3A_141 = arith.constant 7 : i32
    %add3A_142 = arith.addi %mul3A_2, %add3A_141 : i32
    %mul3A_143 = arith.constant 128 : i32
    %mul3A_144 = arith.muli %add3A_142, %mul3A_143 : i32
    "tpu.region"() ({
      %run_scoped3A = tpu.sem_alloc : memref<!tpu.dma_semaphore, #tpu.memory_space<semaphore_mem>>
      %dma_start3A_289 = arith.constant 0 : i32
      %dma_start3A_290 = tpu.memref_slice %arg4[%mul3A_144, %dma_start3A_289] : memref<65536x128xf32, #tpu.memory_space<hbm>> -> memref<128x128xf32, #tpu.memory_space<hbm>>
      %dma_start3A_291 = arith.constant 0 : i32
      %dma_start3A_292 = tpu.memref_slice %arg4[%mul3A_144, %dma_start3A_291] : memref<65536x128xf32, #tpu.memory_space<hbm>> -> memref<128x128xf32, #tpu.memory_space<hbm>>
      tpu.enqueue_dma source(%arg6 : memref<128x128xf32, #tpu.memory_space<vmem>>) target(%dma_start3A_292 : memref<128x128xf32, #tpu.memory_space<hbm>>) target_semaphore(%run_scoped3A : memref<!tpu.dma_semaphore, #tpu.memory_space<semaphore_mem>>)
      %dma_wait3A_293 = arith.constant 0 : i32
      %dma_wait3A_294 = tpu.memref_slice %arg4[%mul3A_144, %dma_wait3A_293] : memref<65536x128xf32, #tpu.memory_space<hbm>> -> memref<128x128xf32, #tpu.memory_space<hbm>>
      %dma_wait3A_295 = arith.constant 0 : i32
      %dma_wait3A_296 = tpu.memref_slice %arg4[%mul3A_144, %dma_wait3A_295] : memref<65536x128xf32, #tpu.memory_space<hbm>> -> memref<128x128xf32, #tpu.memory_space<hbm>>
      tpu.wait_dma2 semaphore(%run_scoped3A : memref<!tpu.dma_semaphore, #tpu.memory_space<semaphore_mem>>) src(%arg6 : memref<128x128xf32, #tpu.memory_space<vmem>>) dst(%dma_wait3A_296 : memref<128x128xf32, #tpu.memory_space<hbm>>)
      tpu.yield
    }) : () -> ()
    %dma_start3A_145 = arith.constant 8 : i32
    %dma_start3A_146 = arith.constant 0 : i32
    %dma_start3A_147 = tpu.memref_slice %arg5[%dma_start3A_145, %dma_start3A_146] : memref<16x128xi32, #tpu.memory_space<vmem>> -> memref<1x128xi32, #tpu.memory_space<vmem>>
    %dma_start3A_148 = tpu.memref_squeeze %dma_start3A_147 : memref<1x128xi32, #tpu.memory_space<vmem>> -> memref<128xi32, #tpu.memory_space<vmem>>
    %dma_start3A_149 = arith.constant 0 : i32
    %dma_start3A_150 = arith.constant 0 : i32
    %dma_start3A_151 = tpu.memref_slice %arg2[%dma_start3A_149, %dma_start3A_150] : memref<8192x128xf32, #tpu.memory_space<hbm>> -> memref<8192x128xf32, #tpu.memory_space<hbm>>
    tpu.enqueue_indirect_dma source(%dma_start3A_151 : memref<8192x128xf32, #tpu.memory_space<hbm>>) target(%arg6 : memref<128x128xf32, #tpu.memory_space<vmem>>) offsets(%dma_start3A_148 : memref<128xi32, #tpu.memory_space<vmem>>) semaphore(%arg7 : memref<!tpu.dma_semaphore, #tpu.memory_space<semaphore_mem>>)
    %dma_wait3A_152 = arith.constant 8 : i32
    %dma_wait3A_153 = arith.constant 0 : i32
    %dma_wait3A_154 = tpu.memref_slice %arg5[%dma_wait3A_152, %dma_wait3A_153] : memref<16x128xi32, #tpu.memory_space<vmem>> -> memref<1x128xi32, #tpu.memory_space<vmem>>
    %dma_wait3A_155 = tpu.memref_squeeze %dma_wait3A_154 : memref<1x128xi32, #tpu.memory_space<vmem>> -> memref<128xi32, #tpu.memory_space<vmem>>
    %dma_wait3A_156 = arith.constant 0 : i32
    %dma_wait3A_157 = arith.constant 0 : i32
    %dma_wait3A_158 = tpu.memref_slice %arg2[%dma_wait3A_156, %dma_wait3A_157] : memref<8192x128xf32, #tpu.memory_space<hbm>> -> memref<8192x128xf32, #tpu.memory_space<hbm>>
    tpu.wait_indirect_dma semaphore(%arg7 : memref<!tpu.dma_semaphore, #tpu.memory_space<semaphore_mem>>) src(%dma_wait3A_158 : memref<8192x128xf32, #tpu.memory_space<hbm>>) dst(%arg6 : memref<128x128xf32, #tpu.memory_space<vmem>>)
    %add3A_159 = arith.constant 8 : i32
    %add3A_160 = arith.addi %mul3A_2, %add3A_159 : i32
    %mul3A_161 = arith.constant 128 : i32
    %mul3A_162 = arith.muli %add3A_160, %mul3A_161 : i32
    "tpu.region"() ({
      %run_scoped3A = tpu.sem_alloc : memref<!tpu.dma_semaphore, #tpu.memory_space<semaphore_mem>>
      %dma_start3A_289 = arith.constant 0 : i32
      %dma_start3A_290 = tpu.memref_slice %arg4[%mul3A_162, %dma_start3A_289] : memref<65536x128xf32, #tpu.memory_space<hbm>> -> memref<128x128xf32, #tpu.memory_space<hbm>>
      %dma_start3A_291 = arith.constant 0 : i32
      %dma_start3A_292 = tpu.memref_slice %arg4[%mul3A_162, %dma_start3A_291] : memref<65536x128xf32, #tpu.memory_space<hbm>> -> memref<128x128xf32, #tpu.memory_space<hbm>>
      tpu.enqueue_dma source(%arg6 : memref<128x128xf32, #tpu.memory_space<vmem>>) target(%dma_start3A_292 : memref<128x128xf32, #tpu.memory_space<hbm>>) target_semaphore(%run_scoped3A : memref<!tpu.dma_semaphore, #tpu.memory_space<semaphore_mem>>)
      %dma_wait3A_293 = arith.constant 0 : i32
      %dma_wait3A_294 = tpu.memref_slice %arg4[%mul3A_162, %dma_wait3A_293] : memref<65536x128xf32, #tpu.memory_space<hbm>> -> memref<128x128xf32, #tpu.memory_space<hbm>>
      %dma_wait3A_295 = arith.constant 0 : i32
      %dma_wait3A_296 = tpu.memref_slice %arg4[%mul3A_162, %dma_wait3A_295] : memref<65536x128xf32, #tpu.memory_space<hbm>> -> memref<128x128xf32, #tpu.memory_space<hbm>>
      tpu.wait_dma2 semaphore(%run_scoped3A : memref<!tpu.dma_semaphore, #tpu.memory_space<semaphore_mem>>) src(%arg6 : memref<128x128xf32, #tpu.memory_space<vmem>>) dst(%dma_wait3A_296 : memref<128x128xf32, #tpu.memory_space<hbm>>)
      tpu.yield
    }) : () -> ()
    %dma_start3A_163 = arith.constant 9 : i32
    %dma_start3A_164 = arith.constant 0 : i32
    %dma_start3A_165 = tpu.memref_slice %arg5[%dma_start3A_163, %dma_start3A_164] : memref<16x128xi32, #tpu.memory_space<vmem>> -> memref<1x128xi32, #tpu.memory_space<vmem>>
    %dma_start3A_166 = tpu.memref_squeeze %dma_start3A_165 : memref<1x128xi32, #tpu.memory_space<vmem>> -> memref<128xi32, #tpu.memory_space<vmem>>
    %dma_start3A_167 = arith.constant 0 : i32
    %dma_start3A_168 = arith.constant 0 : i32
    %dma_start3A_169 = tpu.memref_slice %arg2[%dma_start3A_167, %dma_start3A_168] : memref<8192x128xf32, #tpu.memory_space<hbm>> -> memref<8192x128xf32, #tpu.memory_space<hbm>>
    tpu.enqueue_indirect_dma source(%dma_start3A_169 : memref<8192x128xf32, #tpu.memory_space<hbm>>) target(%arg6 : memref<128x128xf32, #tpu.memory_space<vmem>>) offsets(%dma_start3A_166 : memref<128xi32, #tpu.memory_space<vmem>>) semaphore(%arg7 : memref<!tpu.dma_semaphore, #tpu.memory_space<semaphore_mem>>)
    %dma_wait3A_170 = arith.constant 9 : i32
    %dma_wait3A_171 = arith.constant 0 : i32
    %dma_wait3A_172 = tpu.memref_slice %arg5[%dma_wait3A_170, %dma_wait3A_171] : memref<16x128xi32, #tpu.memory_space<vmem>> -> memref<1x128xi32, #tpu.memory_space<vmem>>
    %dma_wait3A_173 = tpu.memref_squeeze %dma_wait3A_172 : memref<1x128xi32, #tpu.memory_space<vmem>> -> memref<128xi32, #tpu.memory_space<vmem>>
    %dma_wait3A_174 = arith.constant 0 : i32
    %dma_wait3A_175 = arith.constant 0 : i32
    %dma_wait3A_176 = tpu.memref_slice %arg2[%dma_wait3A_174, %dma_wait3A_175] : memref<8192x128xf32, #tpu.memory_space<hbm>> -> memref<8192x128xf32, #tpu.memory_space<hbm>>
    tpu.wait_indirect_dma semaphore(%arg7 : memref<!tpu.dma_semaphore, #tpu.memory_space<semaphore_mem>>) src(%dma_wait3A_176 : memref<8192x128xf32, #tpu.memory_space<hbm>>) dst(%arg6 : memref<128x128xf32, #tpu.memory_space<vmem>>)
    %add3A_177 = arith.constant 9 : i32
    %add3A_178 = arith.addi %mul3A_2, %add3A_177 : i32
    %mul3A_179 = arith.constant 128 : i32
    %mul3A_180 = arith.muli %add3A_178, %mul3A_179 : i32
    "tpu.region"() ({
      %run_scoped3A = tpu.sem_alloc : memref<!tpu.dma_semaphore, #tpu.memory_space<semaphore_mem>>
      %dma_start3A_289 = arith.constant 0 : i32
      %dma_start3A_290 = tpu.memref_slice %arg4[%mul3A_180, %dma_start3A_289] : memref<65536x128xf32, #tpu.memory_space<hbm>> -> memref<128x128xf32, #tpu.memory_space<hbm>>
      %dma_start3A_291 = arith.constant 0 : i32
      %dma_start3A_292 = tpu.memref_slice %arg4[%mul3A_180, %dma_start3A_291] : memref<65536x128xf32, #tpu.memory_space<hbm>> -> memref<128x128xf32, #tpu.memory_space<hbm>>
      tpu.enqueue_dma source(%arg6 : memref<128x128xf32, #tpu.memory_space<vmem>>) target(%dma_start3A_292 : memref<128x128xf32, #tpu.memory_space<hbm>>) target_semaphore(%run_scoped3A : memref<!tpu.dma_semaphore, #tpu.memory_space<semaphore_mem>>)
      %dma_wait3A_293 = arith.constant 0 : i32
      %dma_wait3A_294 = tpu.memref_slice %arg4[%mul3A_180, %dma_wait3A_293] : memref<65536x128xf32, #tpu.memory_space<hbm>> -> memref<128x128xf32, #tpu.memory_space<hbm>>
      %dma_wait3A_295 = arith.constant 0 : i32
      %dma_wait3A_296 = tpu.memref_slice %arg4[%mul3A_180, %dma_wait3A_295] : memref<65536x128xf32, #tpu.memory_space<hbm>> -> memref<128x128xf32, #tpu.memory_space<hbm>>
      tpu.wait_dma2 semaphore(%run_scoped3A : memref<!tpu.dma_semaphore, #tpu.memory_space<semaphore_mem>>) src(%arg6 : memref<128x128xf32, #tpu.memory_space<vmem>>) dst(%dma_wait3A_296 : memref<128x128xf32, #tpu.memory_space<hbm>>)
      tpu.yield
    }) : () -> ()
    %dma_start3A_181 = arith.constant 10 : i32
    %dma_start3A_182 = arith.constant 0 : i32
    %dma_start3A_183 = tpu.memref_slice %arg5[%dma_start3A_181, %dma_start3A_182] : memref<16x128xi32, #tpu.memory_space<vmem>> -> memref<1x128xi32, #tpu.memory_space<vmem>>
    %dma_start3A_184 = tpu.memref_squeeze %dma_start3A_183 : memref<1x128xi32, #tpu.memory_space<vmem>> -> memref<128xi32, #tpu.memory_space<vmem>>
    %dma_start3A_185 = arith.constant 0 : i32
    %dma_start3A_186 = arith.constant 0 : i32
    %dma_start3A_187 = tpu.memref_slice %arg2[%dma_start3A_185, %dma_start3A_186] : memref<8192x128xf32, #tpu.memory_space<hbm>> -> memref<8192x128xf32, #tpu.memory_space<hbm>>
    tpu.enqueue_indirect_dma source(%dma_start3A_187 : memref<8192x128xf32, #tpu.memory_space<hbm>>) target(%arg6 : memref<128x128xf32, #tpu.memory_space<vmem>>) offsets(%dma_start3A_184 : memref<128xi32, #tpu.memory_space<vmem>>) semaphore(%arg7 : memref<!tpu.dma_semaphore, #tpu.memory_space<semaphore_mem>>)
    %dma_wait3A_188 = arith.constant 10 : i32
    %dma_wait3A_189 = arith.constant 0 : i32
    %dma_wait3A_190 = tpu.memref_slice %arg5[%dma_wait3A_188, %dma_wait3A_189] : memref<16x128xi32, #tpu.memory_space<vmem>> -> memref<1x128xi32, #tpu.memory_space<vmem>>
    %dma_wait3A_191 = tpu.memref_squeeze %dma_wait3A_190 : memref<1x128xi32, #tpu.memory_space<vmem>> -> memref<128xi32, #tpu.memory_space<vmem>>
    %dma_wait3A_192 = arith.constant 0 : i32
    %dma_wait3A_193 = arith.constant 0 : i32
    %dma_wait3A_194 = tpu.memref_slice %arg2[%dma_wait3A_192, %dma_wait3A_193] : memref<8192x128xf32, #tpu.memory_space<hbm>> -> memref<8192x128xf32, #tpu.memory_space<hbm>>
    tpu.wait_indirect_dma semaphore(%arg7 : memref<!tpu.dma_semaphore, #tpu.memory_space<semaphore_mem>>) src(%dma_wait3A_194 : memref<8192x128xf32, #tpu.memory_space<hbm>>) dst(%arg6 : memref<128x128xf32, #tpu.memory_space<vmem>>)
    %add3A_195 = arith.constant 10 : i32
    %add3A_196 = arith.addi %mul3A_2, %add3A_195 : i32
    %mul3A_197 = arith.constant 128 : i32
    %mul3A_198 = arith.muli %add3A_196, %mul3A_197 : i32
    "tpu.region"() ({
      %run_scoped3A = tpu.sem_alloc : memref<!tpu.dma_semaphore, #tpu.memory_space<semaphore_mem>>
      %dma_start3A_289 = arith.constant 0 : i32
      %dma_start3A_290 = tpu.memref_slice %arg4[%mul3A_198, %dma_start3A_289] : memref<65536x128xf32, #tpu.memory_space<hbm>> -> memref<128x128xf32, #tpu.memory_space<hbm>>
      %dma_start3A_291 = arith.constant 0 : i32
      %dma_start3A_292 = tpu.memref_slice %arg4[%mul3A_198, %dma_start3A_291] : memref<65536x128xf32, #tpu.memory_space<hbm>> -> memref<128x128xf32, #tpu.memory_space<hbm>>
      tpu.enqueue_dma source(%arg6 : memref<128x128xf32, #tpu.memory_space<vmem>>) target(%dma_start3A_292 : memref<128x128xf32, #tpu.memory_space<hbm>>) target_semaphore(%run_scoped3A : memref<!tpu.dma_semaphore, #tpu.memory_space<semaphore_mem>>)
      %dma_wait3A_293 = arith.constant 0 : i32
      %dma_wait3A_294 = tpu.memref_slice %arg4[%mul3A_198, %dma_wait3A_293] : memref<65536x128xf32, #tpu.memory_space<hbm>> -> memref<128x128xf32, #tpu.memory_space<hbm>>
      %dma_wait3A_295 = arith.constant 0 : i32
      %dma_wait3A_296 = tpu.memref_slice %arg4[%mul3A_198, %dma_wait3A_295] : memref<65536x128xf32, #tpu.memory_space<hbm>> -> memref<128x128xf32, #tpu.memory_space<hbm>>
      tpu.wait_dma2 semaphore(%run_scoped3A : memref<!tpu.dma_semaphore, #tpu.memory_space<semaphore_mem>>) src(%arg6 : memref<128x128xf32, #tpu.memory_space<vmem>>) dst(%dma_wait3A_296 : memref<128x128xf32, #tpu.memory_space<hbm>>)
      tpu.yield
    }) : () -> ()
    %dma_start3A_199 = arith.constant 11 : i32
    %dma_start3A_200 = arith.constant 0 : i32
    %dma_start3A_201 = tpu.memref_slice %arg5[%dma_start3A_199, %dma_start3A_200] : memref<16x128xi32, #tpu.memory_space<vmem>> -> memref<1x128xi32, #tpu.memory_space<vmem>>
    %dma_start3A_202 = tpu.memref_squeeze %dma_start3A_201 : memref<1x128xi32, #tpu.memory_space<vmem>> -> memref<128xi32, #tpu.memory_space<vmem>>
    %dma_start3A_203 = arith.constant 0 : i32
    %dma_start3A_204 = arith.constant 0 : i32
    %dma_start3A_205 = tpu.memref_slice %arg2[%dma_start3A_203, %dma_start3A_204] : memref<8192x128xf32, #tpu.memory_space<hbm>> -> memref<8192x128xf32, #tpu.memory_space<hbm>>
    tpu.enqueue_indirect_dma source(%dma_start3A_205 : memref<8192x128xf32, #tpu.memory_space<hbm>>) target(%arg6 : memref<128x128xf32, #tpu.memory_space<vmem>>) offsets(%dma_start3A_202 : memref<128xi32, #tpu.memory_space<vmem>>) semaphore(%arg7 : memref<!tpu.dma_semaphore, #tpu.memory_space<semaphore_mem>>)
    %dma_wait3A_206 = arith.constant 11 : i32
    %dma_wait3A_207 = arith.constant 0 : i32
    %dma_wait3A_208 = tpu.memref_slice %arg5[%dma_wait3A_206, %dma_wait3A_207] : memref<16x128xi32, #tpu.memory_space<vmem>> -> memref<1x128xi32, #tpu.memory_space<vmem>>
    %dma_wait3A_209 = tpu.memref_squeeze %dma_wait3A_208 : memref<1x128xi32, #tpu.memory_space<vmem>> -> memref<128xi32, #tpu.memory_space<vmem>>
    %dma_wait3A_210 = arith.constant 0 : i32
    %dma_wait3A_211 = arith.constant 0 : i32
    %dma_wait3A_212 = tpu.memref_slice %arg2[%dma_wait3A_210, %dma_wait3A_211] : memref<8192x128xf32, #tpu.memory_space<hbm>> -> memref<8192x128xf32, #tpu.memory_space<hbm>>
    tpu.wait_indirect_dma semaphore(%arg7 : memref<!tpu.dma_semaphore, #tpu.memory_space<semaphore_mem>>) src(%dma_wait3A_212 : memref<8192x128xf32, #tpu.memory_space<hbm>>) dst(%arg6 : memref<128x128xf32, #tpu.memory_space<vmem>>)
    %add3A_213 = arith.constant 11 : i32
    %add3A_214 = arith.addi %mul3A_2, %add3A_213 : i32
    %mul3A_215 = arith.constant 128 : i32
    %mul3A_216 = arith.muli %add3A_214, %mul3A_215 : i32
    "tpu.region"() ({
      %run_scoped3A = tpu.sem_alloc : memref<!tpu.dma_semaphore, #tpu.memory_space<semaphore_mem>>
      %dma_start3A_289 = arith.constant 0 : i32
      %dma_start3A_290 = tpu.memref_slice %arg4[%mul3A_216, %dma_start3A_289] : memref<65536x128xf32, #tpu.memory_space<hbm>> -> memref<128x128xf32, #tpu.memory_space<hbm>>
      %dma_start3A_291 = arith.constant 0 : i32
      %dma_start3A_292 = tpu.memref_slice %arg4[%mul3A_216, %dma_start3A_291] : memref<65536x128xf32, #tpu.memory_space<hbm>> -> memref<128x128xf32, #tpu.memory_space<hbm>>
      tpu.enqueue_dma source(%arg6 : memref<128x128xf32, #tpu.memory_space<vmem>>) target(%dma_start3A_292 : memref<128x128xf32, #tpu.memory_space<hbm>>) target_semaphore(%run_scoped3A : memref<!tpu.dma_semaphore, #tpu.memory_space<semaphore_mem>>)
      %dma_wait3A_293 = arith.constant 0 : i32
      %dma_wait3A_294 = tpu.memref_slice %arg4[%mul3A_216, %dma_wait3A_293] : memref<65536x128xf32, #tpu.memory_space<hbm>> -> memref<128x128xf32, #tpu.memory_space<hbm>>
      %dma_wait3A_295 = arith.constant 0 : i32
      %dma_wait3A_296 = tpu.memref_slice %arg4[%mul3A_216, %dma_wait3A_295] : memref<65536x128xf32, #tpu.memory_space<hbm>> -> memref<128x128xf32, #tpu.memory_space<hbm>>
      tpu.wait_dma2 semaphore(%run_scoped3A : memref<!tpu.dma_semaphore, #tpu.memory_space<semaphore_mem>>) src(%arg6 : memref<128x128xf32, #tpu.memory_space<vmem>>) dst(%dma_wait3A_296 : memref<128x128xf32, #tpu.memory_space<hbm>>)
      tpu.yield
    }) : () -> ()
    %dma_start3A_217 = arith.constant 12 : i32
    %dma_start3A_218 = arith.constant 0 : i32
    %dma_start3A_219 = tpu.memref_slice %arg5[%dma_start3A_217, %dma_start3A_218] : memref<16x128xi32, #tpu.memory_space<vmem>> -> memref<1x128xi32, #tpu.memory_space<vmem>>
    %dma_start3A_220 = tpu.memref_squeeze %dma_start3A_219 : memref<1x128xi32, #tpu.memory_space<vmem>> -> memref<128xi32, #tpu.memory_space<vmem>>
    %dma_start3A_221 = arith.constant 0 : i32
    %dma_start3A_222 = arith.constant 0 : i32
    %dma_start3A_223 = tpu.memref_slice %arg2[%dma_start3A_221, %dma_start3A_222] : memref<8192x128xf32, #tpu.memory_space<hbm>> -> memref<8192x128xf32, #tpu.memory_space<hbm>>
    tpu.enqueue_indirect_dma source(%dma_start3A_223 : memref<8192x128xf32, #tpu.memory_space<hbm>>) target(%arg6 : memref<128x128xf32, #tpu.memory_space<vmem>>) offsets(%dma_start3A_220 : memref<128xi32, #tpu.memory_space<vmem>>) semaphore(%arg7 : memref<!tpu.dma_semaphore, #tpu.memory_space<semaphore_mem>>)
    %dma_wait3A_224 = arith.constant 12 : i32
    %dma_wait3A_225 = arith.constant 0 : i32
    %dma_wait3A_226 = tpu.memref_slice %arg5[%dma_wait3A_224, %dma_wait3A_225] : memref<16x128xi32, #tpu.memory_space<vmem>> -> memref<1x128xi32, #tpu.memory_space<vmem>>
    %dma_wait3A_227 = tpu.memref_squeeze %dma_wait3A_226 : memref<1x128xi32, #tpu.memory_space<vmem>> -> memref<128xi32, #tpu.memory_space<vmem>>
    %dma_wait3A_228 = arith.constant 0 : i32
    %dma_wait3A_229 = arith.constant 0 : i32
    %dma_wait3A_230 = tpu.memref_slice %arg2[%dma_wait3A_228, %dma_wait3A_229] : memref<8192x128xf32, #tpu.memory_space<hbm>> -> memref<8192x128xf32, #tpu.memory_space<hbm>>
    tpu.wait_indirect_dma semaphore(%arg7 : memref<!tpu.dma_semaphore, #tpu.memory_space<semaphore_mem>>) src(%dma_wait3A_230 : memref<8192x128xf32, #tpu.memory_space<hbm>>) dst(%arg6 : memref<128x128xf32, #tpu.memory_space<vmem>>)
    %add3A_231 = arith.constant 12 : i32
    %add3A_232 = arith.addi %mul3A_2, %add3A_231 : i32
    %mul3A_233 = arith.constant 128 : i32
    %mul3A_234 = arith.muli %add3A_232, %mul3A_233 : i32
    "tpu.region"() ({
      %run_scoped3A = tpu.sem_alloc : memref<!tpu.dma_semaphore, #tpu.memory_space<semaphore_mem>>
      %dma_start3A_289 = arith.constant 0 : i32
      %dma_start3A_290 = tpu.memref_slice %arg4[%mul3A_234, %dma_start3A_289] : memref<65536x128xf32, #tpu.memory_space<hbm>> -> memref<128x128xf32, #tpu.memory_space<hbm>>
      %dma_start3A_291 = arith.constant 0 : i32
      %dma_start3A_292 = tpu.memref_slice %arg4[%mul3A_234, %dma_start3A_291] : memref<65536x128xf32, #tpu.memory_space<hbm>> -> memref<128x128xf32, #tpu.memory_space<hbm>>
      tpu.enqueue_dma source(%arg6 : memref<128x128xf32, #tpu.memory_space<vmem>>) target(%dma_start3A_292 : memref<128x128xf32, #tpu.memory_space<hbm>>) target_semaphore(%run_scoped3A : memref<!tpu.dma_semaphore, #tpu.memory_space<semaphore_mem>>)
      %dma_wait3A_293 = arith.constant 0 : i32
      %dma_wait3A_294 = tpu.memref_slice %arg4[%mul3A_234, %dma_wait3A_293] : memref<65536x128xf32, #tpu.memory_space<hbm>> -> memref<128x128xf32, #tpu.memory_space<hbm>>
      %dma_wait3A_295 = arith.constant 0 : i32
      %dma_wait3A_296 = tpu.memref_slice %arg4[%mul3A_234, %dma_wait3A_295] : memref<65536x128xf32, #tpu.memory_space<hbm>> -> memref<128x128xf32, #tpu.memory_space<hbm>>
      tpu.wait_dma2 semaphore(%run_scoped3A : memref<!tpu.dma_semaphore, #tpu.memory_space<semaphore_mem>>) src(%arg6 : memref<128x128xf32, #tpu.memory_space<vmem>>) dst(%dma_wait3A_296 : memref<128x128xf32, #tpu.memory_space<hbm>>)
      tpu.yield
    }) : () -> ()
    %dma_start3A_235 = arith.constant 13 : i32
    %dma_start3A_236 = arith.constant 0 : i32
    %dma_start3A_237 = tpu.memref_slice %arg5[%dma_start3A_235, %dma_start3A_236] : memref<16x128xi32, #tpu.memory_space<vmem>> -> memref<1x128xi32, #tpu.memory_space<vmem>>
    %dma_start3A_238 = tpu.memref_squeeze %dma_start3A_237 : memref<1x128xi32, #tpu.memory_space<vmem>> -> memref<128xi32, #tpu.memory_space<vmem>>
    %dma_start3A_239 = arith.constant 0 : i32
    %dma_start3A_240 = arith.constant 0 : i32
    %dma_start3A_241 = tpu.memref_slice %arg2[%dma_start3A_239, %dma_start3A_240] : memref<8192x128xf32, #tpu.memory_space<hbm>> -> memref<8192x128xf32, #tpu.memory_space<hbm>>
    tpu.enqueue_indirect_dma source(%dma_start3A_241 : memref<8192x128xf32, #tpu.memory_space<hbm>>) target(%arg6 : memref<128x128xf32, #tpu.memory_space<vmem>>) offsets(%dma_start3A_238 : memref<128xi32, #tpu.memory_space<vmem>>) semaphore(%arg7 : memref<!tpu.dma_semaphore, #tpu.memory_space<semaphore_mem>>)
    %dma_wait3A_242 = arith.constant 13 : i32
    %dma_wait3A_243 = arith.constant 0 : i32
    %dma_wait3A_244 = tpu.memref_slice %arg5[%dma_wait3A_242, %dma_wait3A_243] : memref<16x128xi32, #tpu.memory_space<vmem>> -> memref<1x128xi32, #tpu.memory_space<vmem>>
    %dma_wait3A_245 = tpu.memref_squeeze %dma_wait3A_244 : memref<1x128xi32, #tpu.memory_space<vmem>> -> memref<128xi32, #tpu.memory_space<vmem>>
    %dma_wait3A_246 = arith.constant 0 : i32
    %dma_wait3A_247 = arith.constant 0 : i32
    %dma_wait3A_248 = tpu.memref_slice %arg2[%dma_wait3A_246, %dma_wait3A_247] : memref<8192x128xf32, #tpu.memory_space<hbm>> -> memref<8192x128xf32, #tpu.memory_space<hbm>>
    tpu.wait_indirect_dma semaphore(%arg7 : memref<!tpu.dma_semaphore, #tpu.memory_space<semaphore_mem>>) src(%dma_wait3A_248 : memref<8192x128xf32, #tpu.memory_space<hbm>>) dst(%arg6 : memref<128x128xf32, #tpu.memory_space<vmem>>)
    %add3A_249 = arith.constant 13 : i32
    %add3A_250 = arith.addi %mul3A_2, %add3A_249 : i32
    %mul3A_251 = arith.constant 128 : i32
    %mul3A_252 = arith.muli %add3A_250, %mul3A_251 : i32
    "tpu.region"() ({
      %run_scoped3A = tpu.sem_alloc : memref<!tpu.dma_semaphore, #tpu.memory_space<semaphore_mem>>
      %dma_start3A_289 = arith.constant 0 : i32
      %dma_start3A_290 = tpu.memref_slice %arg4[%mul3A_252, %dma_start3A_289] : memref<65536x128xf32, #tpu.memory_space<hbm>> -> memref<128x128xf32, #tpu.memory_space<hbm>>
      %dma_start3A_291 = arith.constant 0 : i32
      %dma_start3A_292 = tpu.memref_slice %arg4[%mul3A_252, %dma_start3A_291] : memref<65536x128xf32, #tpu.memory_space<hbm>> -> memref<128x128xf32, #tpu.memory_space<hbm>>
      tpu.enqueue_dma source(%arg6 : memref<128x128xf32, #tpu.memory_space<vmem>>) target(%dma_start3A_292 : memref<128x128xf32, #tpu.memory_space<hbm>>) target_semaphore(%run_scoped3A : memref<!tpu.dma_semaphore, #tpu.memory_space<semaphore_mem>>)
      %dma_wait3A_293 = arith.constant 0 : i32
      %dma_wait3A_294 = tpu.memref_slice %arg4[%mul3A_252, %dma_wait3A_293] : memref<65536x128xf32, #tpu.memory_space<hbm>> -> memref<128x128xf32, #tpu.memory_space<hbm>>
      %dma_wait3A_295 = arith.constant 0 : i32
      %dma_wait3A_296 = tpu.memref_slice %arg4[%mul3A_252, %dma_wait3A_295] : memref<65536x128xf32, #tpu.memory_space<hbm>> -> memref<128x128xf32, #tpu.memory_space<hbm>>
      tpu.wait_dma2 semaphore(%run_scoped3A : memref<!tpu.dma_semaphore, #tpu.memory_space<semaphore_mem>>) src(%arg6 : memref<128x128xf32, #tpu.memory_space<vmem>>) dst(%dma_wait3A_296 : memref<128x128xf32, #tpu.memory_space<hbm>>)
      tpu.yield
    }) : () -> ()
    %dma_start3A_253 = arith.constant 14 : i32
    %dma_start3A_254 = arith.constant 0 : i32
    %dma_start3A_255 = tpu.memref_slice %arg5[%dma_start3A_253, %dma_start3A_254] : memref<16x128xi32, #tpu.memory_space<vmem>> -> memref<1x128xi32, #tpu.memory_space<vmem>>
    %dma_start3A_256 = tpu.memref_squeeze %dma_start3A_255 : memref<1x128xi32, #tpu.memory_space<vmem>> -> memref<128xi32, #tpu.memory_space<vmem>>
    %dma_start3A_257 = arith.constant 0 : i32
    %dma_start3A_258 = arith.constant 0 : i32
    %dma_start3A_259 = tpu.memref_slice %arg2[%dma_start3A_257, %dma_start3A_258] : memref<8192x128xf32, #tpu.memory_space<hbm>> -> memref<8192x128xf32, #tpu.memory_space<hbm>>
    tpu.enqueue_indirect_dma source(%dma_start3A_259 : memref<8192x128xf32, #tpu.memory_space<hbm>>) target(%arg6 : memref<128x128xf32, #tpu.memory_space<vmem>>) offsets(%dma_start3A_256 : memref<128xi32, #tpu.memory_space<vmem>>) semaphore(%arg7 : memref<!tpu.dma_semaphore, #tpu.memory_space<semaphore_mem>>)
    %dma_wait3A_260 = arith.constant 14 : i32
    %dma_wait3A_261 = arith.constant 0 : i32
    %dma_wait3A_262 = tpu.memref_slice %arg5[%dma_wait3A_260, %dma_wait3A_261] : memref<16x128xi32, #tpu.memory_space<vmem>> -> memref<1x128xi32, #tpu.memory_space<vmem>>
    %dma_wait3A_263 = tpu.memref_squeeze %dma_wait3A_262 : memref<1x128xi32, #tpu.memory_space<vmem>> -> memref<128xi32, #tpu.memory_space<vmem>>
    %dma_wait3A_264 = arith.constant 0 : i32
    %dma_wait3A_265 = arith.constant 0 : i32
    %dma_wait3A_266 = tpu.memref_slice %arg2[%dma_wait3A_264, %dma_wait3A_265] : memref<8192x128xf32, #tpu.memory_space<hbm>> -> memref<8192x128xf32, #tpu.memory_space<hbm>>
    tpu.wait_indirect_dma semaphore(%arg7 : memref<!tpu.dma_semaphore, #tpu.memory_space<semaphore_mem>>) src(%dma_wait3A_266 : memref<8192x128xf32, #tpu.memory_space<hbm>>) dst(%arg6 : memref<128x128xf32, #tpu.memory_space<vmem>>)
    %add3A_267 = arith.constant 14 : i32
    %add3A_268 = arith.addi %mul3A_2, %add3A_267 : i32
    %mul3A_269 = arith.constant 128 : i32
    %mul3A_270 = arith.muli %add3A_268, %mul3A_269 : i32
    "tpu.region"() ({
      %run_scoped3A = tpu.sem_alloc : memref<!tpu.dma_semaphore, #tpu.memory_space<semaphore_mem>>
      %dma_start3A_289 = arith.constant 0 : i32
      %dma_start3A_290 = tpu.memref_slice %arg4[%mul3A_270, %dma_start3A_289] : memref<65536x128xf32, #tpu.memory_space<hbm>> -> memref<128x128xf32, #tpu.memory_space<hbm>>
      %dma_start3A_291 = arith.constant 0 : i32
      %dma_start3A_292 = tpu.memref_slice %arg4[%mul3A_270, %dma_start3A_291] : memref<65536x128xf32, #tpu.memory_space<hbm>> -> memref<128x128xf32, #tpu.memory_space<hbm>>
      tpu.enqueue_dma source(%arg6 : memref<128x128xf32, #tpu.memory_space<vmem>>) target(%dma_start3A_292 : memref<128x128xf32, #tpu.memory_space<hbm>>) target_semaphore(%run_scoped3A : memref<!tpu.dma_semaphore, #tpu.memory_space<semaphore_mem>>)
      %dma_wait3A_293 = arith.constant 0 : i32
      %dma_wait3A_294 = tpu.memref_slice %arg4[%mul3A_270, %dma_wait3A_293] : memref<65536x128xf32, #tpu.memory_space<hbm>> -> memref<128x128xf32, #tpu.memory_space<hbm>>
      %dma_wait3A_295 = arith.constant 0 : i32
      %dma_wait3A_296 = tpu.memref_slice %arg4[%mul3A_270, %dma_wait3A_295] : memref<65536x128xf32, #tpu.memory_space<hbm>> -> memref<128x128xf32, #tpu.memory_space<hbm>>
      tpu.wait_dma2 semaphore(%run_scoped3A : memref<!tpu.dma_semaphore, #tpu.memory_space<semaphore_mem>>) src(%arg6 : memref<128x128xf32, #tpu.memory_space<vmem>>) dst(%dma_wait3A_296 : memref<128x128xf32, #tpu.memory_space<hbm>>)
      tpu.yield
    }) : () -> ()
    %dma_start3A_271 = arith.constant 15 : i32
    %dma_start3A_272 = arith.constant 0 : i32
    %dma_start3A_273 = tpu.memref_slice %arg5[%dma_start3A_271, %dma_start3A_272] : memref<16x128xi32, #tpu.memory_space<vmem>> -> memref<1x128xi32, #tpu.memory_space<vmem>>
    %dma_start3A_274 = tpu.memref_squeeze %dma_start3A_273 : memref<1x128xi32, #tpu.memory_space<vmem>> -> memref<128xi32, #tpu.memory_space<vmem>>
    %dma_start3A_275 = arith.constant 0 : i32
    %dma_start3A_276 = arith.constant 0 : i32
    %dma_start3A_277 = tpu.memref_slice %arg2[%dma_start3A_275, %dma_start3A_276] : memref<8192x128xf32, #tpu.memory_space<hbm>> -> memref<8192x128xf32, #tpu.memory_space<hbm>>
    tpu.enqueue_indirect_dma source(%dma_start3A_277 : memref<8192x128xf32, #tpu.memory_space<hbm>>) target(%arg6 : memref<128x128xf32, #tpu.memory_space<vmem>>) offsets(%dma_start3A_274 : memref<128xi32, #tpu.memory_space<vmem>>) semaphore(%arg7 : memref<!tpu.dma_semaphore, #tpu.memory_space<semaphore_mem>>)
    %dma_wait3A_278 = arith.constant 15 : i32
    %dma_wait3A_279 = arith.constant 0 : i32
    %dma_wait3A_280 = tpu.memref_slice %arg5[%dma_wait3A_278, %dma_wait3A_279] : memref<16x128xi32, #tpu.memory_space<vmem>> -> memref<1x128xi32, #tpu.memory_space<vmem>>
    %dma_wait3A_281 = tpu.memref_squeeze %dma_wait3A_280 : memref<1x128xi32, #tpu.memory_space<vmem>> -> memref<128xi32, #tpu.memory_space<vmem>>
    %dma_wait3A_282 = arith.constant 0 : i32
    %dma_wait3A_283 = arith.constant 0 : i32
    %dma_wait3A_284 = tpu.memref_slice %arg2[%dma_wait3A_282, %dma_wait3A_283] : memref<8192x128xf32, #tpu.memory_space<hbm>> -> memref<8192x128xf32, #tpu.memory_space<hbm>>
    tpu.wait_indirect_dma semaphore(%arg7 : memref<!tpu.dma_semaphore, #tpu.memory_space<semaphore_mem>>) src(%dma_wait3A_284 : memref<8192x128xf32, #tpu.memory_space<hbm>>) dst(%arg6 : memref<128x128xf32, #tpu.memory_space<vmem>>)
    %add3A_285 = arith.constant 15 : i32
    %add3A_286 = arith.addi %mul3A_2, %add3A_285 : i32
    %mul3A_287 = arith.constant 128 : i32
    %mul3A_288 = arith.muli %add3A_286, %mul3A_287 : i32
    "tpu.region"() ({
      %run_scoped3A = tpu.sem_alloc : memref<!tpu.dma_semaphore, #tpu.memory_space<semaphore_mem>>
      %dma_start3A_289 = arith.constant 0 : i32
      %dma_start3A_290 = tpu.memref_slice %arg4[%mul3A_288, %dma_start3A_289] : memref<65536x128xf32, #tpu.memory_space<hbm>> -> memref<128x128xf32, #tpu.memory_space<hbm>>
      %dma_start3A_291 = arith.constant 0 : i32
      %dma_start3A_292 = tpu.memref_slice %arg4[%mul3A_288, %dma_start3A_291] : memref<65536x128xf32, #tpu.memory_space<hbm>> -> memref<128x128xf32, #tpu.memory_space<hbm>>
      tpu.enqueue_dma source(%arg6 : memref<128x128xf32, #tpu.memory_space<vmem>>) target(%dma_start3A_292 : memref<128x128xf32, #tpu.memory_space<hbm>>) target_semaphore(%run_scoped3A : memref<!tpu.dma_semaphore, #tpu.memory_space<semaphore_mem>>)
      %dma_wait3A_293 = arith.constant 0 : i32
      %dma_wait3A_294 = tpu.memref_slice %arg4[%mul3A_288, %dma_wait3A_293] : memref<65536x128xf32, #tpu.memory_space<hbm>> -> memref<128x128xf32, #tpu.memory_space<hbm>>
      %dma_wait3A_295 = arith.constant 0 : i32
      %dma_wait3A_296 = tpu.memref_slice %arg4[%mul3A_288, %dma_wait3A_295] : memref<65536x128xf32, #tpu.memory_space<hbm>> -> memref<128x128xf32, #tpu.memory_space<hbm>>
      tpu.wait_dma2 semaphore(%run_scoped3A : memref<!tpu.dma_semaphore, #tpu.memory_space<semaphore_mem>>) src(%arg6 : memref<128x128xf32, #tpu.memory_space<vmem>>) dst(%dma_wait3A_296 : memref<128x128xf32, #tpu.memory_space<hbm>>)
      tpu.yield
    }) : () -> ()
    return
  }
}

#map = affine_map<(d0, d1) -> (0, 0)>
module attributes {stable_mosaic.version = 14 : i64} {
  func.func @body(%arg0: i32, %arg1: i32, %arg2: memref<8192x128xf32, #tpu.memory_space<hbm>>, %arg3: memref<64x128xi32, #tpu.memory_space<hbm>>, %arg4: memref<8192x128xf32, #tpu.memory_space<hbm>>, %arg5: memref<2x128xi32, #tpu.memory_space<vmem>>, %arg6: memref<128x128xf32, #tpu.memory_space<vmem>>, %arg7: memref<!tpu.dma_semaphore, #tpu.memory_space<semaphore_mem>>) attributes {dimension_semantics = [#tpu.dimension_semantics<core_parallel>, #tpu.dimension_semantics<subcore_parallel>], iteration_bounds = array<i64: 2, 16>, scalar_prefetch = 0 : i64, scratch_operands = 3 : i64, tpu.core_type = #tpu.core_type<sc_vector_subcore>, window_params = [{transform_indices = #map}, {transform_indices = #map}, {transform_indices = #map}]} {
    %mul3A = arith.constant 2 : i32
    %mul3A_0 = arith.muli %arg1, %mul3A : i32
    %add3A = arith.addi %mul3A_0, %arg0 : i32
    %mul3A_1 = arith.constant 2 : i32
    %mul3A_2 = arith.muli %add3A, %mul3A_1 : i32
    "tpu.region"() ({
      %run_scoped3A = tpu.sem_alloc : memref<!tpu.dma_semaphore, #tpu.memory_space<semaphore_mem>>
      %dma_start3A_37 = arith.constant 0 : i32
      %dma_start3A_38 = tpu.memref_slice %arg3[%mul3A_2, %dma_start3A_37] : memref<64x128xi32, #tpu.memory_space<hbm>> -> memref<2x128xi32, #tpu.memory_space<hbm>>
      %dma_start3A_39 = arith.constant 0 : i32
      %dma_start3A_40 = tpu.memref_slice %arg3[%mul3A_2, %dma_start3A_39] : memref<64x128xi32, #tpu.memory_space<hbm>> -> memref<2x128xi32, #tpu.memory_space<hbm>>
      tpu.enqueue_dma source(%dma_start3A_40 : memref<2x128xi32, #tpu.memory_space<hbm>>) target(%arg5 : memref<2x128xi32, #tpu.memory_space<vmem>>) target_semaphore(%run_scoped3A : memref<!tpu.dma_semaphore, #tpu.memory_space<semaphore_mem>>)
      %dma_wait3A_41 = arith.constant 0 : i32
      %dma_wait3A_42 = tpu.memref_slice %arg3[%mul3A_2, %dma_wait3A_41] : memref<64x128xi32, #tpu.memory_space<hbm>> -> memref<2x128xi32, #tpu.memory_space<hbm>>
      %dma_wait3A_43 = arith.constant 0 : i32
      %dma_wait3A_44 = tpu.memref_slice %arg3[%mul3A_2, %dma_wait3A_43] : memref<64x128xi32, #tpu.memory_space<hbm>> -> memref<2x128xi32, #tpu.memory_space<hbm>>
      tpu.wait_dma2 semaphore(%run_scoped3A : memref<!tpu.dma_semaphore, #tpu.memory_space<semaphore_mem>>) src(%dma_wait3A_44 : memref<2x128xi32, #tpu.memory_space<hbm>>) dst(%arg5 : memref<2x128xi32, #tpu.memory_space<vmem>>)
      tpu.yield
    }) : () -> ()
    %dma_start3A = arith.constant 0 : i32
    %dma_start3A_3 = arith.constant 0 : i32
    %dma_start3A_4 = tpu.memref_slice %arg5[%dma_start3A, %dma_start3A_3] : memref<2x128xi32, #tpu.memory_space<vmem>> -> memref<1x128xi32, #tpu.memory_space<vmem>>
    %dma_start3A_5 = tpu.memref_squeeze %dma_start3A_4 : memref<1x128xi32, #tpu.memory_space<vmem>> -> memref<128xi32, #tpu.memory_space<vmem>>
    %dma_start3A_6 = arith.constant 0 : i32
    %dma_start3A_7 = arith.constant 0 : i32
    %dma_start3A_8 = tpu.memref_slice %arg2[%dma_start3A_6, %dma_start3A_7] : memref<8192x128xf32, #tpu.memory_space<hbm>> -> memref<8192x128xf32, #tpu.memory_space<hbm>>
    tpu.enqueue_indirect_dma source(%dma_start3A_8 : memref<8192x128xf32, #tpu.memory_space<hbm>>) target(%arg6 : memref<128x128xf32, #tpu.memory_space<vmem>>) offsets(%dma_start3A_5 : memref<128xi32, #tpu.memory_space<vmem>>) semaphore(%arg7 : memref<!tpu.dma_semaphore, #tpu.memory_space<semaphore_mem>>)
    %dma_wait3A = arith.constant 0 : i32
    %dma_wait3A_9 = arith.constant 0 : i32
    %dma_wait3A_10 = tpu.memref_slice %arg5[%dma_wait3A, %dma_wait3A_9] : memref<2x128xi32, #tpu.memory_space<vmem>> -> memref<1x128xi32, #tpu.memory_space<vmem>>
    %dma_wait3A_11 = tpu.memref_squeeze %dma_wait3A_10 : memref<1x128xi32, #tpu.memory_space<vmem>> -> memref<128xi32, #tpu.memory_space<vmem>>
    %dma_wait3A_12 = arith.constant 0 : i32
    %dma_wait3A_13 = arith.constant 0 : i32
    %dma_wait3A_14 = tpu.memref_slice %arg2[%dma_wait3A_12, %dma_wait3A_13] : memref<8192x128xf32, #tpu.memory_space<hbm>> -> memref<8192x128xf32, #tpu.memory_space<hbm>>
    tpu.wait_indirect_dma semaphore(%arg7 : memref<!tpu.dma_semaphore, #tpu.memory_space<semaphore_mem>>) src(%dma_wait3A_14 : memref<8192x128xf32, #tpu.memory_space<hbm>>) dst(%arg6 : memref<128x128xf32, #tpu.memory_space<vmem>>)
    %add3A_15 = arith.constant 0 : i32
    %add3A_16 = arith.addi %mul3A_2, %add3A_15 : i32
    %mul3A_17 = arith.constant 128 : i32
    %mul3A_18 = arith.muli %add3A_16, %mul3A_17 : i32
    "tpu.region"() ({
      %run_scoped3A = tpu.sem_alloc : memref<!tpu.dma_semaphore, #tpu.memory_space<semaphore_mem>>
      %dma_start3A_37 = arith.constant 0 : i32
      %dma_start3A_38 = tpu.memref_slice %arg4[%mul3A_18, %dma_start3A_37] : memref<8192x128xf32, #tpu.memory_space<hbm>> -> memref<128x128xf32, #tpu.memory_space<hbm>>
      %dma_start3A_39 = arith.constant 0 : i32
      %dma_start3A_40 = tpu.memref_slice %arg4[%mul3A_18, %dma_start3A_39] : memref<8192x128xf32, #tpu.memory_space<hbm>> -> memref<128x128xf32, #tpu.memory_space<hbm>>
      tpu.enqueue_dma source(%arg6 : memref<128x128xf32, #tpu.memory_space<vmem>>) target(%dma_start3A_40 : memref<128x128xf32, #tpu.memory_space<hbm>>) target_semaphore(%run_scoped3A : memref<!tpu.dma_semaphore, #tpu.memory_space<semaphore_mem>>)
      %dma_wait3A_41 = arith.constant 0 : i32
      %dma_wait3A_42 = tpu.memref_slice %arg4[%mul3A_18, %dma_wait3A_41] : memref<8192x128xf32, #tpu.memory_space<hbm>> -> memref<128x128xf32, #tpu.memory_space<hbm>>
      %dma_wait3A_43 = arith.constant 0 : i32
      %dma_wait3A_44 = tpu.memref_slice %arg4[%mul3A_18, %dma_wait3A_43] : memref<8192x128xf32, #tpu.memory_space<hbm>> -> memref<128x128xf32, #tpu.memory_space<hbm>>
      tpu.wait_dma2 semaphore(%run_scoped3A : memref<!tpu.dma_semaphore, #tpu.memory_space<semaphore_mem>>) src(%arg6 : memref<128x128xf32, #tpu.memory_space<vmem>>) dst(%dma_wait3A_44 : memref<128x128xf32, #tpu.memory_space<hbm>>)
      tpu.yield
    }) : () -> ()
    %dma_start3A_19 = arith.constant 1 : i32
    %dma_start3A_20 = arith.constant 0 : i32
    %dma_start3A_21 = tpu.memref_slice %arg5[%dma_start3A_19, %dma_start3A_20] : memref<2x128xi32, #tpu.memory_space<vmem>> -> memref<1x128xi32, #tpu.memory_space<vmem>>
    %dma_start3A_22 = tpu.memref_squeeze %dma_start3A_21 : memref<1x128xi32, #tpu.memory_space<vmem>> -> memref<128xi32, #tpu.memory_space<vmem>>
    %dma_start3A_23 = arith.constant 0 : i32
    %dma_start3A_24 = arith.constant 0 : i32
    %dma_start3A_25 = tpu.memref_slice %arg2[%dma_start3A_23, %dma_start3A_24] : memref<8192x128xf32, #tpu.memory_space<hbm>> -> memref<8192x128xf32, #tpu.memory_space<hbm>>
    tpu.enqueue_indirect_dma source(%dma_start3A_25 : memref<8192x128xf32, #tpu.memory_space<hbm>>) target(%arg6 : memref<128x128xf32, #tpu.memory_space<vmem>>) offsets(%dma_start3A_22 : memref<128xi32, #tpu.memory_space<vmem>>) semaphore(%arg7 : memref<!tpu.dma_semaphore, #tpu.memory_space<semaphore_mem>>)
    %dma_wait3A_26 = arith.constant 1 : i32
    %dma_wait3A_27 = arith.constant 0 : i32
    %dma_wait3A_28 = tpu.memref_slice %arg5[%dma_wait3A_26, %dma_wait3A_27] : memref<2x128xi32, #tpu.memory_space<vmem>> -> memref<1x128xi32, #tpu.memory_space<vmem>>
    %dma_wait3A_29 = tpu.memref_squeeze %dma_wait3A_28 : memref<1x128xi32, #tpu.memory_space<vmem>> -> memref<128xi32, #tpu.memory_space<vmem>>
    %dma_wait3A_30 = arith.constant 0 : i32
    %dma_wait3A_31 = arith.constant 0 : i32
    %dma_wait3A_32 = tpu.memref_slice %arg2[%dma_wait3A_30, %dma_wait3A_31] : memref<8192x128xf32, #tpu.memory_space<hbm>> -> memref<8192x128xf32, #tpu.memory_space<hbm>>
    tpu.wait_indirect_dma semaphore(%arg7 : memref<!tpu.dma_semaphore, #tpu.memory_space<semaphore_mem>>) src(%dma_wait3A_32 : memref<8192x128xf32, #tpu.memory_space<hbm>>) dst(%arg6 : memref<128x128xf32, #tpu.memory_space<vmem>>)
    %add3A_33 = arith.constant 1 : i32
    %add3A_34 = arith.addi %mul3A_2, %add3A_33 : i32
    %mul3A_35 = arith.constant 128 : i32
    %mul3A_36 = arith.muli %add3A_34, %mul3A_35 : i32
    "tpu.region"() ({
      %run_scoped3A = tpu.sem_alloc : memref<!tpu.dma_semaphore, #tpu.memory_space<semaphore_mem>>
      %dma_start3A_37 = arith.constant 0 : i32
      %dma_start3A_38 = tpu.memref_slice %arg4[%mul3A_36, %dma_start3A_37] : memref<8192x128xf32, #tpu.memory_space<hbm>> -> memref<128x128xf32, #tpu.memory_space<hbm>>
      %dma_start3A_39 = arith.constant 0 : i32
      %dma_start3A_40 = tpu.memref_slice %arg4[%mul3A_36, %dma_start3A_39] : memref<8192x128xf32, #tpu.memory_space<hbm>> -> memref<128x128xf32, #tpu.memory_space<hbm>>
      tpu.enqueue_dma source(%arg6 : memref<128x128xf32, #tpu.memory_space<vmem>>) target(%dma_start3A_40 : memref<128x128xf32, #tpu.memory_space<hbm>>) target_semaphore(%run_scoped3A : memref<!tpu.dma_semaphore, #tpu.memory_space<semaphore_mem>>)
      %dma_wait3A_41 = arith.constant 0 : i32
      %dma_wait3A_42 = tpu.memref_slice %arg4[%mul3A_36, %dma_wait3A_41] : memref<8192x128xf32, #tpu.memory_space<hbm>> -> memref<128x128xf32, #tpu.memory_space<hbm>>
      %dma_wait3A_43 = arith.constant 0 : i32
      %dma_wait3A_44 = tpu.memref_slice %arg4[%mul3A_36, %dma_wait3A_43] : memref<8192x128xf32, #tpu.memory_space<hbm>> -> memref<128x128xf32, #tpu.memory_space<hbm>>
      tpu.wait_dma2 semaphore(%run_scoped3A : memref<!tpu.dma_semaphore, #tpu.memory_space<semaphore_mem>>) src(%arg6 : memref<128x128xf32, #tpu.memory_space<vmem>>) dst(%dma_wait3A_44 : memref<128x128xf32, #tpu.memory_space<hbm>>)
      tpu.yield
    }) : () -> ()
    return
  }
}

#map = affine_map<(d0, d1) -> (0, 0)>
module attributes {stable_mosaic.version = 14 : i64} {
  func.func @body(%arg0: i32, %arg1: i32, %arg2: memref<8192x128xf32, #tpu.memory_space<hbm>>, %arg3: memref<64x128xi32, #tpu.memory_space<hbm>>, %arg4: memref<8192x128xf32, #tpu.memory_space<hbm>>, %arg5: memref<2x128xi32, #tpu.memory_space<vmem>>, %arg6: memref<128x128xf32, #tpu.memory_space<vmem>>, %arg7: memref<!tpu.dma_semaphore, #tpu.memory_space<semaphore_mem>>) attributes {dimension_semantics = [#tpu.dimension_semantics<core_parallel>, #tpu.dimension_semantics<subcore_parallel>], iteration_bounds = array<i64: 2, 16>, scalar_prefetch = 0 : i64, scratch_operands = 3 : i64, tpu.core_type = #tpu.core_type<sc_vector_subcore>, window_params = [{transform_indices = #map}, {transform_indices = #map}, {transform_indices = #map}]} {
    %mul3A = arith.constant 2 : i32
    %mul3A_0 = arith.muli %arg1, %mul3A : i32
    %add3A = arith.addi %mul3A_0, %arg0 : i32
    %mul3A_1 = arith.constant 2 : i32
    %mul3A_2 = arith.muli %add3A, %mul3A_1 : i32
    "tpu.region"() ({
      %run_scoped3A = tpu.sem_alloc : memref<!tpu.dma_semaphore, #tpu.memory_space<semaphore_mem>>
      %dma_start3A_37 = arith.constant 0 : i32
      %dma_start3A_38 = tpu.memref_slice %arg3[%mul3A_2, %dma_start3A_37] : memref<64x128xi32, #tpu.memory_space<hbm>> -> memref<2x128xi32, #tpu.memory_space<hbm>>
      %dma_start3A_39 = arith.constant 0 : i32
      %dma_start3A_40 = tpu.memref_slice %arg3[%mul3A_2, %dma_start3A_39] : memref<64x128xi32, #tpu.memory_space<hbm>> -> memref<2x128xi32, #tpu.memory_space<hbm>>
      tpu.enqueue_dma source(%dma_start3A_40 : memref<2x128xi32, #tpu.memory_space<hbm>>) target(%arg5 : memref<2x128xi32, #tpu.memory_space<vmem>>) target_semaphore(%run_scoped3A : memref<!tpu.dma_semaphore, #tpu.memory_space<semaphore_mem>>)
      %dma_wait3A_41 = arith.constant 0 : i32
      %dma_wait3A_42 = tpu.memref_slice %arg3[%mul3A_2, %dma_wait3A_41] : memref<64x128xi32, #tpu.memory_space<hbm>> -> memref<2x128xi32, #tpu.memory_space<hbm>>
      %dma_wait3A_43 = arith.constant 0 : i32
      %dma_wait3A_44 = tpu.memref_slice %arg3[%mul3A_2, %dma_wait3A_43] : memref<64x128xi32, #tpu.memory_space<hbm>> -> memref<2x128xi32, #tpu.memory_space<hbm>>
      tpu.wait_dma2 semaphore(%run_scoped3A : memref<!tpu.dma_semaphore, #tpu.memory_space<semaphore_mem>>) src(%dma_wait3A_44 : memref<2x128xi32, #tpu.memory_space<hbm>>) dst(%arg5 : memref<2x128xi32, #tpu.memory_space<vmem>>)
      tpu.yield
    }) : () -> ()
    %dma_start3A = arith.constant 0 : i32
    %dma_start3A_3 = arith.constant 0 : i32
    %dma_start3A_4 = tpu.memref_slice %arg5[%dma_start3A, %dma_start3A_3] : memref<2x128xi32, #tpu.memory_space<vmem>> -> memref<1x128xi32, #tpu.memory_space<vmem>>
    %dma_start3A_5 = tpu.memref_squeeze %dma_start3A_4 : memref<1x128xi32, #tpu.memory_space<vmem>> -> memref<128xi32, #tpu.memory_space<vmem>>
    %dma_start3A_6 = arith.constant 0 : i32
    %dma_start3A_7 = arith.constant 0 : i32
    %dma_start3A_8 = tpu.memref_slice %arg2[%dma_start3A_6, %dma_start3A_7] : memref<8192x128xf32, #tpu.memory_space<hbm>> -> memref<8192x128xf32, #tpu.memory_space<hbm>>
    tpu.enqueue_indirect_dma source(%dma_start3A_8 : memref<8192x128xf32, #tpu.memory_space<hbm>>) target(%arg6 : memref<128x128xf32, #tpu.memory_space<vmem>>) offsets(%dma_start3A_5 : memref<128xi32, #tpu.memory_space<vmem>>) semaphore(%arg7 : memref<!tpu.dma_semaphore, #tpu.memory_space<semaphore_mem>>)
    %dma_wait3A = arith.constant 0 : i32
    %dma_wait3A_9 = arith.constant 0 : i32
    %dma_wait3A_10 = tpu.memref_slice %arg5[%dma_wait3A, %dma_wait3A_9] : memref<2x128xi32, #tpu.memory_space<vmem>> -> memref<1x128xi32, #tpu.memory_space<vmem>>
    %dma_wait3A_11 = tpu.memref_squeeze %dma_wait3A_10 : memref<1x128xi32, #tpu.memory_space<vmem>> -> memref<128xi32, #tpu.memory_space<vmem>>
    %dma_wait3A_12 = arith.constant 0 : i32
    %dma_wait3A_13 = arith.constant 0 : i32
    %dma_wait3A_14 = tpu.memref_slice %arg2[%dma_wait3A_12, %dma_wait3A_13] : memref<8192x128xf32, #tpu.memory_space<hbm>> -> memref<8192x128xf32, #tpu.memory_space<hbm>>
    tpu.wait_indirect_dma semaphore(%arg7 : memref<!tpu.dma_semaphore, #tpu.memory_space<semaphore_mem>>) src(%dma_wait3A_14 : memref<8192x128xf32, #tpu.memory_space<hbm>>) dst(%arg6 : memref<128x128xf32, #tpu.memory_space<vmem>>)
    %add3A_15 = arith.constant 0 : i32
    %add3A_16 = arith.addi %mul3A_2, %add3A_15 : i32
    %mul3A_17 = arith.constant 128 : i32
    %mul3A_18 = arith.muli %add3A_16, %mul3A_17 : i32
    "tpu.region"() ({
      %run_scoped3A = tpu.sem_alloc : memref<!tpu.dma_semaphore, #tpu.memory_space<semaphore_mem>>
      %dma_start3A_37 = arith.constant 0 : i32
      %dma_start3A_38 = tpu.memref_slice %arg4[%mul3A_18, %dma_start3A_37] : memref<8192x128xf32, #tpu.memory_space<hbm>> -> memref<128x128xf32, #tpu.memory_space<hbm>>
      %dma_start3A_39 = arith.constant 0 : i32
      %dma_start3A_40 = tpu.memref_slice %arg4[%mul3A_18, %dma_start3A_39] : memref<8192x128xf32, #tpu.memory_space<hbm>> -> memref<128x128xf32, #tpu.memory_space<hbm>>
      tpu.enqueue_dma source(%arg6 : memref<128x128xf32, #tpu.memory_space<vmem>>) target(%dma_start3A_40 : memref<128x128xf32, #tpu.memory_space<hbm>>) target_semaphore(%run_scoped3A : memref<!tpu.dma_semaphore, #tpu.memory_space<semaphore_mem>>)
      %dma_wait3A_41 = arith.constant 0 : i32
      %dma_wait3A_42 = tpu.memref_slice %arg4[%mul3A_18, %dma_wait3A_41] : memref<8192x128xf32, #tpu.memory_space<hbm>> -> memref<128x128xf32, #tpu.memory_space<hbm>>
      %dma_wait3A_43 = arith.constant 0 : i32
      %dma_wait3A_44 = tpu.memref_slice %arg4[%mul3A_18, %dma_wait3A_43] : memref<8192x128xf32, #tpu.memory_space<hbm>> -> memref<128x128xf32, #tpu.memory_space<hbm>>
      tpu.wait_dma2 semaphore(%run_scoped3A : memref<!tpu.dma_semaphore, #tpu.memory_space<semaphore_mem>>) src(%arg6 : memref<128x128xf32, #tpu.memory_space<vmem>>) dst(%dma_wait3A_44 : memref<128x128xf32, #tpu.memory_space<hbm>>)
      tpu.yield
    }) : () -> ()
    %dma_start3A_19 = arith.constant 1 : i32
    %dma_start3A_20 = arith.constant 0 : i32
    %dma_start3A_21 = tpu.memref_slice %arg5[%dma_start3A_19, %dma_start3A_20] : memref<2x128xi32, #tpu.memory_space<vmem>> -> memref<1x128xi32, #tpu.memory_space<vmem>>
    %dma_start3A_22 = tpu.memref_squeeze %dma_start3A_21 : memref<1x128xi32, #tpu.memory_space<vmem>> -> memref<128xi32, #tpu.memory_space<vmem>>
    %dma_start3A_23 = arith.constant 0 : i32
    %dma_start3A_24 = arith.constant 0 : i32
    %dma_start3A_25 = tpu.memref_slice %arg2[%dma_start3A_23, %dma_start3A_24] : memref<8192x128xf32, #tpu.memory_space<hbm>> -> memref<8192x128xf32, #tpu.memory_space<hbm>>
    tpu.enqueue_indirect_dma source(%dma_start3A_25 : memref<8192x128xf32, #tpu.memory_space<hbm>>) target(%arg6 : memref<128x128xf32, #tpu.memory_space<vmem>>) offsets(%dma_start3A_22 : memref<128xi32, #tpu.memory_space<vmem>>) semaphore(%arg7 : memref<!tpu.dma_semaphore, #tpu.memory_space<semaphore_mem>>)
    %dma_wait3A_26 = arith.constant 1 : i32
    %dma_wait3A_27 = arith.constant 0 : i32
    %dma_wait3A_28 = tpu.memref_slice %arg5[%dma_wait3A_26, %dma_wait3A_27] : memref<2x128xi32, #tpu.memory_space<vmem>> -> memref<1x128xi32, #tpu.memory_space<vmem>>
    %dma_wait3A_29 = tpu.memref_squeeze %dma_wait3A_28 : memref<1x128xi32, #tpu.memory_space<vmem>> -> memref<128xi32, #tpu.memory_space<vmem>>
    %dma_wait3A_30 = arith.constant 0 : i32
    %dma_wait3A_31 = arith.constant 0 : i32
    %dma_wait3A_32 = tpu.memref_slice %arg2[%dma_wait3A_30, %dma_wait3A_31] : memref<8192x128xf32, #tpu.memory_space<hbm>> -> memref<8192x128xf32, #tpu.memory_space<hbm>>
    tpu.wait_indirect_dma semaphore(%arg7 : memref<!tpu.dma_semaphore, #tpu.memory_space<semaphore_mem>>) src(%dma_wait3A_32 : memref<8192x128xf32, #tpu.memory_space<hbm>>) dst(%arg6 : memref<128x128xf32, #tpu.memory_space<vmem>>)
    %add3A_33 = arith.constant 1 : i32
    %add3A_34 = arith.addi %mul3A_2, %add3A_33 : i32
    %mul3A_35 = arith.constant 128 : i32
    %mul3A_36 = arith.muli %add3A_34, %mul3A_35 : i32
    "tpu.region"() ({
      %run_scoped3A = tpu.sem_alloc : memref<!tpu.dma_semaphore, #tpu.memory_space<semaphore_mem>>
      %dma_start3A_37 = arith.constant 0 : i32
      %dma_start3A_38 = tpu.memref_slice %arg4[%mul3A_36, %dma_start3A_37] : memref<8192x128xf32, #tpu.memory_space<hbm>> -> memref<128x128xf32, #tpu.memory_space<hbm>>
      %dma_start3A_39 = arith.constant 0 : i32
      %dma_start3A_40 = tpu.memref_slice %arg4[%mul3A_36, %dma_start3A_39] : memref<8192x128xf32, #tpu.memory_space<hbm>> -> memref<128x128xf32, #tpu.memory_space<hbm>>
      tpu.enqueue_dma source(%arg6 : memref<128x128xf32, #tpu.memory_space<vmem>>) target(%dma_start3A_40 : memref<128x128xf32, #tpu.memory_space<hbm>>) target_semaphore(%run_scoped3A : memref<!tpu.dma_semaphore, #tpu.memory_space<semaphore_mem>>)
      %dma_wait3A_41 = arith.constant 0 : i32
      %dma_wait3A_42 = tpu.memref_slice %arg4[%mul3A_36, %dma_wait3A_41] : memref<8192x128xf32, #tpu.memory_space<hbm>> -> memref<128x128xf32, #tpu.memory_space<hbm>>
      %dma_wait3A_43 = arith.constant 0 : i32
      %dma_wait3A_44 = tpu.memref_slice %arg4[%mul3A_36, %dma_wait3A_43] : memref<8192x128xf32, #tpu.memory_space<hbm>> -> memref<128x128xf32, #tpu.memory_space<hbm>>
      tpu.wait_dma2 semaphore(%run_scoped3A : memref<!tpu.dma_semaphore, #tpu.memory_space<semaphore_mem>>) src(%arg6 : memref<128x128xf32, #tpu.memory_space<vmem>>) dst(%dma_wait3A_44 : memref<128x128xf32, #tpu.memory_space<hbm>>)
      tpu.yield
    }) : () -> ()
    return
  }
}

module attributes {stable_mosaic.version = 14 : i64} {
  func.func @_knn_body(%arg0: i32, %arg1: i32, %arg2: memref<1x3x2048xf32, #tpu.memory_space<vmem>>, %arg3: memref<1x256x3xf32, #tpu.memory_space<vmem>>, %arg4: memref<1x256x8xi32, #tpu.memory_space<vmem>>) attributes {dimension_semantics = [#tpu.dimension_semantics<arbitrary>, #tpu.dimension_semantics<arbitrary>], iteration_bounds = array<i64: 4, 8>, scalar_prefetch = 0 : i64, scratch_operands = 0 : i64, tpu.core_type = #tpu.core_type<tc>, window_params = [{transform_indices = @transform_0, window_bounds = array<i64: 1, 3, 2048>}, {transform_indices = @transform_1, window_bounds = array<i64: 1, 256, 3>}, {transform_indices = @transform_2, window_bounds = array<i64: 1, 256, 8>}]} {
    %get3A = arith.constant 0 : index
    %get3A_0 = arith.constant 0 : index
    %get3A_1 = arith.constant 0 : index
    %get3A_2 = vector.load %arg2[%get3A, %get3A_0, %get3A_1] : memref<1x3x2048xf32, #tpu.memory_space<vmem>>, vector<1x3x2048xf32>
    %get3A_3 = vector.shape_cast %get3A_2 : vector<1x3x2048xf32> to vector<3x2048xf32>
    %slice3A = vector.extract_strided_slice %get3A_3 {offsets = [0, 0], sizes = [1, 2048], strides = [1, 1]} : vector<3x2048xf32> to vector<1x2048xf32>
    %slice3A_4 = vector.extract_strided_slice %get3A_3 {offsets = [1, 0], sizes = [1, 2048], strides = [1, 1]} : vector<3x2048xf32> to vector<1x2048xf32>
    %slice3A_5 = vector.extract_strided_slice %get3A_3 {offsets = [2, 0], sizes = [1, 2048], strides = [1, 1]} : vector<3x2048xf32> to vector<1x2048xf32>
    %get3A_6 = arith.constant 0 : index
    %get3A_7 = arith.constant 0 : index
    %get3A_8 = arith.constant 0 : index
    %get3A_9 = vector.load %arg3[%get3A_6, %get3A_7, %get3A_8] : memref<1x256x3xf32, #tpu.memory_space<vmem>>, vector<1x256x3xf32>
    %get3A_10 = vector.shape_cast %get3A_9 : vector<1x256x3xf32> to vector<256x3xf32>
    %slice3A_11 = vector.extract_strided_slice %get3A_10 {offsets = [0, 0], sizes = [256, 1], strides = [1, 1]} : vector<256x3xf32> to vector<256x1xf32>
    %slice3A_12 = vector.extract_strided_slice %get3A_10 {offsets = [0, 1], sizes = [256, 1], strides = [1, 1]} : vector<256x3xf32> to vector<256x1xf32>
    %slice3A_13 = vector.extract_strided_slice %get3A_10 {offsets = [0, 2], sizes = [256, 1], strides = [1, 1]} : vector<256x3xf32> to vector<256x1xf32>
    %sub3A = vector.broadcast %slice3A_11 : vector<256x1xf32> to vector<256x2048xf32>
    %sub3A_14 = vector.broadcast %slice3A : vector<1x2048xf32> to vector<256x2048xf32>
    %sub3A_15 = arith.subf %sub3A, %sub3A_14 : vector<256x2048xf32>
    %sub3A_16 = vector.broadcast %slice3A_12 : vector<256x1xf32> to vector<256x2048xf32>
    %sub3A_17 = vector.broadcast %slice3A_4 : vector<1x2048xf32> to vector<256x2048xf32>
    %sub3A_18 = arith.subf %sub3A_16, %sub3A_17 : vector<256x2048xf32>
    %sub3A_19 = vector.broadcast %slice3A_13 : vector<256x1xf32> to vector<256x2048xf32>
    %sub3A_20 = vector.broadcast %slice3A_5 : vector<1x2048xf32> to vector<256x2048xf32>
    %sub3A_21 = arith.subf %sub3A_19, %sub3A_20 : vector<256x2048xf32>
    %mul3A = arith.mulf %sub3A_15, %sub3A_15 : vector<256x2048xf32>
    %mul3A_22 = arith.mulf %sub3A_18, %sub3A_18 : vector<256x2048xf32>
    %add3A = arith.addf %mul3A, %mul3A_22 : vector<256x2048xf32>
    %mul3A_23 = arith.mulf %sub3A_21, %sub3A_21 : vector<256x2048xf32>
    %add3A_24 = arith.addf %add3A, %mul3A_23 : vector<256x2048xf32>
    %iota3A = tpu.iota {dimensions = array<i32: 1>} : vector<256x2048xi32>
    %argmin3A = tpu.reduce_index %add3A_24 {axis = 1 : i32, kind = #tpu.reduction_kind<arg_min>} : vector<256x2048xf32> -> vector<256xi32>
    %broadcast_in_dim3A = vector.shape_cast %argmin3A : vector<256xi32> to vector<256x1xi32>
    %eq3A = vector.broadcast %broadcast_in_dim3A : vector<256x1xi32> to vector<256x2048xi32>
    %eq3A_25 = arith.cmpi eq, %iota3A, %eq3A : vector<256x2048xi32>
    %jit3A = arith.constant 0x7F800000 : f32
    %broadcast_in_dim3A_26 = vector.broadcast %jit3A : f32 to vector<256x2048xf32>
    %select_n3A = arith.select %eq3A_25, %broadcast_in_dim3A_26, %add3A_24 : vector<256x2048xi1>, vector<256x2048xf32>
    %argmin3A_27 = tpu.reduce_index %select_n3A {axis = 1 : i32, kind = #tpu.reduction_kind<arg_min>} : vector<256x2048xf32> -> vector<256xi32>
    %broadcast_in_dim3A_28 = vector.shape_cast %argmin3A_27 : vector<256xi32> to vector<256x1xi32>
    %eq3A_29 = vector.broadcast %broadcast_in_dim3A_28 : vector<256x1xi32> to vector<256x2048xi32>
    %eq3A_30 = arith.cmpi eq, %iota3A, %eq3A_29 : vector<256x2048xi32>
    %jit3A_31 = arith.constant 0x7F800000 : f32
    %broadcast_in_dim3A_32 = vector.broadcast %jit3A_31 : f32 to vector<256x2048xf32>
    %select_n3A_33 = arith.select %eq3A_30, %broadcast_in_dim3A_32, %select_n3A : vector<256x2048xi1>, vector<256x2048xf32>
    %argmin3A_34 = tpu.reduce_index %select_n3A_33 {axis = 1 : i32, kind = #tpu.reduction_kind<arg_min>} : vector<256x2048xf32> -> vector<256xi32>
    %broadcast_in_dim3A_35 = vector.shape_cast %argmin3A_34 : vector<256xi32> to vector<256x1xi32>
    %eq3A_36 = vector.broadcast %broadcast_in_dim3A_35 : vector<256x1xi32> to vector<256x2048xi32>
    %eq3A_37 = arith.cmpi eq, %iota3A, %eq3A_36 : vector<256x2048xi32>
    %jit3A_38 = arith.constant 0x7F800000 : f32
    %broadcast_in_dim3A_39 = vector.broadcast %jit3A_38 : f32 to vector<256x2048xf32>
    %select_n3A_40 = arith.select %eq3A_37, %broadcast_in_dim3A_39, %select_n3A_33 : vector<256x2048xi1>, vector<256x2048xf32>
    %argmin3A_41 = tpu.reduce_index %select_n3A_40 {axis = 1 : i32, kind = #tpu.reduction_kind<arg_min>} : vector<256x2048xf32> -> vector<256xi32>
    %broadcast_in_dim3A_42 = vector.shape_cast %argmin3A_41 : vector<256xi32> to vector<256x1xi32>
    %eq3A_43 = vector.broadcast %broadcast_in_dim3A_42 : vector<256x1xi32> to vector<256x2048xi32>
    %eq3A_44 = arith.cmpi eq, %iota3A, %eq3A_43 : vector<256x2048xi32>
    %jit3A_45 = arith.constant 0x7F800000 : f32
    %broadcast_in_dim3A_46 = vector.broadcast %jit3A_45 : f32 to vector<256x2048xf32>
    %select_n3A_47 = arith.select %eq3A_44, %broadcast_in_dim3A_46, %select_n3A_40 : vector<256x2048xi1>, vector<256x2048xf32>
    %argmin3A_48 = tpu.reduce_index %select_n3A_47 {axis = 1 : i32, kind = #tpu.reduction_kind<arg_min>} : vector<256x2048xf32> -> vector<256xi32>
    %broadcast_in_dim3A_49 = vector.shape_cast %argmin3A_48 : vector<256xi32> to vector<256x1xi32>
    %eq3A_50 = vector.broadcast %broadcast_in_dim3A_49 : vector<256x1xi32> to vector<256x2048xi32>
    %eq3A_51 = arith.cmpi eq, %iota3A, %eq3A_50 : vector<256x2048xi32>
    %jit3A_52 = arith.constant 0x7F800000 : f32
    %broadcast_in_dim3A_53 = vector.broadcast %jit3A_52 : f32 to vector<256x2048xf32>
    %select_n3A_54 = arith.select %eq3A_51, %broadcast_in_dim3A_53, %select_n3A_47 : vector<256x2048xi1>, vector<256x2048xf32>
    %argmin3A_55 = tpu.reduce_index %select_n3A_54 {axis = 1 : i32, kind = #tpu.reduction_kind<arg_min>} : vector<256x2048xf32> -> vector<256xi32>
    %broadcast_in_dim3A_56 = vector.shape_cast %argmin3A_55 : vector<256xi32> to vector<256x1xi32>
    %eq3A_57 = vector.broadcast %broadcast_in_dim3A_56 : vector<256x1xi32> to vector<256x2048xi32>
    %eq3A_58 = arith.cmpi eq, %iota3A, %eq3A_57 : vector<256x2048xi32>
    %jit3A_59 = arith.constant 0x7F800000 : f32
    %broadcast_in_dim3A_60 = vector.broadcast %jit3A_59 : f32 to vector<256x2048xf32>
    %select_n3A_61 = arith.select %eq3A_58, %broadcast_in_dim3A_60, %select_n3A_54 : vector<256x2048xi1>, vector<256x2048xf32>
    %argmin3A_62 = tpu.reduce_index %select_n3A_61 {axis = 1 : i32, kind = #tpu.reduction_kind<arg_min>} : vector<256x2048xf32> -> vector<256xi32>
    %broadcast_in_dim3A_63 = vector.shape_cast %argmin3A_62 : vector<256xi32> to vector<256x1xi32>
    %eq3A_64 = vector.broadcast %broadcast_in_dim3A_63 : vector<256x1xi32> to vector<256x2048xi32>
    %eq3A_65 = arith.cmpi eq, %iota3A, %eq3A_64 : vector<256x2048xi32>
    %jit3A_66 = arith.constant 0x7F800000 : f32
    %broadcast_in_dim3A_67 = vector.broadcast %jit3A_66 : f32 to vector<256x2048xf32>
    %select_n3A_68 = arith.select %eq3A_65, %broadcast_in_dim3A_67, %select_n3A_61 : vector<256x2048xi1>, vector<256x2048xf32>
    %argmin3A_69 = tpu.reduce_index %select_n3A_68 {axis = 1 : i32, kind = #tpu.reduction_kind<arg_min>} : vector<256x2048xf32> -> vector<256xi32>
    %broadcast_in_dim3A_70 = vector.shape_cast %argmin3A_69 : vector<256xi32> to vector<256x1xi32>
    %concatenate3A = tpu.concatenate %broadcast_in_dim3A, %broadcast_in_dim3A_28, %broadcast_in_dim3A_35, %broadcast_in_dim3A_42, %broadcast_in_dim3A_49, %broadcast_in_dim3A_56, %broadcast_in_dim3A_63, %broadcast_in_dim3A_70 in 1 : vector<256x1xi32>, vector<256x1xi32>, vector<256x1xi32>, vector<256x1xi32>, vector<256x1xi32>, vector<256x1xi32>, vector<256x1xi32>, vector<256x1xi32> -> vector<256x8xi32>
    %mul3A_71 = arith.constant 2048 : i32
    %mul3A_72 = arith.muli %arg0, %mul3A_71 : i32
    %add3A_73 = vector.broadcast %mul3A_72 : i32 to vector<256x8xi32>
    %add3A_74 = arith.addi %concatenate3A, %add3A_73 : vector<256x8xi32>
    %swap3A = arith.constant 0 : index
    %swap3A_75 = arith.constant 0 : index
    %swap3A_76 = arith.constant 0 : index
    %swap3A_77 = vector.load %arg4[%swap3A, %swap3A_75, %swap3A_76] : memref<1x256x8xi32, #tpu.memory_space<vmem>>, vector<1x256x8xi32>
    %swap3A_78 = vector.shape_cast %swap3A_77 : vector<1x256x8xi32> to vector<256x8xi32>
    %swap3A_79 = vector.shape_cast %add3A_74 : vector<256x8xi32> to vector<1x256x8xi32>
    tpu.vector_store %arg4[%swap3A, %swap3A_75, %swap3A_76], %swap3A_79 {strides = array<i32>} : memref<1x256x8xi32, #tpu.memory_space<vmem>>, vector<1x256x8xi32>,
    return
  }
  func.func @transform_0(%arg0: i32, %arg1: i32) -> (i32, i32, i32) {
    %c0_i32 = arith.constant 0 : i32
    %c0_i32_0 = arith.constant 0 : i32
    %c0_i32_1 = arith.constant 0 : i32
    return %arg0, %c0_i32, %c0_i32_0 : i32, i32, i32
  }
  func.func @transform_1(%arg0: i32, %arg1: i32) -> (i32, i32, i32) {
    %c0_i32 = arith.constant 0 : i32
    %c0_i32_0 = arith.constant 0 : i32
    return %arg0, %arg1, %c0_i32 : i32, i32, i32
  }
  func.func @transform_2(%arg0: i32, %arg1: i32) -> (i32, i32, i32) {
    %c0_i32 = arith.constant 0 : i32
    %c0_i32_0 = arith.constant 0 : i32
    return %arg0, %arg1, %c0_i32 : i32, i32, i32
  }
}

module attributes {stable_mosaic.version = 14 : i64} {
  func.func @_prep_body(%arg0: i32, %arg1: memref<1x2048x128xf32, #tpu.memory_space<vmem>>, %arg2: memref<1x2048x16xf32, #tpu.memory_space<vmem>>, %arg3: memref<16x128xf32, #tpu.memory_space<vmem>>, %arg4: memref<128x128xf32, #tpu.memory_space<vmem>>, %arg5: memref<1x128xf32, #tpu.memory_space<vmem>>, %arg6: memref<1x2048x128xf32, #tpu.memory_space<vmem>>, %arg7: memref<1x2048x128xf32, #tpu.memory_space<vmem>>) attributes {dimension_semantics = [#tpu.dimension_semantics<arbitrary>], iteration_bounds = array<i64: 4>, scalar_prefetch = 0 : i64, scratch_operands = 0 : i64, tpu.core_type = #tpu.core_type<tc>, window_params = [{transform_indices = @transform_0, window_bounds = array<i64: 1, 2048, 128>}, {transform_indices = @transform_1, window_bounds = array<i64: 1, 2048, 16>}, {pipeline_mode = #tpu.pipeline_mode<synchronous>, transform_indices = @transform_2, window_bounds = array<i64: 16, 128>}, {pipeline_mode = #tpu.pipeline_mode<synchronous>, transform_indices = @transform_3, window_bounds = array<i64: 128, 128>}, {pipeline_mode = #tpu.pipeline_mode<synchronous>, transform_indices = @transform_4, window_bounds = array<i64: 1, 128>}, {transform_indices = @transform_5, window_bounds = array<i64: 1, 2048, 128>}, {transform_indices = @transform_6, window_bounds = array<i64: 1, 2048, 128>}]} {
    %get3A = arith.constant 0 : index
    %get3A_0 = arith.constant 0 : index
    %get3A_1 = arith.constant 0 : index
    %get3A_2 = vector.load %arg2[%get3A, %get3A_0, %get3A_1] : memref<1x2048x16xf32, #tpu.memory_space<vmem>>, vector<1x2048x16xf32>
    %get3A_3 = vector.shape_cast %get3A_2 : vector<1x2048x16xf32> to vector<2048x16xf32>
    %get3A_4 = arith.constant 0 : index
    %get3A_5 = arith.constant 0 : index
    %get3A_6 = vector.load %arg3[%get3A_4, %get3A_5] : memref<16x128xf32, #tpu.memory_space<vmem>>, vector<16x128xf32>
    %dot_general3A = arith.constant dense<0.000000e+00> : vector<2048x128xf32>
    %dot_general3A_7 = tpu.matmul %get3A_3, %get3A_6, %dot_general3A {dimension_numbers = #tpu.dot_dimension_numbers<[1], [0], [0], [1], [0, 0, 1, 1], [], []>, transpose_lhs_hint = false} : vector<2048x16xf32>, vector<16x128xf32>, vector<2048x128xf32> -> vector<2048x128xf32>
    %swap3A = arith.constant 0 : index
    %swap3A_8 = arith.constant 0 : index
    %swap3A_9 = arith.constant 0 : index
    %swap3A_10 = vector.load %arg7[%swap3A, %swap3A_8, %swap3A_9] : memref<1x2048x128xf32, #tpu.memory_space<vmem>>, vector<1x2048x128xf32>
    %swap3A_11 = vector.shape_cast %swap3A_10 : vector<1x2048x128xf32> to vector<2048x128xf32>
    %swap3A_12 = vector.shape_cast %dot_general3A_7 : vector<2048x128xf32> to vector<1x2048x128xf32>
    tpu.vector_store %arg7[%swap3A, %swap3A_8, %swap3A_9], %swap3A_12 {strides = array<i32>} : memref<1x2048x128xf32, #tpu.memory_space<vmem>>, vector<1x2048x128xf32>,
    %get3A_13 = arith.constant 0 : index
    %get3A_14 = arith.constant 0 : index
    %get3A_15 = arith.constant 0 : index
    %get3A_16 = vector.load %arg1[%get3A_13, %get3A_14, %get3A_15] : memref<1x2048x128xf32, #tpu.memory_space<vmem>>, vector<1x2048x128xf32>
    %get3A_17 = vector.shape_cast %get3A_16 : vector<1x2048x128xf32> to vector<2048x128xf32>
    %get3A_18 = arith.constant 0 : index
    %get3A_19 = arith.constant 0 : index
    %get3A_20 = vector.load %arg4[%get3A_18, %get3A_19] : memref<128x128xf32, #tpu.memory_space<vmem>>, vector<128x128xf32>
    %dot_general3A_21 = arith.constant dense<0.000000e+00> : vector<2048x128xf32>
    %dot_general3A_22 = tpu.matmul %get3A_17, %get3A_20, %dot_general3A_21 {dimension_numbers = #tpu.dot_dimension_numbers<[1], [0], [0], [1], [0, 0, 1, 1], [], []>, transpose_lhs_hint = false} : vector<2048x128xf32>, vector<128x128xf32>, vector<2048x128xf32> -> vector<2048x128xf32>
    %add3A = arith.addf %dot_general3A_22, %dot_general3A_7 : vector<2048x128xf32>
    %get3A_23 = arith.constant 0 : index
    %get3A_24 = arith.constant 0 : index
    %get3A_25 = vector.load %arg5[%get3A_23, %get3A_24] : memref<1x128xf32, #tpu.memory_space<vmem>>, vector<1x128xf32>
    %add3A_26 = vector.broadcast %get3A_25 : vector<1x128xf32> to vector<2048x128xf32>
    %add3A_27 = arith.addf %add3A, %add3A_26 : vector<2048x128xf32>
    %swap3A_28 = arith.constant 0 : index
    %swap3A_29 = arith.constant 0 : index
    %swap3A_30 = arith.constant 0 : index
    %swap3A_31 = vector.load %arg6[%swap3A_28, %swap3A_29, %swap3A_30] : memref<1x2048x128xf32, #tpu.memory_space<vmem>>, vector<1x2048x128xf32>
    %swap3A_32 = vector.shape_cast %swap3A_31 : vector<1x2048x128xf32> to vector<2048x128xf32>
    %swap3A_33 = vector.shape_cast %add3A_27 : vector<2048x128xf32> to vector<1x2048x128xf32>
    tpu.vector_store %arg6[%swap3A_28, %swap3A_29, %swap3A_30], %swap3A_33 {strides = array<i32>} : memref<1x2048x128xf32, #tpu.memory_space<vmem>>, vector<1x2048x128xf32>,
    return
  }
  func.func @transform_0(%arg0: i32) -> (i32, i32, i32) {
    %c0_i32 = arith.constant 0 : i32
    %c0_i32_0 = arith.constant 0 : i32
    %c0_i32_1 = arith.constant 0 : i32
    return %arg0, %c0_i32, %c0_i32_0 : i32, i32, i32
  }
  func.func @transform_1(%arg0: i32) -> (i32, i32, i32) {
    %c0_i32 = arith.constant 0 : i32
    %c0_i32_0 = arith.constant 0 : i32
    %c0_i32_1 = arith.constant 0 : i32
    return %arg0, %c0_i32, %c0_i32_0 : i32, i32, i32
  }
  func.func @transform_2(%arg0: i32) -> (i32, i32) {
    %c0_i32 = arith.constant 0 : i32
    %c0_i32_0 = arith.constant 0 : i32
    %c0_i32_1 = arith.constant 0 : i32
    return %c0_i32, %c0_i32_0 : i32, i32
  }
  func.func @transform_3(%arg0: i32) -> (i32, i32) {
    %c0_i32 = arith.constant 0 : i32
    %c0_i32_0 = arith.constant 0 : i32
    %c0_i32_1 = arith.constant 0 : i32
    return %c0_i32, %c0_i32_0 : i32, i32
  }
  func.func @transform_4(%arg0: i32) -> (i32, i32) {
    %c0_i32 = arith.constant 0 : i32
    %c0_i32_0 = arith.constant 0 : i32
    %c0_i32_1 = arith.constant 0 : i32
    return %c0_i32, %c0_i32_0 : i32, i32
  }
  func.func @transform_5(%arg0: i32) -> (i32, i32, i32) {
    %c0_i32 = arith.constant 0 : i32
    %c0_i32_0 = arith.constant 0 : i32
    %c0_i32_1 = arith.constant 0 : i32
    return %arg0, %c0_i32, %c0_i32_0 : i32, i32, i32
  }
  func.func @transform_6(%arg0: i32) -> (i32, i32, i32) {
    %c0_i32 = arith.constant 0 : i32
    %c0_i32_0 = arith.constant 0 : i32
    %c0_i32_1 = arith.constant 0 : i32
    return %arg0, %c0_i32, %c0_i32_0 : i32, i32, i32
  }
}

module attributes {stable_mosaic.version = 14 : i64} {
  func.func @_fps_body(%arg0: memref<3x4x2048xf32, #tpu.memory_space<vmem>>, %arg1: memref<4x2048xi32, #tpu.memory_space<vmem>>) attributes {dimension_semantics = [], scalar_prefetch = 0 : i64, scratch_operands = 0 : i64, tpu.core_type = #tpu.core_type<tc>} {
    %get3A = arith.constant 0 : index
    %get3A_0 = arith.constant 0 : index
    %get3A_1 = arith.constant 0 : index
    %get3A_2 = vector.load %arg0[%get3A, %get3A_0, %get3A_1] : memref<3x4x2048xf32, #tpu.memory_space<vmem>>, vector<1x4x2048xf32>
    %get3A_3 = vector.shape_cast %get3A_2 : vector<1x4x2048xf32> to vector<4x2048xf32>
    %get3A_4 = arith.constant 1 : index
    %get3A_5 = arith.constant 0 : index
    %get3A_6 = arith.constant 0 : index
    %get3A_7 = vector.load %arg0[%get3A_4, %get3A_5, %get3A_6] : memref<3x4x2048xf32, #tpu.memory_space<vmem>>, vector<1x4x2048xf32>
    %get3A_8 = vector.shape_cast %get3A_7 : vector<1x4x2048xf32> to vector<4x2048xf32>
    %get3A_9 = arith.constant 2 : index
    %get3A_10 = arith.constant 0 : index
    %get3A_11 = arith.constant 0 : index
    %get3A_12 = vector.load %arg0[%get3A_9, %get3A_10, %get3A_11] : memref<3x4x2048xf32, #tpu.memory_space<vmem>>, vector<1x4x2048xf32>
    %get3A_13 = vector.shape_cast %get3A_12 : vector<1x4x2048xf32> to vector<4x2048xf32>
    %iota3A = tpu.iota {dimensions = array<i32: 1>} : vector<4x2048xi32>
    %iota3A_14 = tpu.iota {dimensions = array<i32: 0>} : vector<4x2048xi32>
    %mul3A = arith.constant 2048 : i32
    %mul3A_15 = vector.broadcast %mul3A : i32 to vector<4x2048xi32>
    %mul3A_16 = arith.muli %iota3A_14, %mul3A_15 : vector<4x2048xi32>
    %iota3A_17 = tpu.iota {dimensions = array<i32: 1>} : vector<4x128xi32>
    %convert_element_type3A = arith.sitofp %iota3A : vector<4x2048xi32> to vector<4x2048xf32>
    %sub3A = arith.constant 2.048000e+03 : f32
    %sub3A_18 = vector.broadcast %sub3A : f32 to vector<4x2048xf32>
    %sub3A_19 = arith.subf %sub3A_18, %convert_element_type3A : vector<4x2048xf32>
    %mul3A_20 = arith.constant 1.000000e+06 : f32
    %mul3A_21 = vector.broadcast %mul3A_20 : f32 to vector<4x2048xf32>
    %mul3A_22 = arith.mulf %sub3A_19, %mul3A_21 : vector<4x2048xf32>
    %iota3A_23 = tpu.iota {dimensions = array<i32: 0>} : vector<4x128xi32>
    %add3A = arith.addi %iota3A_17, %iota3A_23 : vector<4x128xi32>
    %scan3A = arith.constant 0 : i32
    %scan3A_24 = arith.constant 16 : i32
    %scan3A_25 = arith.addi %scan3A, %scan3A_24 : i32
    %scan3A_26 = arith.constant 1 : i32
    %scan3A_27:2 = scf.for %scan3A_35 = %scan3A to %scan3A_25 step %scan3A_26 iter_args(%scan3A_36 = %mul3A_22, %scan3A_37 = %add3A) -> (vector<4x2048xf32>, vector<4x128xi32>)  : i32 {
      %scan3A_38 = arith.constant 0 : i32
      %scan3A_39 = arith.constant 128 : i32
      %scan3A_40 = arith.addi %scan3A_38, %scan3A_39 : i32
      %scan3A_41 = arith.constant 1 : i32
      %scan3A_42:2 = scf.for %scan3A_49 = %scan3A_38 to %scan3A_40 step %scan3A_41 iter_args(%scan3A_50 = %scan3A_36, %scan3A_51 = %scan3A_37) -> (vector<4x2048xf32>, vector<4x128xi32>)  : i32 {
        %argmax3A = tpu.reduce_index %scan3A_50 {axis = 1 : i32, kind = #tpu.reduction_kind<arg_max>} : vector<4x2048xf32> -> vector<4xi32>
        %broadcast_in_dim3A = vector.shape_cast %argmax3A : vector<4xi32> to vector<4x1xi32>
        %eq3A = vector.broadcast %scan3A_49 : i32 to vector<4x128xi32>
        %eq3A_52 = arith.cmpi eq, %iota3A_17, %eq3A : vector<4x128xi32>
        %broadcast_in_dim3A_53 = vector.shape_cast %broadcast_in_dim3A : vector<4x1xi32> to vector<4x1xi32>
        %broadcast_in_dim3A_54 = vector.broadcast %broadcast_in_dim3A_53 : vector<4x1xi32> to vector<4x128xi32>
        %select_n3A = arith.select %eq3A_52, %broadcast_in_dim3A_54, %scan3A_51 : vector<4x128xi1>, vector<4x128xi32>
        %eq3A_55 = vector.broadcast %broadcast_in_dim3A : vector<4x1xi32> to vector<4x2048xi32>
        %eq3A_56 = arith.cmpi eq, %iota3A, %eq3A_55 : vector<4x2048xi32>
        %jit3A = arith.constant 0.000000e+00 : f32
        %broadcast_in_dim3A_57 = vector.broadcast %jit3A : f32 to vector<4x2048xf32>
        %select_n3A_58 = arith.select %eq3A_56, %get3A_3, %broadcast_in_dim3A_57 : vector<4x2048xi1>, vector<4x2048xf32>
        %reduce_sum3A = arith.constant dense<0.000000e+00> : vector<4xf32>
        %reduce_sum3A_59 = vector.multi_reduction <add>, %select_n3A_58, %reduce_sum3A [1] : vector<4x2048xf32> to vector<4xf32>
        %broadcast_in_dim3A_60 = vector.shape_cast %reduce_sum3A_59 : vector<4xf32> to vector<4x1xf32>
        %jit3A_61 = arith.constant 0.000000e+00 : f32
        %broadcast_in_dim3A_62 = vector.broadcast %jit3A_61 : f32 to vector<4x2048xf32>
        %select_n3A_63 = arith.select %eq3A_56, %get3A_8, %broadcast_in_dim3A_62 : vector<4x2048xi1>, vector<4x2048xf32>
        %reduce_sum3A_64 = arith.constant dense<0.000000e+00> : vector<4xf32>
        %reduce_sum3A_65 = vector.multi_reduction <add>, %select_n3A_63, %reduce_sum3A_64 [1] : vector<4x2048xf32> to vector<4xf32>
        %broadcast_in_dim3A_66 = vector.shape_cast %reduce_sum3A_65 : vector<4xf32> to vector<4x1xf32>
        %jit3A_67 = arith.constant 0.000000e+00 : f32
        %broadcast_in_dim3A_68 = vector.broadcast %jit3A_67 : f32 to vector<4x2048xf32>
        %select_n3A_69 = arith.select %eq3A_56, %get3A_13, %broadcast_in_dim3A_68 : vector<4x2048xi1>, vector<4x2048xf32>
        %reduce_sum3A_70 = arith.constant dense<0.000000e+00> : vector<4xf32>
        %reduce_sum3A_71 = vector.multi_reduction <add>, %select_n3A_69, %reduce_sum3A_70 [1] : vector<4x2048xf32> to vector<4xf32>
        %broadcast_in_dim3A_72 = vector.shape_cast %reduce_sum3A_71 : vector<4xf32> to vector<4x1xf32>
        %sub3A_73 = vector.broadcast %broadcast_in_dim3A_60 : vector<4x1xf32> to vector<4x2048xf32>
        %sub3A_74 = arith.subf %get3A_3, %sub3A_73 : vector<4x2048xf32>
        %sub3A_75 = vector.broadcast %broadcast_in_dim3A_66 : vector<4x1xf32> to vector<4x2048xf32>
        %sub3A_76 = arith.subf %get3A_8, %sub3A_75 : vector<4x2048xf32>
        %sub3A_77 = vector.broadcast %broadcast_in_dim3A_72 : vector<4x1xf32> to vector<4x2048xf32>
        %sub3A_78 = arith.subf %get3A_13, %sub3A_77 : vector<4x2048xf32>
        %mul3A_79 = arith.mulf %sub3A_74, %sub3A_74 : vector<4x2048xf32>
        %mul3A_80 = arith.mulf %sub3A_76, %sub3A_76 : vector<4x2048xf32>
        %add3A_81 = arith.addf %mul3A_79, %mul3A_80 : vector<4x2048xf32>
        %mul3A_82 = arith.mulf %sub3A_78, %sub3A_78 : vector<4x2048xf32>
        %add3A_83 = arith.addf %add3A_81, %mul3A_82 : vector<4x2048xf32>
        %min3A = arith.minimumf %scan3A_50, %add3A_83 : vector<4x2048xf32>
        scf.yield %min3A, %select_n3A : vector<4x2048xf32>, vector<4x128xi32>
      }
      %scan3A_43 = arith.constant 128 : i32
      %mul3A_44 = arith.constant 128 : i32
      %mul3A_45 = arith.muli %scan3A_35, %mul3A_44 : i32
      %swap3A_46 = arith.constant 0 : index
      %swap3A_47 = arith.index_cast %mul3A_45 : i32 to index
      %swap3A_48 = vector.load %arg1[%swap3A_46, %swap3A_47] : memref<4x2048xi32, #tpu.memory_space<vmem>>, vector<4x128xi32>
      tpu.vector_store %arg1[%swap3A_46, %swap3A_47], %scan3A_42#1 {strides = array<i32>} : memref<4x2048xi32, #tpu.memory_space<vmem>>, vector<4x128xi32>,
      scf.yield %scan3A_42#0, %scan3A_42#1 : vector<4x2048xf32>, vector<4x128xi32>
    }
    %scan3A_28 = arith.constant 16 : i32
    %get3A_29 = arith.constant 0 : index
    %get3A_30 = arith.constant 0 : index
    %get3A_31 = vector.load %arg1[%get3A_29, %get3A_30] : memref<4x2048xi32, #tpu.memory_space<vmem>>, vector<4x2048xi32>
    %add3A_32 = arith.addi %get3A_31, %mul3A_16 : vector<4x2048xi32>
    %swap3A = arith.constant 0 : index
    %swap3A_33 = arith.constant 0 : index
    %swap3A_34 = vector.load %arg1[%swap3A, %swap3A_33] : memref<4x2048xi32, #tpu.memory_space<vmem>>, vector<4x2048xi32>
    tpu.vector_store %arg1[%swap3A, %swap3A_33], %add3A_32 {strides = array<i32>} : memref<4x2048xi32, #tpu.memory_space<vmem>>, vector<4x2048xi32>,
    return
  }
}

module attributes {stable_mosaic.version = 14 : i64} {
  func.func @_mlp1_body(%arg0: i32, %arg1: memref<1x16384x128xf32, #tpu.memory_space<vmem>>, %arg2: memref<1x2048x128xf32, #tpu.memory_space<vmem>>, %arg3: memref<128x128xf32, #tpu.memory_space<vmem>>, %arg4: memref<1x128xf32, #tpu.memory_space<vmem>>, %arg5: memref<128x128xf32, #tpu.memory_space<vmem>>, %arg6: memref<1x128xf32, #tpu.memory_space<vmem>>, %arg7: memref<1x2048x128xf32, #tpu.memory_space<vmem>>) attributes {dimension_semantics = [#tpu.dimension_semantics<arbitrary>], iteration_bounds = array<i64: 4>, scalar_prefetch = 0 : i64, scratch_operands = 0 : i64, tpu.core_type = #tpu.core_type<tc>, window_params = [{transform_indices = @transform_0, window_bounds = array<i64: 1, 16384, 128>}, {transform_indices = @transform_1, window_bounds = array<i64: 1, 2048, 128>}, {pipeline_mode = #tpu.pipeline_mode<synchronous>, transform_indices = @transform_2, window_bounds = array<i64: 128, 128>}, {pipeline_mode = #tpu.pipeline_mode<synchronous>, transform_indices = @transform_3, window_bounds = array<i64: 1, 128>}, {pipeline_mode = #tpu.pipeline_mode<synchronous>, transform_indices = @transform_4, window_bounds = array<i64: 128, 128>}, {pipeline_mode = #tpu.pipeline_mode<synchronous>, transform_indices = @transform_5, window_bounds = array<i64: 1, 128>}, {transform_indices = @transform_6, window_bounds = array<i64: 1, 2048, 128>}]} {
    %get3A = arith.constant 0 : index
    %get3A_0 = arith.constant 0 : index
    %get3A_1 = arith.constant 0 : index
    %get3A_2 = vector.load %arg1[%get3A, %get3A_0, %get3A_1] : memref<1x16384x128xf32, #tpu.memory_space<vmem>>, vector<1x16384x128xf32>
    %get3A_3 = vector.shape_cast %get3A_2 : vector<1x16384x128xf32> to vector<16384x128xf32>
    %get3A_4 = arith.constant 0 : index
    %get3A_5 = arith.constant 0 : index
    %get3A_6 = arith.constant 0 : index
    %get3A_7 = vector.load %arg2[%get3A_4, %get3A_5, %get3A_6] : memref<1x2048x128xf32, #tpu.memory_space<vmem>>, vector<1x2048x128xf32>
    %get3A_8 = vector.shape_cast %get3A_7 : vector<1x2048x128xf32> to vector<2048x128xf32>
    %slice3A = vector.extract_strided_slice %get3A_3 {offsets = [0, 0], sizes = [2048, 128], strides = [1, 1]} : vector<16384x128xf32> to vector<2048x128xf32>
    %sub3A = arith.subf %slice3A, %get3A_8 : vector<2048x128xf32>
    %slice3A_9 = vector.extract_strided_slice %get3A_3 {offsets = [2048, 0], sizes = [2048, 128], strides = [1, 1]} : vector<16384x128xf32> to vector<2048x128xf32>
    %sub3A_10 = arith.subf %slice3A_9, %get3A_8 : vector<2048x128xf32>
    %slice3A_11 = vector.extract_strided_slice %get3A_3 {offsets = [4096, 0], sizes = [2048, 128], strides = [1, 1]} : vector<16384x128xf32> to vector<2048x128xf32>
    %sub3A_12 = arith.subf %slice3A_11, %get3A_8 : vector<2048x128xf32>
    %slice3A_13 = vector.extract_strided_slice %get3A_3 {offsets = [6144, 0], sizes = [2048, 128], strides = [1, 1]} : vector<16384x128xf32> to vector<2048x128xf32>
    %sub3A_14 = arith.subf %slice3A_13, %get3A_8 : vector<2048x128xf32>
    %slice3A_15 = vector.extract_strided_slice %get3A_3 {offsets = [8192, 0], sizes = [2048, 128], strides = [1, 1]} : vector<16384x128xf32> to vector<2048x128xf32>
    %sub3A_16 = arith.subf %slice3A_15, %get3A_8 : vector<2048x128xf32>
    %slice3A_17 = vector.extract_strided_slice %get3A_3 {offsets = [10240, 0], sizes = [2048, 128], strides = [1, 1]} : vector<16384x128xf32> to vector<2048x128xf32>
    %sub3A_18 = arith.subf %slice3A_17, %get3A_8 : vector<2048x128xf32>
    %slice3A_19 = vector.extract_strided_slice %get3A_3 {offsets = [12288, 0], sizes = [2048, 128], strides = [1, 1]} : vector<16384x128xf32> to vector<2048x128xf32>
    %sub3A_20 = arith.subf %slice3A_19, %get3A_8 : vector<2048x128xf32>
    %slice3A_21 = vector.extract_strided_slice %get3A_3 {offsets = [14336, 0], sizes = [2048, 128], strides = [1, 1]} : vector<16384x128xf32> to vector<2048x128xf32>
    %sub3A_22 = arith.subf %slice3A_21, %get3A_8 : vector<2048x128xf32>
    %concatenate3A = tpu.concatenate %sub3A, %sub3A_10, %sub3A_12, %sub3A_14, %sub3A_16, %sub3A_18, %sub3A_20, %sub3A_22 in 0 : vector<2048x128xf32>, vector<2048x128xf32>, vector<2048x128xf32>, vector<2048x128xf32>, vector<2048x128xf32>, vector<2048x128xf32>, vector<2048x128xf32>, vector<2048x128xf32> -> vector<16384x128xf32>
    %reduce_sum3A = arith.constant dense<0.000000e+00> : vector<128xf32>
    %reduce_sum3A_23 = vector.multi_reduction <add>, %concatenate3A, %reduce_sum3A [0] : vector<16384x128xf32> to vector<128xf32>
    %broadcast_in_dim3A = vector.shape_cast %reduce_sum3A_23 : vector<128xf32> to vector<1x128xf32>
    %mul3A = arith.constant 6.10351563E-5 : f32
    %mul3A_24 = vector.broadcast %mul3A : f32 to vector<1x128xf32>
    %mul3A_25 = arith.mulf %broadcast_in_dim3A, %mul3A_24 : vector<1x128xf32>
    %mul3A_26 = arith.mulf %concatenate3A, %concatenate3A : vector<16384x128xf32>
    %reduce_sum3A_27 = arith.constant dense<0.000000e+00> : vector<128xf32>
    %reduce_sum3A_28 = vector.multi_reduction <add>, %mul3A_26, %reduce_sum3A_27 [0] : vector<16384x128xf32> to vector<128xf32>
    %broadcast_in_dim3A_29 = vector.shape_cast %reduce_sum3A_28 : vector<128xf32> to vector<1x128xf32>
    %mul3A_30 = arith.constant 6.10351563E-5 : f32
    %mul3A_31 = vector.broadcast %mul3A_30 : f32 to vector<1x128xf32>
    %mul3A_32 = arith.mulf %broadcast_in_dim3A_29, %mul3A_31 : vector<1x128xf32>
    %mul3A_33 = arith.mulf %mul3A_25, %mul3A_25 : vector<1x128xf32>
    %sub3A_34 = arith.subf %mul3A_32, %mul3A_33 : vector<1x128xf32>
    %max3A = arith.constant 0.000000e+00 : f32
    %max3A_35 = vector.broadcast %max3A : f32 to vector<1x128xf32>
    %max3A_36 = arith.maximumf %sub3A_34, %max3A_35 : vector<1x128xf32>
    %add3A = arith.constant 9.99999974E-6 : f32
    %add3A_37 = vector.broadcast %add3A : f32 to vector<1x128xf32>
    %add3A_38 = arith.addf %max3A_36, %add3A_37 : vector<1x128xf32>
    %sqrt3A = math.sqrt %add3A_38 : vector<1x128xf32>
    %div3A = arith.constant 1.000000e+00 : f32
    %div3A_39 = vector.broadcast %div3A : f32 to vector<1x128xf32>
    %div3A_40 = arith.divf %div3A_39, %sqrt3A : vector<1x128xf32>
    %sub3A_41 = vector.broadcast %mul3A_25 : vector<1x128xf32> to vector<16384x128xf32>
    %sub3A_42 = arith.subf %concatenate3A, %sub3A_41 : vector<16384x128xf32>
    %max3A_43 = arith.constant 0.000000e+00 : f32
    %max3A_44 = vector.broadcast %max3A_43 : f32 to vector<16384x128xf32>
    %max3A_45 = arith.maximumf %sub3A_42, %max3A_44 : vector<16384x128xf32>
    %get3A_46 = arith.constant 0 : index
    %get3A_47 = arith.constant 0 : index
    %get3A_48 = vector.load %arg3[%get3A_46, %get3A_47] : memref<128x128xf32, #tpu.memory_space<vmem>>, vector<128x128xf32>
    %transpose3A = tpu.transpose %div3A_40, [1, 0] : vector<1x128xf32> -> vector<128x1xf32>
    %mul3A_49 = vector.broadcast %transpose3A : vector<128x1xf32> to vector<128x128xf32>
    %mul3A_50 = arith.mulf %get3A_48, %mul3A_49 : vector<128x128xf32>
    %dot_general3A = arith.constant dense<0.000000e+00> : vector<16384x128xf32>
    %dot_general3A_51 = tpu.matmul %max3A_45, %mul3A_50, %dot_general3A {dimension_numbers = #tpu.dot_dimension_numbers<[1], [0], [0], [1], [0, 0, 1, 1], [], []>, transpose_lhs_hint = false} : vector<16384x128xf32>, vector<128x128xf32>, vector<16384x128xf32> -> vector<16384x128xf32>
    %get3A_52 = arith.constant 0 : index
    %get3A_53 = arith.constant 0 : index
    %get3A_54 = vector.load %arg4[%get3A_52, %get3A_53] : memref<1x128xf32, #tpu.memory_space<vmem>>, vector<1x128xf32>
    %add3A_55 = vector.broadcast %get3A_54 : vector<1x128xf32> to vector<16384x128xf32>
    %add3A_56 = arith.addf %dot_general3A_51, %add3A_55 : vector<16384x128xf32>
    %reduce_sum3A_57 = arith.constant dense<0.000000e+00> : vector<128xf32>
    %reduce_sum3A_58 = vector.multi_reduction <add>, %add3A_56, %reduce_sum3A_57 [0] : vector<16384x128xf32> to vector<128xf32>
    %broadcast_in_dim3A_59 = vector.shape_cast %reduce_sum3A_58 : vector<128xf32> to vector<1x128xf32>
    %mul3A_60 = arith.constant 6.10351563E-5 : f32
    %mul3A_61 = vector.broadcast %mul3A_60 : f32 to vector<1x128xf32>
    %mul3A_62 = arith.mulf %broadcast_in_dim3A_59, %mul3A_61 : vector<1x128xf32>
    %mul3A_63 = arith.mulf %add3A_56, %add3A_56 : vector<16384x128xf32>
    %reduce_sum3A_64 = arith.constant dense<0.000000e+00> : vector<128xf32>
    %reduce_sum3A_65 = vector.multi_reduction <add>, %mul3A_63, %reduce_sum3A_64 [0] : vector<16384x128xf32> to vector<128xf32>
    %broadcast_in_dim3A_66 = vector.shape_cast %reduce_sum3A_65 : vector<128xf32> to vector<1x128xf32>
    %mul3A_67 = arith.constant 6.10351563E-5 : f32
    %mul3A_68 = vector.broadcast %mul3A_67 : f32 to vector<1x128xf32>
    %mul3A_69 = arith.mulf %broadcast_in_dim3A_66, %mul3A_68 : vector<1x128xf32>
    %mul3A_70 = arith.mulf %mul3A_62, %mul3A_62 : vector<1x128xf32>
    %sub3A_71 = arith.subf %mul3A_69, %mul3A_70 : vector<1x128xf32>
    %max3A_72 = arith.constant 0.000000e+00 : f32
    %max3A_73 = vector.broadcast %max3A_72 : f32 to vector<1x128xf32>
    %max3A_74 = arith.maximumf %sub3A_71, %max3A_73 : vector<1x128xf32>
    %add3A_75 = arith.constant 9.99999974E-6 : f32
    %add3A_76 = vector.broadcast %add3A_75 : f32 to vector<1x128xf32>
    %add3A_77 = arith.addf %max3A_74, %add3A_76 : vector<1x128xf32>
    %sqrt3A_78 = math.sqrt %add3A_77 : vector<1x128xf32>
    %div3A_79 = arith.constant 1.000000e+00 : f32
    %div3A_80 = vector.broadcast %div3A_79 : f32 to vector<1x128xf32>
    %div3A_81 = arith.divf %div3A_80, %sqrt3A_78 : vector<1x128xf32>
    %sub3A_82 = vector.broadcast %mul3A_62 : vector<1x128xf32> to vector<16384x128xf32>
    %sub3A_83 = arith.subf %add3A_56, %sub3A_82 : vector<16384x128xf32>
    %max3A_84 = arith.constant 0.000000e+00 : f32
    %max3A_85 = vector.broadcast %max3A_84 : f32 to vector<16384x128xf32>
    %max3A_86 = arith.maximumf %sub3A_83, %max3A_85 : vector<16384x128xf32>
    %get3A_87 = arith.constant 0 : index
    %get3A_88 = arith.constant 0 : index
    %get3A_89 = vector.load %arg5[%get3A_87, %get3A_88] : memref<128x128xf32, #tpu.memory_space<vmem>>, vector<128x128xf32>
    %transpose3A_90 = tpu.transpose %div3A_81, [1, 0] : vector<1x128xf32> -> vector<128x1xf32>
    %mul3A_91 = vector.broadcast %transpose3A_90 : vector<128x1xf32> to vector<128x128xf32>
    %mul3A_92 = arith.mulf %get3A_89, %mul3A_91 : vector<128x128xf32>
    %dot_general3A_93 = arith.constant dense<0.000000e+00> : vector<16384x128xf32>
    %dot_general3A_94 = tpu.matmul %max3A_86, %mul3A_92, %dot_general3A_93 {dimension_numbers = #tpu.dot_dimension_numbers<[1], [0], [0], [1], [0, 0, 1, 1], [], []>, transpose_lhs_hint = false} : vector<16384x128xf32>, vector<128x128xf32>, vector<16384x128xf32> -> vector<16384x128xf32>
    %get3A_95 = arith.constant 0 : index
    %get3A_96 = arith.constant 0 : index
    %get3A_97 = vector.load %arg6[%get3A_95, %get3A_96] : memref<1x128xf32, #tpu.memory_space<vmem>>, vector<1x128xf32>
    %add3A_98 = vector.broadcast %get3A_97 : vector<1x128xf32> to vector<16384x128xf32>
    %add3A_99 = arith.addf %dot_general3A_94, %add3A_98 : vector<16384x128xf32>
    %reduce_sum3A_100 = arith.constant dense<0.000000e+00> : vector<128xf32>
    %reduce_sum3A_101 = vector.multi_reduction <add>, %add3A_99, %reduce_sum3A_100 [0] : vector<16384x128xf32> to vector<128xf32>
    %broadcast_in_dim3A_102 = vector.shape_cast %reduce_sum3A_101 : vector<128xf32> to vector<1x128xf32>
    %mul3A_103 = arith.constant 6.10351563E-5 : f32
    %mul3A_104 = vector.broadcast %mul3A_103 : f32 to vector<1x128xf32>
    %mul3A_105 = arith.mulf %broadcast_in_dim3A_102, %mul3A_104 : vector<1x128xf32>
    %mul3A_106 = arith.mulf %add3A_99, %add3A_99 : vector<16384x128xf32>
    %reduce_sum3A_107 = arith.constant dense<0.000000e+00> : vector<128xf32>
    %reduce_sum3A_108 = vector.multi_reduction <add>, %mul3A_106, %reduce_sum3A_107 [0] : vector<16384x128xf32> to vector<128xf32>
    %broadcast_in_dim3A_109 = vector.shape_cast %reduce_sum3A_108 : vector<128xf32> to vector<1x128xf32>
    %mul3A_110 = arith.constant 6.10351563E-5 : f32
    %mul3A_111 = vector.broadcast %mul3A_110 : f32 to vector<1x128xf32>
    %mul3A_112 = arith.mulf %broadcast_in_dim3A_109, %mul3A_111 : vector<1x128xf32>
    %mul3A_113 = arith.mulf %mul3A_105, %mul3A_105 : vector<1x128xf32>
    %sub3A_114 = arith.subf %mul3A_112, %mul3A_113 : vector<1x128xf32>
    %max3A_115 = arith.constant 0.000000e+00 : f32
    %max3A_116 = vector.broadcast %max3A_115 : f32 to vector<1x128xf32>
    %max3A_117 = arith.maximumf %sub3A_114, %max3A_116 : vector<1x128xf32>
    %add3A_118 = arith.constant 9.99999974E-6 : f32
    %add3A_119 = vector.broadcast %add3A_118 : f32 to vector<1x128xf32>
    %add3A_120 = arith.addf %max3A_117, %add3A_119 : vector<1x128xf32>
    %sqrt3A_121 = math.sqrt %add3A_120 : vector<1x128xf32>
    %div3A_122 = arith.constant 1.000000e+00 : f32
    %div3A_123 = vector.broadcast %div3A_122 : f32 to vector<1x128xf32>
    %div3A_124 = arith.divf %div3A_123, %sqrt3A_121 : vector<1x128xf32>
    %sub3A_125 = vector.broadcast %mul3A_105 : vector<1x128xf32> to vector<16384x128xf32>
    %sub3A_126 = arith.subf %add3A_99, %sub3A_125 : vector<16384x128xf32>
    %max3A_127 = arith.constant 0.000000e+00 : f32
    %max3A_128 = vector.broadcast %max3A_127 : f32 to vector<16384x128xf32>
    %max3A_129 = arith.maximumf %sub3A_126, %max3A_128 : vector<16384x128xf32>
    %slice3A_130 = vector.extract_strided_slice %max3A_129 {offsets = [0, 0], sizes = [2048, 128], strides = [1, 1]} : vector<16384x128xf32> to vector<2048x128xf32>
    %slice3A_131 = vector.extract_strided_slice %max3A_129 {offsets = [2048, 0], sizes = [2048, 128], strides = [1, 1]} : vector<16384x128xf32> to vector<2048x128xf32>
    %max3A_132 = arith.maximumf %slice3A_130, %slice3A_131 : vector<2048x128xf32>
    %slice3A_133 = vector.extract_strided_slice %max3A_129 {offsets = [4096, 0], sizes = [2048, 128], strides = [1, 1]} : vector<16384x128xf32> to vector<2048x128xf32>
    %max3A_134 = arith.maximumf %max3A_132, %slice3A_133 : vector<2048x128xf32>
    %slice3A_135 = vector.extract_strided_slice %max3A_129 {offsets = [6144, 0], sizes = [2048, 128], strides = [1, 1]} : vector<16384x128xf32> to vector<2048x128xf32>
    %max3A_136 = arith.maximumf %max3A_134, %slice3A_135 : vector<2048x128xf32>
    %slice3A_137 = vector.extract_strided_slice %max3A_129 {offsets = [8192, 0], sizes = [2048, 128], strides = [1, 1]} : vector<16384x128xf32> to vector<2048x128xf32>
    %max3A_138 = arith.maximumf %max3A_136, %slice3A_137 : vector<2048x128xf32>
    %slice3A_139 = vector.extract_strided_slice %max3A_129 {offsets = [10240, 0], sizes = [2048, 128], strides = [1, 1]} : vector<16384x128xf32> to vector<2048x128xf32>
    %max3A_140 = arith.maximumf %max3A_138, %slice3A_139 : vector<2048x128xf32>
    %slice3A_141 = vector.extract_strided_slice %max3A_129 {offsets = [12288, 0], sizes = [2048, 128], strides = [1, 1]} : vector<16384x128xf32> to vector<2048x128xf32>
    %max3A_142 = arith.maximumf %max3A_140, %slice3A_141 : vector<2048x128xf32>
    %slice3A_143 = vector.extract_strided_slice %max3A_129 {offsets = [14336, 0], sizes = [2048, 128], strides = [1, 1]} : vector<16384x128xf32> to vector<2048x128xf32>
    %max3A_144 = arith.maximumf %max3A_142, %slice3A_143 : vector<2048x128xf32>
    %mul3A_145 = vector.broadcast %div3A_124 : vector<1x128xf32> to vector<2048x128xf32>
    %mul3A_146 = arith.mulf %max3A_144, %mul3A_145 : vector<2048x128xf32>
    %swap3A = arith.constant 0 : index
    %swap3A_147 = arith.constant 0 : index
    %swap3A_148 = arith.constant 0 : index
    %swap3A_149 = vector.load %arg7[%swap3A, %swap3A_147, %swap3A_148] : memref<1x2048x128xf32, #tpu.memory_space<vmem>>, vector<1x2048x128xf32>
    %swap3A_150 = vector.shape_cast %swap3A_149 : vector<1x2048x128xf32> to vector<2048x128xf32>
    %swap3A_151 = vector.shape_cast %mul3A_146 : vector<2048x128xf32> to vector<1x2048x128xf32>
    tpu.vector_store %arg7[%swap3A, %swap3A_147, %swap3A_148], %swap3A_151 {strides = array<i32>} : memref<1x2048x128xf32, #tpu.memory_space<vmem>>, vector<1x2048x128xf32>,
    return
  }
  func.func @transform_0(%arg0: i32) -> (i32, i32, i32) {
    %c0_i32 = arith.constant 0 : i32
    %c0_i32_0 = arith.constant 0 : i32
    %c0_i32_1 = arith.constant 0 : i32
    return %arg0, %c0_i32, %c0_i32_0 : i32, i32, i32
  }
  func.func @transform_1(%arg0: i32) -> (i32, i32, i32) {
    %c0_i32 = arith.constant 0 : i32
    %c0_i32_0 = arith.constant 0 : i32
    %c0_i32_1 = arith.constant 0 : i32
    return %arg0, %c0_i32, %c0_i32_0 : i32, i32, i32
  }
  func.func @transform_2(%arg0: i32) -> (i32, i32) {
    %c0_i32 = arith.constant 0 : i32
    %c0_i32_0 = arith.constant 0 : i32
    %c0_i32_1 = arith.constant 0 : i32
    return %c0_i32, %c0_i32_0 : i32, i32
  }
  func.func @transform_3(%arg0: i32) -> (i32, i32) {
    %c0_i32 = arith.constant 0 : i32
    %c0_i32_0 = arith.constant 0 : i32
    %c0_i32_1 = arith.constant 0 : i32
    return %c0_i32, %c0_i32_0 : i32, i32
  }
  func.func @transform_4(%arg0: i32) -> (i32, i32) {
    %c0_i32 = arith.constant 0 : i32
    %c0_i32_0 = arith.constant 0 : i32
    %c0_i32_1 = arith.constant 0 : i32
    return %c0_i32, %c0_i32_0 : i32, i32
  }
  func.func @transform_5(%arg0: i32) -> (i32, i32) {
    %c0_i32 = arith.constant 0 : i32
    %c0_i32_0 = arith.constant 0 : i32
    %c0_i32_1 = arith.constant 0 : i32
    return %c0_i32, %c0_i32_0 : i32, i32
  }
  func.func @transform_6(%arg0: i32) -> (i32, i32, i32) {
    %c0_i32 = arith.constant 0 : i32
    %c0_i32_0 = arith.constant 0 : i32
    %c0_i32_1 = arith.constant 0 : i32
    return %arg0, %c0_i32, %c0_i32_0 : i32, i32, i32
  }
}

module attributes {stable_mosaic.version = 14 : i64} {
  func.func @_mlp2_body(%arg0: i32, %arg1: memref<1x16384x128xf32, #tpu.memory_space<vmem>>, %arg2: memref<1x2048x128xf32, #tpu.memory_space<vmem>>, %arg3: memref<1x2048x128xf32, #tpu.memory_space<vmem>>) attributes {dimension_semantics = [#tpu.dimension_semantics<arbitrary>], iteration_bounds = array<i64: 4>, scalar_prefetch = 0 : i64, scratch_operands = 0 : i64, tpu.core_type = #tpu.core_type<tc>, window_params = [{transform_indices = @transform_0, window_bounds = array<i64: 1, 16384, 128>}, {transform_indices = @transform_1, window_bounds = array<i64: 1, 2048, 128>}, {transform_indices = @transform_2, window_bounds = array<i64: 1, 2048, 128>}]} {
    %get3A = arith.constant 0 : index
    %get3A_0 = arith.constant 0 : index
    %get3A_1 = arith.constant 0 : index
    %get3A_2 = vector.load %arg1[%get3A, %get3A_0, %get3A_1] : memref<1x16384x128xf32, #tpu.memory_space<vmem>>, vector<1x16384x128xf32>
    %get3A_3 = vector.shape_cast %get3A_2 : vector<1x16384x128xf32> to vector<16384x128xf32>
    %get3A_4 = arith.constant 0 : index
    %get3A_5 = arith.constant 0 : index
    %get3A_6 = arith.constant 0 : index
    %get3A_7 = vector.load %arg2[%get3A_4, %get3A_5, %get3A_6] : memref<1x2048x128xf32, #tpu.memory_space<vmem>>, vector<1x2048x128xf32>
    %get3A_8 = vector.shape_cast %get3A_7 : vector<1x2048x128xf32> to vector<2048x128xf32>
    %slice3A = vector.extract_strided_slice %get3A_3 {offsets = [0, 0], sizes = [2048, 128], strides = [1, 1]} : vector<16384x128xf32> to vector<2048x128xf32>
    %sub3A = arith.subf %slice3A, %get3A_8 : vector<2048x128xf32>
    %slice3A_9 = vector.extract_strided_slice %get3A_3 {offsets = [2048, 0], sizes = [2048, 128], strides = [1, 1]} : vector<16384x128xf32> to vector<2048x128xf32>
    %sub3A_10 = arith.subf %slice3A_9, %get3A_8 : vector<2048x128xf32>
    %slice3A_11 = vector.extract_strided_slice %get3A_3 {offsets = [4096, 0], sizes = [2048, 128], strides = [1, 1]} : vector<16384x128xf32> to vector<2048x128xf32>
    %sub3A_12 = arith.subf %slice3A_11, %get3A_8 : vector<2048x128xf32>
    %slice3A_13 = vector.extract_strided_slice %get3A_3 {offsets = [6144, 0], sizes = [2048, 128], strides = [1, 1]} : vector<16384x128xf32> to vector<2048x128xf32>
    %sub3A_14 = arith.subf %slice3A_13, %get3A_8 : vector<2048x128xf32>
    %slice3A_15 = vector.extract_strided_slice %get3A_3 {offsets = [8192, 0], sizes = [2048, 128], strides = [1, 1]} : vector<16384x128xf32> to vector<2048x128xf32>
    %sub3A_16 = arith.subf %slice3A_15, %get3A_8 : vector<2048x128xf32>
    %slice3A_17 = vector.extract_strided_slice %get3A_3 {offsets = [10240, 0], sizes = [2048, 128], strides = [1, 1]} : vector<16384x128xf32> to vector<2048x128xf32>
    %sub3A_18 = arith.subf %slice3A_17, %get3A_8 : vector<2048x128xf32>
    %slice3A_19 = vector.extract_strided_slice %get3A_3 {offsets = [12288, 0], sizes = [2048, 128], strides = [1, 1]} : vector<16384x128xf32> to vector<2048x128xf32>
    %sub3A_20 = arith.subf %slice3A_19, %get3A_8 : vector<2048x128xf32>
    %slice3A_21 = vector.extract_strided_slice %get3A_3 {offsets = [14336, 0], sizes = [2048, 128], strides = [1, 1]} : vector<16384x128xf32> to vector<2048x128xf32>
    %sub3A_22 = arith.subf %slice3A_21, %get3A_8 : vector<2048x128xf32>
    %concatenate3A = tpu.concatenate %sub3A, %sub3A_10, %sub3A_12, %sub3A_14, %sub3A_16, %sub3A_18, %sub3A_20, %sub3A_22 in 0 : vector<2048x128xf32>, vector<2048x128xf32>, vector<2048x128xf32>, vector<2048x128xf32>, vector<2048x128xf32>, vector<2048x128xf32>, vector<2048x128xf32>, vector<2048x128xf32> -> vector<16384x128xf32>
    %reduce_sum3A = arith.constant dense<0.000000e+00> : vector<128xf32>
    %reduce_sum3A_23 = vector.multi_reduction <add>, %concatenate3A, %reduce_sum3A [0] : vector<16384x128xf32> to vector<128xf32>
    %broadcast_in_dim3A = vector.shape_cast %reduce_sum3A_23 : vector<128xf32> to vector<1x128xf32>
    %mul3A = arith.constant 6.10351563E-5 : f32
    %mul3A_24 = vector.broadcast %mul3A : f32 to vector<1x128xf32>
    %mul3A_25 = arith.mulf %broadcast_in_dim3A, %mul3A_24 : vector<1x128xf32>
    %mul3A_26 = arith.mulf %concatenate3A, %concatenate3A : vector<16384x128xf32>
    %reduce_sum3A_27 = arith.constant dense<0.000000e+00> : vector<128xf32>
    %reduce_sum3A_28 = vector.multi_reduction <add>, %mul3A_26, %reduce_sum3A_27 [0] : vector<16384x128xf32> to vector<128xf32>
    %broadcast_in_dim3A_29 = vector.shape_cast %reduce_sum3A_28 : vector<128xf32> to vector<1x128xf32>
    %mul3A_30 = arith.constant 6.10351563E-5 : f32
    %mul3A_31 = vector.broadcast %mul3A_30 : f32 to vector<1x128xf32>
    %mul3A_32 = arith.mulf %broadcast_in_dim3A_29, %mul3A_31 : vector<1x128xf32>
    %mul3A_33 = arith.mulf %mul3A_25, %mul3A_25 : vector<1x128xf32>
    %sub3A_34 = arith.subf %mul3A_32, %mul3A_33 : vector<1x128xf32>
    %max3A = arith.constant 0.000000e+00 : f32
    %max3A_35 = vector.broadcast %max3A : f32 to vector<1x128xf32>
    %max3A_36 = arith.maximumf %sub3A_34, %max3A_35 : vector<1x128xf32>
    %add3A = arith.constant 9.99999974E-6 : f32
    %add3A_37 = vector.broadcast %add3A : f32 to vector<1x128xf32>
    %add3A_38 = arith.addf %max3A_36, %add3A_37 : vector<1x128xf32>
    %sqrt3A = math.sqrt %add3A_38 : vector<1x128xf32>
    %div3A = arith.constant 1.000000e+00 : f32
    %div3A_39 = vector.broadcast %div3A : f32 to vector<1x128xf32>
    %div3A_40 = arith.divf %div3A_39, %sqrt3A : vector<1x128xf32>
    %sub3A_41 = vector.broadcast %mul3A_25 : vector<1x128xf32> to vector<16384x128xf32>
    %sub3A_42 = arith.subf %concatenate3A, %sub3A_41 : vector<16384x128xf32>
    %slice3A_43 = vector.extract_strided_slice %sub3A_42 {offsets = [0, 0], sizes = [2048, 128], strides = [1, 1]} : vector<16384x128xf32> to vector<2048x128xf32>
    %slice3A_44 = vector.extract_strided_slice %sub3A_42 {offsets = [2048, 0], sizes = [2048, 128], strides = [1, 1]} : vector<16384x128xf32> to vector<2048x128xf32>
    %max3A_45 = arith.maximumf %slice3A_43, %slice3A_44 : vector<2048x128xf32>
    %slice3A_46 = vector.extract_strided_slice %sub3A_42 {offsets = [4096, 0], sizes = [2048, 128], strides = [1, 1]} : vector<16384x128xf32> to vector<2048x128xf32>
    %max3A_47 = arith.maximumf %max3A_45, %slice3A_46 : vector<2048x128xf32>
    %slice3A_48 = vector.extract_strided_slice %sub3A_42 {offsets = [6144, 0], sizes = [2048, 128], strides = [1, 1]} : vector<16384x128xf32> to vector<2048x128xf32>
    %max3A_49 = arith.maximumf %max3A_47, %slice3A_48 : vector<2048x128xf32>
    %slice3A_50 = vector.extract_strided_slice %sub3A_42 {offsets = [8192, 0], sizes = [2048, 128], strides = [1, 1]} : vector<16384x128xf32> to vector<2048x128xf32>
    %max3A_51 = arith.maximumf %max3A_49, %slice3A_50 : vector<2048x128xf32>
    %slice3A_52 = vector.extract_strided_slice %sub3A_42 {offsets = [10240, 0], sizes = [2048, 128], strides = [1, 1]} : vector<16384x128xf32> to vector<2048x128xf32>
    %max3A_53 = arith.maximumf %max3A_51, %slice3A_52 : vector<2048x128xf32>
    %slice3A_54 = vector.extract_strided_slice %sub3A_42 {offsets = [12288, 0], sizes = [2048, 128], strides = [1, 1]} : vector<16384x128xf32> to vector<2048x128xf32>
    %max3A_55 = arith.maximumf %max3A_53, %slice3A_54 : vector<2048x128xf32>
    %slice3A_56 = vector.extract_strided_slice %sub3A_42 {offsets = [14336, 0], sizes = [2048, 128], strides = [1, 1]} : vector<16384x128xf32> to vector<2048x128xf32>
    %max3A_57 = arith.maximumf %max3A_55, %slice3A_56 : vector<2048x128xf32>
    %mul3A_58 = vector.broadcast %div3A_40 : vector<1x128xf32> to vector<2048x128xf32>
    %mul3A_59 = arith.mulf %max3A_57, %mul3A_58 : vector<2048x128xf32>
    %swap3A = arith.constant 0 : index
    %swap3A_60 = arith.constant 0 : index
    %swap3A_61 = arith.constant 0 : index
    %swap3A_62 = vector.load %arg3[%swap3A, %swap3A_60, %swap3A_61] : memref<1x2048x128xf32, #tpu.memory_space<vmem>>, vector<1x2048x128xf32>
    %swap3A_63 = vector.shape_cast %swap3A_62 : vector<1x2048x128xf32> to vector<2048x128xf32>
    %swap3A_64 = vector.shape_cast %mul3A_59 : vector<2048x128xf32> to vector<1x2048x128xf32>
    tpu.vector_store %arg3[%swap3A, %swap3A_60, %swap3A_61], %swap3A_64 {strides = array<i32>} : memref<1x2048x128xf32, #tpu.memory_space<vmem>>, vector<1x2048x128xf32>,
    return
  }
  func.func @transform_0(%arg0: i32) -> (i32, i32, i32) {
    %c0_i32 = arith.constant 0 : i32
    %c0_i32_0 = arith.constant 0 : i32
    %c0_i32_1 = arith.constant 0 : i32
    return %arg0, %c0_i32, %c0_i32_0 : i32, i32, i32
  }
  func.func @transform_1(%arg0: i32) -> (i32, i32, i32) {
    %c0_i32 = arith.constant 0 : i32
    %c0_i32_0 = arith.constant 0 : i32
    %c0_i32_1 = arith.constant 0 : i32
    return %arg0, %c0_i32, %c0_i32_0 : i32, i32, i32
  }
  func.func @transform_2(%arg0: i32) -> (i32, i32, i32) {
    %c0_i32 = arith.constant 0 : i32
    %c0_i32_0 = arith.constant 0 : i32
    %c0_i32_1 = arith.constant 0 : i32
    return %arg0, %c0_i32, %c0_i32_0 : i32, i32, i32
  }
}

</mosaic_0001>

<sc_bundles>
// kernel: kernel.12.cloned.1.call-start
scs
__scs_entry_jumppad:
0x0: {  	(pc) =	sbr.rel $0x88, $3  }
0x1: {  	(tag) =	ssettag $0x0;
	lr =	simm.s32 $0x1  }
0x2: {  	[smem:$0x3F97] =	sst lr;
	_ =	strace $0xD0000000  }
0x3: {  	_ = 	snop  }
0x4: {  	_ = 	snop  }
0x5: {  	_ = 	snop  }
0x6: {  	_ = 	snop  }
0x7: {  	_ = 	snop  }
__scs_overlays_trampoline_lowered:
0x8: {  	[smem:$0x3FA6] =	sst s0  }
0x9: {  	[smem:$0x3FA7] =	sst s1  }
0xa: {  	[smem:$0x3FA8] =	sst s2  }
0xb: {  	[smem:$0x3FA9] =	sst s3  }
0xc: {  	[smem:$0x3FAA] =	sst s4  }
0xd: {  	[smem:$0x3FAB] =	sst s5  }
0xe: {  	[smem:$0x3FAC] =	sst s6  }
0xf: {  	[smem:$0x3FAD] =	sst s7  }
0x10: {  	[smem:$0x3FAE] =	sst s8  }
0x11: {  	[smem:$0x3FAF] =	sst s9;
	s0 =	simm.s32 @!p0 $0x0  }
0x12: {  	s1 =	sld [smem:$0x3F95];
	s0 =	simm.s32 @p0 $0x1  }
0x13: {  	[smem:$0x3FB0] =	sst s0;
	s0 =	simm.s32 @!p1 $0x0  }
0x14: {  	s2 =	sld [smem:$0x3F94];
	s0 =	simm.s32 @p1 $0x1  }
0x15: {  	[smem:$0x3FB1] =	sst s0;
	s0 =	simm.s32 @!p2 $0x0  }
0x16: {  	s3 =	sld [smem:$0x3FDB];
	s0 =	simm.s32 @p2 $0x1  }
0x17: {  	s4 =	simm.s32 $0x1BF5;
	[smem:$0x3FB3] =	sst s0  }
0x18: {  	s0 =	sld [smem:$0x3F96];
	_ =	swait.ge [sflag:s4], $0x0  }
0x19: {  	s7 =	sld [smem:$0x3F97]  }
0x1a: {  	s8 =	sadd.s32 $0xFFFFE003, lr  }
0x1b: {  	s9 =	sadd.s32 $0xFFFFFEF7, lr;
	s5 =	simm.s32 $0xFFFFFFFF;
	p2 =	slt.u32 s8, $0xFFFFF086  }
0x1c: {  	p1 =	slt.u32 s9, $0xF7A;
	s5 =	simm.s32 @!p2 $0x0  }
0x1d: {  	s5 =	simm.s32 @p1 $0x1;
	p0 =	seq.s32 s7, s2  }
0x1e: {  	s7 =	smul.u32 @!p0 $0xF7A, s2;
	p2 =	seq.s32 @!p0 s5, $0x0  }
0x1f: {  	s9 =	smul.u32 $0xF7A, s1;
	s8 =	simm.s32 @!p0 $0x1BF5;
	p2 =	por !p2, p0  }
0x20: {  	[sflag:s8] =	ssyncset.s32 @!p0 $0xFFFFF086;
	s6 =	sadd.s32 @!p0 s3, s7;
	s7 =	simm.s32 @!p0 $0x108  }
0x21: {  	s3 =	sadd.s32 s3, s9;
	s6 =	sadd.s32 @!p0 $0x88, s6;
	s7 =	simm.s32 @p2 $0x1082  }
0x22: {  	[simem:s7], [sflag:s8] =	dma.local @!p0 [hbm:s6], $0xF7A  }
0x23: {  	s9 =	sor.u32 $0xD0000000, s2;
	s6 =	simm.s32 $0x108;
	_ =	swait.ge @!p0 [sflag:s8], $0x0  }
0x24: {  	s3 =	sadd.s32 $0x88, s3;
	s6 =	simm.s32 @!p1 $0x1082;
	[sflag:s4] =	ssyncset.s32 $0xFFFFF086  }
0x25: {  	[simem:s6], [sflag:s4] =	dma.local [hbm:s3], $0xF7A  }
0x26: {  	[smem:$0x3F97] =	sst s1;
	(tag) =	ssettag s2;
	_ =	strace s9  }
0x27: {  	s1 =	sld [smem:$0x3FA7]  }
0x28: {  	s2 =	sld [smem:$0x3FA8]  }
0x29: {  	s4 =	sld [smem:$0x3FAA]  }
0x2a: {  	p0 =	seq.s32 s5, $0x0;
	s5 =	sld [smem:$0x3FAB]  }
0x2b: {  	s6 =	sld [smem:$0x3FAC]  }
0x2c: {  	s7 =	sld [smem:$0x3FAD]  }
0x2d: {  	s3 =	simm.s32 $0x108;
	s8 =	sld [smem:$0x3FAE]  }
0x2e: {  	s3 =	simm.s32 @!p0 $0x1082;
	s9 =	sld [smem:$0x3FAF]  }
0x2f: {  	lr =	sadd.s32 s0, s3;
	s0 =	sld [smem:$0x3FA6]  }
0x30: {  	s3 =	sld [smem:$0x3FA9]  }
0x31: {  	[smem:$0x3FB2] =	sst s10  }
0x32: {  	s10 =	sld [smem:$0x3FB0];
	_ =	sdelay $0x3  }
0x33: {  	p0 =	seq.s32 s10, $0x1;
	s10 =	sld [smem:$0x3FB2];
	_ =	sdelay $0x3  }
0x34: {  	[smem:$0x3FB2] =	sst s10  }
0x35: {  	s10 =	sld [smem:$0x3FB1];
	_ =	sdelay $0x3  }
0x36: {  	p1 =	seq.s32 s10, $0x1;
	s10 =	sld [smem:$0x3FB2];
	_ =	sdelay $0x3  }
0x37: {  	[smem:$0x3FB2] =	sst s10  }
0x38: {  	s10 =	sld [smem:$0x3FB3]  }
0x39: {  	_ = 	snop;
	(pc) =	sbr.ind lr, $3  }
0x3a: {  	_ = 	snop  }
0x3b: {  	_ = 	snop  }
0x3c: {  	p2 =	seq.s32 s10, $0x1;
	s10 =	sld [smem:$0x3FB2]  }
0x3d: {  	_ =	shalt  }
0x3e: {  	_ =	shalt  }
0x3f: {  	_ =	shalt  }
0x40: {  	_ =	shalt  }
0x41: {  	_ =	shalt  }
0x42: {  	_ =	shalt  }
0x43: {  	_ =	shalt  }
0x44: {  	_ =	shalt  }
0x45: {  	_ =	shalt  }
0x46: {  	_ =	shalt  }
0x47: {  	_ =	shalt  }
0x48: {  	_ =	shalt  }
0x49: {  	_ =	shalt  }
0x4a: {  	_ =	shalt  }
0x4b: {  	_ =	shalt  }
0x4c: {  	_ =	shalt  }
0x4d: {  	_ =	shalt  }
0x4e: {  	_ =	shalt  }
0x4f: {  	_ =	shalt  }
0x50: {  	_ =	shalt  }
0x51: {  	_ =	shalt  }
0x52: {  	_ =	shalt  }
0x53: {  	_ =	shalt  }
0x54: {  	_ =	shalt  }
0x55: {  	_ =	shalt  }
0x56: {  	_ =	shalt  }
0x57: {  	_ =	shalt  }
0x58: {  	_ =	shalt  }
0x59: {  	_ =	shalt  }
0x5a: {  	_ =	shalt  }
0x5b: {  	_ =	shalt  }
0x5c: {  	_ =	shalt  }
0x5d: {  	_ =	shalt  }
0x5e: {  	_ =	shalt  }
0x5f: {  	_ =	shalt  }
0x60: {  	_ =	shalt  }
0x61: {  	_ =	shalt  }
0x62: {  	_ =	shalt  }
0x63: {  	_ =	shalt  }
0x64: {  	_ =	shalt  }
0x65: {  	_ =	shalt  }
0x66: {  	_ =	shalt  }
0x67: {  	_ =	shalt  }
0x68: {  	_ =	shalt  }
0x69: {  	_ =	shalt  }
0x6a: {  	_ =	shalt  }
0x6b: {  	_ =	shalt  }
0x6c: {  	_ =	shalt  }
0x6d: {  	_ =	shalt  }
0x6e: {  	_ =	shalt  }
0x6f: {  	_ =	shalt  }
0x70: {  	_ =	shalt  }
0x71: {  	_ =	shalt  }
0x72: {  	_ =	shalt  }
0x73: {  	_ =	shalt  }
0x74: {  	_ =	shalt  }
0x75: {  	_ =	shalt  }
0x76: {  	_ =	shalt  }
0x77: {  	_ =	shalt  }
0x78: {  	_ =	shalt  }
0x79: {  	_ =	shalt  }
0x7a: {  	_ =	shalt  }
0x7b: {  	_ =	shalt  }
0x7c: {  	_ =	shalt  }
0x7d: {  	_ =	shalt  }
0x7e: {  	_ =	shalt  }
0x7f: {  	_ =	shalt  }
0x80: {  	_ =	shalt  }
0x81: {  	_ =	shalt  }
0x82: {  	_ =	shalt  }
0x83: {  	_ =	shalt  }
0x84: {  	_ =	shalt  }
0x85: {  	_ =	shalt  }
0x86: {  	_ =	shalt  }
0x87: {  	_ =	shalt  }
.Lfunc_end0:
.L_simem_size_0:
called_computation_lowered:
.L_overlay_start_0:
0x88: {  	s2 =	sld [smem:$0x3FD9]  }
0x89: {  	s3 =	sld [smem:$0x3FFE];
	_ =	sdelay $0x1  }
0x8a: {  	s1 =	srdreg.scid  }
0x8b: {  	s0 =	sand.u32 $0x1, s1  }
0x8c: {  	s17 =	sshll.u32 s0, $0xA;
	s2 =	sadd.s32 s3, s2  }
0x8d: {  	s2 =	sadd.s32 s2, s17  }
0x8e: {  	[smem:$0x3FBE] =	sst s2  }
0x8f: {  	_ = 	snop  }
0x90: {  	s2 =	sld [smem:$0x3FD0];
	(tm) =	ssettm $0x1  }
0x91: {  	s18 =	sld [smem:$0x3FFB];
	_ =	sdelay $0x3  }
0x92: {  	_ =	strace s18  }
0x93: {  	s3 =	sld [smem:$0x3FFC];
	_ =	sdelay $0x3  }
0x94: {  	_ =	strace s3  }
0x95: {  	s3 =	sld [smem:$0x3FFD];
	_ =	sdelay $0x3  }
0x96: {  	_ =	strace s3  }
0x97: {  	_ =	strace $0x8FFFFFFF  }
0x98: {  	s19 =	sld [smem:$0x3FDB];
	_ =	sdelay $0x1  }
0x99: {  	s4 =	simm.s32 $_scs_section_size  }
0x9a: {  	s5 =	simm.s32 $_size__tile_overlayer_lowered;
	s6 =	simm.s32 $_tile_overlayer_lowered  }
0x9b: {  	s22 =	simm.s32 $0x1BFF;
	s21 =	sshll.u32 s6, $0x1;
	s3 =	sadd.s32 s4, s19  }
0x9c: {  	s7 =	simm.s32 $0x0;
	s20 =	sshll.u32 s5, $0x1;
	s5 =	sadd.s32 s21, s3  }
0x9d: {  	[timem:s7], [sflag:s22] =	dma.local [hbm:s5], s20  }
0x9e: {  	_ =	swait.ge [sflag:s22], s20  }
0x9f: {  	s4 =	ssub.s32 $0x0, s20;
	[sflag:s22] =	ssyncset.done $0x0  }
0xa0: {  	[sflag:s22] =	ssyncadd.s32 s4;
	_ =	sdelay $0x1  }
0xa1: {  	s23 =	simm.s32 $0x1B8B  }
0xa2: {  	_ =	swait.ge [sflag:s23], $0x1  }
0xa3: {  	[sflag:s23] =	ssyncset.done $0x0  }
0xa4: {  	s25 =	simm.s32 $0x1B8E;
	s24 =	sld [smem:$0x3FFE];
	[sflag:s23] =	ssyncadd.s32 $0xFFFFFFFF  }
0xa5: {  	s26 =	simm.s32 $execute0_lowered;
	[smem:$0x3FD2] =	sst s25  }
0xa6: {  	s5 =	sshll.u32 s26, $0x1;
	_ =	strace $0x80000046;
	[dreg:$0x1] =	wrdreg $0xFFFFFFFF  }
0xa7: {  	s28 =	simm.s32 $_size_execute0_lowered;
	s3 =	sadd.s32 s3, s5;
	[dreg:$0x0] =	wrdreg $0x0  }
0xa8: {  	s5 =	sshll.u32 s28, $0x1;
	[dreg:$0x2] =	wrdreg s3  }
0xa9: {  	[dreg:$0x3] =	wrdreg s5  }
0xaa: {  	[dreg:$0x4] =	wrdreg $0xC0  }
0xab: {  	_ =	task [dreg:s7], $0x5FFFF  }
0xac: {  	[dreg:$0x1] =	wrdreg $0xFFFFFFFF  }
0xad: {  	[dreg:$0x0] =	wrdreg $0x60  }
0xae: {  	[dreg:$0x2] =	wrdreg s2  }
0xaf: {  	[dreg:$0x3] =	wrdreg s24  }
0xb0: {  	[dreg:$0x4] =	wrdreg $0x9  }
0xb1: {  	_ =	task.clear_ibuf [dreg:s7], $0x5FFFF;
	_ =	strace $0x90000046  }
0xb2: {  	s29 =	simm.s32 $0x9;
	_ =	strace $0x80000048  }
0xb3: {  	_ =	swait.ge [sflag:s29], $0x1  }
0xb4: {  	[sflag:s29] =	ssyncadd.s32 $0xFFFFFFFF  }
0xb5: {  	_ =	strace $0x90000048  }
0xb6: {  	_ =	sfence  }
0xb7: {  	s30 =	sld [smem:$0x0];
	_ =	sdelay $0x2  }
0xb8: {  	s31 =	sshll.u32 s1, $0xD;
	s1 =	sshrl.u32 s1, $0x2  }
0xb9: {  	s3 =	sand.u32 $0x4000, s31;
	s1 =	sadd.s32 s1, s30  }
0xba: {  	s0 =	sor.u32 s3, s0;
	s1 =	sshll.u32 s1, $0x11  }
0xbb: {  	s0 =	sor.u32 s1, s0  }
0xbc: {  	s0 =	sadd.s32 $0x8F2B, s0  }
0xbd: {  	[sflag:s0] =	ssyncadd.remote.s32 $0x1  }
0xbe: {  	_ =	sfence.sel $0xFFFF  }
0xbf: {  	[dreg:$0x0] =	wrdreg $0xFFFFFFFF;
	(pc) =	sbr.abs _section_cstart, $3  }
0xc0: {  	[dreg:$0x1] =	wrdreg $0xFFFFFFFF  }
0xc1: {  	_ =	task.clear_ibuf [dreg:s7], $0x2FFFF;
	_ =	strace $0x9FFFFFFF  }
0xc2: {  	(tm) =	ssettm $0x7FFFFFFF  }
0xc3: {  	_ =	shalt  }
tec
execute0_lowered:
.L_overlay_start_1:
0x0: {  	(tag) =	ssettag $0x1  }
0x1: {  	s1 =	srdreg.scid;
	s0 =	stileid.u32  }
0x2: {  	s1 =	sand.u32 $0x1, s1;
	s3 =	sshll.u32 s0, $0x1  }
0x3: {  	s2 =	rddreg [dreg:$0x0];
	s5 =	sor.u32 s1, s3  }
0x4: {  	s4 =	rddreg [dreg:$0x1];
	s6 =	sshll.u32 s5, $0x8  }
0x5: {  	s3 =	simm.s32 $0x0;
	s5 =	sshll.u32 s5, $0xF;
	s6 =	sadd.s32 s6, s4  }
0x6: {  	[smem:$0x7FF] =	sst s3;
	s31 =	sadd.s32 s5, s4;
	s17 =	sadd.s32 $0x3000, s6  }
0x7: {  	_ =	strace $0x80000047;
	s18 =	sadd.s32 $0x5000, s31;
	[dreg:$0x3] =	wrdreg s17  }
0x8: {  	s19 =	sadd.s32 $0x5800, s31;
	[dreg:$0x4] =	wrdreg s18  }
0x9: {  	s20 =	sadd.s32 $0x6000, s31;
	[dreg:$0x5] =	wrdreg s19  }
0xa: {  	s21 =	sadd.s32 $0x6800, s31;
	[dreg:$0x6] =	wrdreg s20  }
0xb: {  	s22 =	sadd.s32 $0x7000, s31;
	[dreg:$0x7] =	wrdreg s21  }
0xc: {  	s23 =	sadd.s32 $0x7800, s31;
	[dreg:$0x8] =	wrdreg s22  }
0xd: {  	s25 =	sadd.s32 $0x8000, s31;
	[dreg:$0x9] =	wrdreg s23  }
0xe: {  	[dreg:$0xa] =	wrdreg s25  }
0xf: {  	s4 =	simm.s32 $0x2;
	s24 =	rddreg [dreg:$0x3]  }
0x10: {  	[tilespmem:s3], [sflag:$0x2] =	stream.linear.gather [hbm4b:s24+s3], $0x800, $0x38;
	[tilespmem:$0x4800] =	vst v63  }
0x11: {  	_ =	swait.ge [sflag:s4], $0x800  }
0x12: {  	s7 =	simm.s32 $0x1;
	[sflag:s4] =	ssyncset.done $0x0  }
0x13: {  	s5 =	simm.s32 $0x80;
	s6 =	simm.s32 $0x800;
	[sflag:s4] =	ssyncadd.s32 $0xFFFFF800  }
0x14: {  	[tilespmem:s6], [sflag:$0x1] =	stream.indirect.gather [hbm4b:s2+s5], $0x80, s3, s5, $0xb8;
	[tilespmem:$0x4800] =	vst v63  }
0x15: {  	_ =	swait.ge [sflag:s7], $0x4000  }
0x16: {  	[sflag:s7] =	ssyncset.done $0x0  }
0x17: {  	s8 =	rddreg [dreg:$0x4];
	[sflag:s7] =	ssyncadd.s32 $0xFFFFC000  }
0x18: {  	[hbm4b:s8+s3] =	stream.linear.scatter [tilespmem:s6], [sflag:$0x2], $0x4000, $0x38;
	[tilespmem:$0x4800] =	vst v63  }
0x19: {  	_ =	swait.ge [sflag:s4], $0x4000  }
0x1a: {  	[sflag:s4] =	ssyncset.done $0x0  }
0x1b: {  	[sflag:s4] =	ssyncadd.s32 $0xFFFFC000  }
0x1c: {  	[tilespmem:s6], [sflag:$0x1] =	stream.indirect.gather [hbm4b:s2+s5], $0x80, s5, s5, $0xb8;
	[tilespmem:$0x4800] =	vst v63  }
0x1d: {  	_ =	swait.ge [sflag:s7], $0x4000  }
0x1e: {  	[sflag:s7] =	ssyncset.done $0x0  }
0x1f: {  	s26 =	rddreg [dreg:$0x5];
	[sflag:s7] =	ssyncadd.s32 $0xFFFFC000  }
0x20: {  	[hbm4b:s26+s3] =	stream.linear.scatter [tilespmem:s6], [sflag:$0x2], $0x4000, $0x38;
	[tilespmem:$0x4800] =	vst v63  }
0x21: {  	_ =	swait.ge [sflag:s4], $0x4000  }
0x22: {  	[sflag:s4] =	ssyncset.done $0x0  }
0x23: {  	s8 =	simm.s32 $0x100;
	[sflag:s4] =	ssyncadd.s32 $0xFFFFC000  }
0x24: {  	[tilespmem:s6], [sflag:$0x1] =	stream.indirect.gather [hbm4b:s2+s5], $0x80, s8, s5, $0xb8;
	[tilespmem:$0x4800] =	vst v63  }
0x25: {  	_ =	swait.ge [sflag:s7], $0x4000  }
0x26: {  	[sflag:s7] =	ssyncset.done $0x0  }
0x27: {  	s9 =	rddreg [dreg:$0x6];
	[sflag:s7] =	ssyncadd.s32 $0xFFFFC000  }
0x28: {  	[hbm4b:s9+s3] =	stream.linear.scatter [tilespmem:s6], [sflag:$0x2], $0x4000, $0x38;
	[tilespmem:$0x4800] =	vst v63  }
0x29: {  	_ =	swait.ge [sflag:s4], $0x4000  }
0x2a: {  	[sflag:s4] =	ssyncset.done $0x0  }
0x2b: {  	s9 =	simm.s32 $0x180;
	[sflag:s4] =	ssyncadd.s32 $0xFFFFC000  }
0x2c: {  	[tilespmem:s6], [sflag:$0x1] =	stream.indirect.gather [hbm4b:s2+s5], $0x80, s9, s5, $0xb8;
	[tilespmem:$0x4800] =	vst v63  }
0x2d: {  	_ =	swait.ge [sflag:s7], $0x4000  }
0x2e: {  	[sflag:s7] =	ssyncset.done $0x0  }
0x2f: {  	s10 =	rddreg [dreg:$0x7];
	[sflag:s7] =	ssyncadd.s32 $0xFFFFC000  }
0x30: {  	[hbm4b:s10+s3] =	stream.linear.scatter [tilespmem:s6], [sflag:$0x2], $0x4000, $0x38;
	[tilespmem:$0x4800] =	vst v63  }
0x31: {  	_ =	swait.ge [sflag:s4], $0x4000  }
0x32: {  	[sflag:s4] =	ssyncset.done $0x0  }
0x33: {  	s10 =	simm.s32 $0x200;
	[sflag:s4] =	ssyncadd.s32 $0xFFFFC000  }
0x34: {  	[tilespmem:s6], [sflag:$0x1] =	stream.indirect.gather [hbm4b:s2+s5], $0x80, s10, s5, $0xb8;
	[tilespmem:$0x4800] =	vst v63  }
0x35: {  	_ =	swait.ge [sflag:s7], $0x4000  }
0x36: {  	[sflag:s7] =	ssyncset.done $0x0  }
0x37: {  	s11 =	rddreg [dreg:$0x8];
	[sflag:s7] =	ssyncadd.s32 $0xFFFFC000  }
0x38: {  	[hbm4b:s11+s3] =	stream.linear.scatter [tilespmem:s6], [sflag:$0x2], $0x4000, $0x38;
	[tilespmem:$0x4800] =	vst v63  }
0x39: {  	_ =	swait.ge [sflag:s4], $0x4000  }
0x3a: {  	[sflag:s4] =	ssyncset.done $0x0  }
0x3b: {  	s11 =	simm.s32 $0x280;
	[sflag:s4] =	ssyncadd.s32 $0xFFFFC000  }
0x3c: {  	[tilespmem:s6], [sflag:$0x1] =	stream.indirect.gather [hbm4b:s2+s5], $0x80, s11, s5, $0xb8;
	[tilespmem:$0x4800] =	vst v63  }
0x3d: {  	_ =	swait.ge [sflag:s7], $0x4000  }
0x3e: {  	[sflag:s7] =	ssyncset.done $0x0  }
0x3f: {  	s12 =	rddreg [dreg:$0x9];
	[sflag:s7] =	ssyncadd.s32 $0xFFFFC000  }
0x40: {  	[hbm4b:s12+s3] =	stream.linear.scatter [tilespmem:s6], [sflag:$0x2], $0x4000, $0x38;
	[tilespmem:$0x4800] =	vst v63  }
0x41: {  	_ =	swait.ge [sflag:s4], $0x4000  }
0x42: {  	[sflag:s4] =	ssyncset.done $0x0  }
0x43: {  	s12 =	simm.s32 $0x300;
	[sflag:s4] =	ssyncadd.s32 $0xFFFFC000  }
0x44: {  	[tilespmem:s6], [sflag:$0x1] =	stream.indirect.gather [hbm4b:s2+s5], $0x80, s12, s5, $0xb8;
	[tilespmem:$0x4800] =	vst v63  }
0x45: {  	_ =	swait.ge [sflag:s7], $0x4000  }
0x46: {  	[sflag:s7] =	ssyncset.done $0x0  }
0x47: {  	s13 =	rddreg [dreg:$0xa];
	[sflag:s7] =	ssyncadd.s32 $0xFFFFC000  }
0x48: {  	[hbm4b:s13+s3] =	stream.linear.scatter [tilespmem:s6], [sflag:$0x2], $0x4000, $0x38;
	[tilespmem:$0x4800] =	vst v63  }
0x49: {  	_ =	swait.ge [sflag:s4], $0x4000  }
0x4a: {  	[sflag:s4] =	ssyncset.done $0x0  }
0x4b: {  	s13 =	simm.s32 $0x380;
	[sflag:s4] =	ssyncadd.s32 $0xFFFFC000  }
0x4c: {  	[tilespmem:s6], [sflag:$0x1] =	stream.indirect.gather [hbm4b:s2+s5], $0x80, s13, s5, $0xb8;
	[tilespmem:$0x4800] =	vst v63  }
0x4d: {  	_ =	swait.ge [sflag:s7], $0x4000  }
0x4e: {  	[sflag:s7] =	ssyncset.done $0x0  }
0x4f: {  	s14 =	sadd.s32 $0x8800, s31;
	[sflag:s7] =	ssyncadd.s32 $0xFFFFC000  }
0x50: {  	[hbm4b:s14+s3] =	stream.linear.scatter [tilespmem:s6], [sflag:$0x2], $0x4000, $0x38;
	[tilespmem:$0x4800] =	vst v63  }
0x51: {  	_ =	swait.ge [sflag:s4], $0x4000  }
0x52: {  	[sflag:s4] =	ssyncset.done $0x0  }
0x53: {  	s15 =	simm.s32 $0x400;
	[sflag:s4] =	ssyncadd.s32 $0xFFFFC000  }
0x54: {  	[tilespmem:s6], [sflag:$0x1] =	stream.indirect.gather [hbm4b:s2+s5], $0x80, s15, s5, $0xb8;
	[tilespmem:$0x4800] =	vst v63  }
0x55: {  	_ =	swait.ge [sflag:s7], $0x4000  }
0x56: {  	[sflag:s7] =	ssyncset.done $0x0  }
0x57: {  	s16 =	sadd.s32 $0x9000, s31;
	[sflag:s7] =	ssyncadd.s32 $0xFFFFC000  }
0x58: {  	[hbm4b:s16+s3] =	stream.linear.scatter [tilespmem:s6], [sflag:$0x2], $0x4000, $0x38;
	[tilespmem:$0x4800] =	vst v63  }
0x59: {  	_ =	swait.ge [sflag:s4], $0x4000  }
0x5a: {  	[sflag:s4] =	ssyncset.done $0x0  }
0x5b: {  	s17 =	simm.s32 $0x480;
	[sflag:s4] =	ssyncadd.s32 $0xFFFFC000  }
0x5c: {  	[tilespmem:s6], [sflag:$0x1] =	stream.indirect.gather [hbm4b:s2+s5], $0x80, s17, s5, $0xb8;
	[tilespmem:$0x4800] =	vst v63  }
0x5d: {  	_ =	swait.ge [sflag:s7], $0x4000  }
0x5e: {  	[sflag:s7] =	ssyncset.done $0x0  }
0x5f: {  	s18 =	sadd.s32 $0x9800, s31;
	[sflag:s7] =	ssyncadd.s32 $0xFFFFC000  }
0x60: {  	[hbm4b:s18+s3] =	stream.linear.scatter [tilespmem:s6], [sflag:$0x2], $0x4000, $0x38;
	[tilespmem:$0x4800] =	vst v63  }
0x61: {  	_ =	swait.ge [sflag:s4], $0x4000  }
0x62: {  	[sflag:s4] =	ssyncset.done $0x0  }
0x63: {  	s19 =	simm.s32 $0x500;
	[sflag:s4] =	ssyncadd.s32 $0xFFFFC000  }
0x64: {  	[tilespmem:s6], [sflag:$0x1] =	stream.indirect.gather [hbm4b:s2+s5], $0x80, s19, s5, $0xb8;
	[tilespmem:$0x4800] =	vst v63  }
0x65: {  	_ =	swait.ge [sflag:s7], $0x4000  }
0x66: {  	[sflag:s7] =	ssyncset.done $0x0  }
0x67: {  	s20 =	sadd.s32 $0xA000, s31;
	[sflag:s7] =	ssyncadd.s32 $0xFFFFC000  }
0x68: {  	[hbm4b:s20+s3] =	stream.linear.scatter [tilespmem:s6], [sflag:$0x2], $0x4000, $0x38;
	[tilespmem:$0x4800] =	vst v63  }
0x69: {  	_ =	swait.ge [sflag:s4], $0x4000  }
0x6a: {  	[sflag:s4] =	ssyncset.done $0x0  }
0x6b: {  	s21 =	simm.s32 $0x580;
	[sflag:s4] =	ssyncadd.s32 $0xFFFFC000  }
0x6c: {  	[tilespmem:s6], [sflag:$0x1] =	stream.indirect.gather [hbm4b:s2+s5], $0x80, s21, s5, $0xb8;
	[tilespmem:$0x4800] =	vst v63  }
0x6d: {  	_ =	swait.ge [sflag:s7], $0x4000  }
0x6e: {  	[sflag:s7] =	ssyncset.done $0x0  }
0x6f: {  	s22 =	sadd.s32 $0xA800, s31;
	[sflag:s7] =	ssyncadd.s32 $0xFFFFC000  }
0x70: {  	[hbm4b:s22+s3] =	stream.linear.scatter [tilespmem:s6], [sflag:$0x2], $0x4000, $0x38;
	[tilespmem:$0x4800] =	vst v63  }
0x71: {  	_ =	swait.ge [sflag:s4], $0x4000  }
0x72: {  	[sflag:s4] =	ssyncset.done $0x0  }
0x73: {  	s23 =	simm.s32 $0x600;
	[sflag:s4] =	ssyncadd.s32 $0xFFFFC000  }
0x74: {  	[tilespmem:s6], [sflag:$0x1] =	stream.indirect.gather [hbm4b:s2+s5], $0x80, s23, s5, $0xb8;
	[tilespmem:$0x4800] =	vst v63  }
0x75: {  	_ =	swait.ge [sflag:s7], $0x4000  }
0x76: {  	[sflag:s7] =	ssyncset.done $0x0  }
0x77: {  	s24 =	sadd.s32 $0xB000, s31;
	[sflag:s7] =	ssyncadd.s32 $0xFFFFC000  }
0x78: {  	[hbm4b:s24+s3] =	stream.linear.scatter [tilespmem:s6], [sflag:$0x2], $0x4000, $0x38;
	[tilespmem:$0x4800] =	vst v63  }
0x79: {  	_ =	swait.ge [sflag:s4], $0x4000  }
0x7a: {  	[sflag:s4] =	ssyncset.done $0x0  }
0x7b: {  	s25 =	simm.s32 $0x680;
	[sflag:s4] =	ssyncadd.s32 $0xFFFFC000  }
0x7c: {  	[tilespmem:s6], [sflag:$0x1] =	stream.indirect.gather [hbm4b:s2+s5], $0x80, s25, s5, $0xb8;
	[tilespmem:$0x4800] =	vst v63  }
0x7d: {  	_ =	swait.ge [sflag:s7], $0x4000  }
0x7e: {  	[sflag:s7] =	ssyncset.done $0x0  }
0x7f: {  	s26 =	sadd.s32 $0xB800, s31;
	[sflag:s7] =	ssyncadd.s32 $0xFFFFC000  }
0x80: {  	[hbm4b:s26+s3] =	stream.linear.scatter [tilespmem:s6], [sflag:$0x2], $0x4000, $0x38;
	[tilespmem:$0x4800] =	vst v63  }
0x81: {  	_ =	swait.ge [sflag:s4], $0x4000  }
0x82: {  	[sflag:s4] =	ssyncset.done $0x0  }
0x83: {  	s28 =	simm.s32 $0x700;
	[sflag:s4] =	ssyncadd.s32 $0xFFFFC000  }
0x84: {  	[tilespmem:s6], [sflag:$0x1] =	stream.indirect.gather [hbm4b:s2+s5], $0x80, s28, s5, $0xb8;
	[tilespmem:$0x4800] =	vst v63  }
0x85: {  	_ =	swait.ge [sflag:s7], $0x4000  }
0x86: {  	s1 =	ssub.s32 $0x2, s1;
	[sflag:s7] =	ssyncset.done $0x0  }
0x87: {  	s0 =	sshrl.u32 s1, $0x1;
	s29 =	sadd.s32 $0xC000, s31;
	[sflag:s7] =	ssyncadd.s32 $0xFFFFC000  }
0x88: {  	[hbm4b:s29+s3] =	stream.linear.scatter [tilespmem:s6], [sflag:$0x2], $0x4000, $0x38;
	[tilespmem:$0x4800] =	vst v63  }
0x89: {  	s0 =	ssub.s32 s1, s0;
	_ =	swait.ge [sflag:s4], $0x4000  }
0x8a: {  	s0 =	smax.u32 s0, $0x1;
	[sflag:s4] =	ssyncset.done $0x0  }
0x8b: {  	s30 =	simm.s32 $0x780;
	p0 =	sne.s32 s0, $0x1;
	[sflag:s4] =	ssyncadd.s32 $0xFFFFC000  }
0x8c: {  	[tilespmem:s6], [sflag:$0x1] =	stream.indirect.gather [hbm4b:s2+s5], $0x80, s30, s5, $0xb8;
	[tilespmem:$0x4800] =	vst v63  }
.Ltmp0:
0x8d: {  	_ =	swait.ge [sflag:s7], $0x4000;
	(pc) =	sbr.rel @!p0 .LBB2_2-.Ltmp0, $4  }
0x8e: {  	[sflag:s7] =	ssyncset.done $0x0  }
0x8f: {  	s31 =	sadd.s32 $0xC800, s31;
	[sflag:s7] =	ssyncadd.s32 $0xFFFFC000  }
0x90: {  	[hbm4b:s31+s3] =	stream.linear.scatter [tilespmem:s6], [sflag:$0x2], $0x4000, $0x38;
	[tilespmem:$0x4800] =	vst v63  }
0x91: {  	s1 =	sadd.s32 $0xFFFFFFFF, s0;
	_ =	swait.ge [sflag:s4], $0x4000  }
.LBB2_1:
0x92: {  	[sflag:s4] =	ssyncset.done $0x0  }
0x93: {  	s0 =	rddreg [dreg:$0x3];
	[sflag:s4] =	ssyncadd.s32 $0xFFFFC000  }
0x94: {  	[tilespmem:s3], [sflag:$0x2] =	stream.linear.gather [hbm4b:s0+s3], $0x800, $0x38;
	[tilespmem:$0x4800] =	vst v63  }
0x95: {  	_ =	swait.ge [sflag:s4], $0x800  }
0x96: {  	[sflag:s4] =	ssyncset.done $0x0  }
0x97: {  	[sflag:s4] =	ssyncadd.s32 $0xFFFFF800  }
0x98: {  	[tilespmem:s6], [sflag:$0x1] =	stream.indirect.gather [hbm4b:s2+s5], $0x80, s3, s5, $0xb8;
	[tilespmem:$0x4800] =	vst v63  }
0x99: {  	_ =	swait.ge [sflag:s7], $0x4000  }
0x9a: {  	[sflag:s7] =	ssyncset.done $0x0  }
0x9b: {  	s0 =	rddreg [dreg:$0x4];
	[sflag:s7] =	ssyncadd.s32 $0xFFFFC000  }
0x9c: {  	[hbm4b:s0+s3] =	stream.linear.scatter [tilespmem:s6], [sflag:$0x2], $0x4000, $0x38;
	[tilespmem:$0x4800] =	vst v63  }
0x9d: {  	_ =	swait.ge [sflag:s4], $0x4000  }
0x9e: {  	[sflag:s4] =	ssyncset.done $0x0  }
0x9f: {  	[sflag:s4] =	ssyncadd.s32 $0xFFFFC000  }
0xa0: {  	[tilespmem:s6], [sflag:$0x1] =	stream.indirect.gather [hbm4b:s2+s5], $0x80, s5, s5, $0xb8;
	[tilespmem:$0x4800] =	vst v63  }
0xa1: {  	_ =	swait.ge [sflag:s7], $0x4000  }
0xa2: {  	[sflag:s7] =	ssyncset.done $0x0  }
0xa3: {  	s0 =	rddreg [dreg:$0x5];
	[sflag:s7] =	ssyncadd.s32 $0xFFFFC000  }
0xa4: {  	[hbm4b:s0+s3] =	stream.linear.scatter [tilespmem:s6], [sflag:$0x2], $0x4000, $0x38;
	[tilespmem:$0x4800] =	vst v63  }
0xa5: {  	_ =	swait.ge [sflag:s4], $0x4000  }
0xa6: {  	[sflag:s4] =	ssyncset.done $0x0  }
0xa7: {  	[sflag:s4] =	ssyncadd.s32 $0xFFFFC000  }
0xa8: {  	[tilespmem:s6], [sflag:$0x1] =	stream.indirect.gather [hbm4b:s2+s5], $0x80, s8, s5, $0xb8;
	[tilespmem:$0x4800] =	vst v63  }
0xa9: {  	_ =	swait.ge [sflag:s7], $0x4000  }
0xaa: {  	[sflag:s7] =	ssyncset.done $0x0  }
0xab: {  	s0 =	rddreg [dreg:$0x6];
	[sflag:s7] =	ssyncadd.s32 $0xFFFFC000  }
0xac: {  	[hbm4b:s0+s3] =	stream.linear.scatter [tilespmem:s6], [sflag:$0x2], $0x4000, $0x38;
	[tilespmem:$0x4800] =	vst v63  }
0xad: {  	_ =	swait.ge [sflag:s4], $0x4000  }
0xae: {  	[sflag:s4] =	ssyncset.done $0x0  }
0xaf: {  	[sflag:s4] =	ssyncadd.s32 $0xFFFFC000  }
0xb0: {  	[tilespmem:s6], [sflag:$0x1] =	stream.indirect.gather [hbm4b:s2+s5], $0x80, s9, s5, $0xb8;
	[tilespmem:$0x4800] =	vst v63  }
0xb1: {  	_ =	swait.ge [sflag:s7], $0x4000  }
0xb2: {  	[sflag:s7] =	ssyncset.done $0x0  }
0xb3: {  	s0 =	rddreg [dreg:$0x7];
	[sflag:s7] =	ssyncadd.s32 $0xFFFFC000  }
0xb4: {  	[hbm4b:s0+s3] =	stream.linear.scatter [tilespmem:s6], [sflag:$0x2], $0x4000, $0x38;
	[tilespmem:$0x4800] =	vst v63  }
0xb5: {  	_ =	swait.ge [sflag:s4], $0x4000  }
0xb6: {  	[sflag:s4] =	ssyncset.done $0x0  }
0xb7: {  	[sflag:s4] =	ssyncadd.s32 $0xFFFFC000  }
0xb8: {  	[tilespmem:s6], [sflag:$0x1] =	stream.indirect.gather [hbm4b:s2+s5], $0x80, s10, s5, $0xb8;
	[tilespmem:$0x4800] =	vst v63  }
0xb9: {  	_ =	swait.ge [sflag:s7], $0x4000  }
0xba: {  	[sflag:s7] =	ssyncset.done $0x0  }
0xbb: {  	s0 =	rddreg [dreg:$0x8];
	[sflag:s7] =	ssyncadd.s32 $0xFFFFC000  }
0xbc: {  	[hbm4b:s0+s3] =	stream.linear.scatter [tilespmem:s6], [sflag:$0x2], $0x4000, $0x38;
	[tilespmem:$0x4800] =	vst v63  }
0xbd: {  	_ =	swait.ge [sflag:s4], $0x4000  }
0xbe: {  	[sflag:s4] =	ssyncset.done $0x0  }
0xbf: {  	[sflag:s4] =	ssyncadd.s32 $0xFFFFC000  }
0xc0: {  	[tilespmem:s6], [sflag:$0x1] =	stream.indirect.gather [hbm4b:s2+s5], $0x80, s11, s5, $0xb8;
	[tilespmem:$0x4800] =	vst v63  }
0xc1: {  	_ =	swait.ge [sflag:s7], $0x4000  }
0xc2: {  	[sflag:s7] =	ssyncset.done $0x0  }
0xc3: {  	s0 =	rddreg [dreg:$0x9];
	[sflag:s7] =	ssyncadd.s32 $0xFFFFC000  }
0xc4: {  	[hbm4b:s0+s3] =	stream.linear.scatter [tilespmem:s6], [sflag:$0x2], $0x4000, $0x38;
	[tilespmem:$0x4800] =	vst v63  }
0xc5: {  	_ =	swait.ge [sflag:s4], $0x4000  }
0xc6: {  	[sflag:s4] =	ssyncset.done $0x0  }
0xc7: {  	[sflag:s4] =	ssyncadd.s32 $0xFFFFC000  }
0xc8: {  	[tilespmem:s6], [sflag:$0x1] =	stream.indirect.gather [hbm4b:s2+s5], $0x80, s12, s5, $0xb8;
	[tilespmem:$0x4800] =	vst v63  }
0xc9: {  	_ =	swait.ge [sflag:s7], $0x4000  }
0xca: {  	[sflag:s7] =	ssyncset.done $0x0  }
0xcb: {  	s0 =	rddreg [dreg:$0xa];
	[sflag:s7] =	ssyncadd.s32 $0xFFFFC000  }
0xcc: {  	[hbm4b:s0+s3] =	stream.linear.scatter [tilespmem:s6], [sflag:$0x2], $0x4000, $0x38;
	[tilespmem:$0x4800] =	vst v63  }
0xcd: {  	_ =	swait.ge [sflag:s4], $0x4000  }
0xce: {  	[sflag:s4] =	ssyncset.done $0x0  }
0xcf: {  	[sflag:s4] =	ssyncadd.s32 $0xFFFFC000  }
0xd0: {  	[tilespmem:s6], [sflag:$0x1] =	stream.indirect.gather [hbm4b:s2+s5], $0x80, s13, s5, $0xb8;
	[tilespmem:$0x4800] =	vst v63  }
0xd1: {  	_ =	swait.ge [sflag:s7], $0x4000  }
0xd2: {  	[sflag:s7] =	ssyncset.done $0x0  }
0xd3: {  	[sflag:s7] =	ssyncadd.s32 $0xFFFFC000  }
0xd4: {  	[hbm4b:s14+s3] =	stream.linear.scatter [tilespmem:s6], [sflag:$0x2], $0x4000, $0x38;
	[tilespmem:$0x4800] =	vst v63  }
0xd5: {  	_ =	swait.ge [sflag:s4], $0x4000  }
0xd6: {  	[sflag:s4] =	ssyncset.done $0x0  }
0xd7: {  	[sflag:s4] =	ssyncadd.s32 $0xFFFFC000  }
0xd8: {  	[tilespmem:s6], [sflag:$0x1] =	stream.indirect.gather [hbm4b:s2+s5], $0x80, s15, s5, $0xb8;
	[tilespmem:$0x4800] =	vst v63  }
0xd9: {  	_ =	swait.ge [sflag:s7], $0x4000  }
0xda: {  	[sflag:s7] =	ssyncset.done $0x0  }
0xdb: {  	[sflag:s7] =	ssyncadd.s32 $0xFFFFC000  }
0xdc: {  	[hbm4b:s16+s3] =	stream.linear.scatter [tilespmem:s6], [sflag:$0x2], $0x4000, $0x38;
	[tilespmem:$0x4800] =	vst v63  }
0xdd: {  	_ =	swait.ge [sflag:s4], $0x4000  }
0xde: {  	[sflag:s4] =	ssyncset.done $0x0  }
0xdf: {  	[sflag:s4] =	ssyncadd.s32 $0xFFFFC000  }
0xe0: {  	[tilespmem:s6], [sflag:$0x1] =	stream.indirect.gather [hbm4b:s2+s5], $0x80, s17, s5, $0xb8;
	[tilespmem:$0x4800] =	vst v63  }
0xe1: {  	_ =	swait.ge [sflag:s7], $0x4000  }
0xe2: {  	[sflag:s7] =	ssyncset.done $0x0  }
0xe3: {  	[sflag:s7] =	ssyncadd.s32 $0xFFFFC000  }
0xe4: {  	[hbm4b:s18+s3] =	stream.linear.scatter [tilespmem:s6], [sflag:$0x2], $0x4000, $0x38;
	[tilespmem:$0x4800] =	vst v63  }
0xe5: {  	_ =	swait.ge [sflag:s4], $0x4000  }
0xe6: {  	[sflag:s4] =	ssyncset.done $0x0  }
0xe7: {  	[sflag:s4] =	ssyncadd.s32 $0xFFFFC000  }
0xe8: {  	[tilespmem:s6], [sflag:$0x1] =	stream.indirect.gather [hbm4b:s2+s5], $0x80, s19, s5, $0xb8;
	[tilespmem:$0x4800] =	vst v63  }
0xe9: {  	_ =	swait.ge [sflag:s7], $0x4000  }
0xea: {  	[sflag:s7] =	ssyncset.done $0x0  }
0xeb: {  	[sflag:s7] =	ssyncadd.s32 $0xFFFFC000  }
0xec: {  	[hbm4b:s20+s3] =	stream.linear.scatter [tilespmem:s6], [sflag:$0x2], $0x4000, $0x38;
	[tilespmem:$0x4800] =	vst v63  }
0xed: {  	_ =	swait.ge [sflag:s4], $0x4000  }
0xee: {  	[sflag:s4] =	ssyncset.done $0x0  }
0xef: {  	[sflag:s4] =	ssyncadd.s32 $0xFFFFC000  }
0xf0: {  	[tilespmem:s6], [sflag:$0x1] =	stream.indirect.gather [hbm4b:s2+s5], $0x80, s21, s5, $0xb8;
	[tilespmem:$0x4800] =	vst v63  }
0xf1: {  	_ =	swait.ge [sflag:s7], $0x4000  }
0xf2: {  	[sflag:s7] =	ssyncset.done $0x0  }
0xf3: {  	[sflag:s7] =	ssyncadd.s32 $0xFFFFC000  }
0xf4: {  	[hbm4b:s22+s3] =	stream.linear.scatter [tilespmem:s6], [sflag:$0x2], $0x4000, $0x38;
	[tilespmem:$0x4800] =	vst v63  }
0xf5: {  	_ =	swait.ge [sflag:s4], $0x4000  }
0xf6: {  	[sflag:s4] =	ssyncset.done $0x0  }
0xf7: {  	[sflag:s4] =	ssyncadd.s32 $0xFFFFC000  }
0xf8: {  	[tilespmem:s6], [sflag:$0x1] =	stream.indirect.gather [hbm4b:s2+s5], $0x80, s23, s5, $0xb8;
	[tilespmem:$0x4800] =	vst v63  }
0xf9: {  	_ =	swait.ge [sflag:s7], $0x4000  }
0xfa: {  	[sflag:s7] =	ssyncset.done $0x0  }
0xfb: {  	[sflag:s7] =	ssyncadd.s32 $0xFFFFC000  }
0xfc: {  	[hbm4b:s24+s3] =	stream.linear.scatter [tilespmem:s6], [sflag:$0x2], $0x4000, $0x38;
	[tilespmem:$0x4800] =	vst v63  }
0xfd: {  	_ =	swait.ge [sflag:s4], $0x4000  }
0xfe: {  	[sflag:s4] =	ssyncset.done $0x0  }
0xff: {  	[sflag:s4] =	ssyncadd.s32 $0xFFFFC000  }
0x100: {  	[tilespmem:s6], [sflag:$0x1] =	stream.indirect.gather [hbm4b:s2+s5], $0x80, s25, s5, $0xb8;
	[tilespmem:$0x4800] =	vst v63  }
0x101: {  	_ =	swait.ge [sflag:s7], $0x4000  }
0x102: {  	[sflag:s7] =	ssyncset.done $0x0  }
0x103: {  	[sflag:s7] =	ssyncadd.s32 $0xFFFFC000  }
0x104: {  	[hbm4b:s26+s3] =	stream.linear.scatter [tilespmem:s6], [sflag:$0x2], $0x4000, $0x38;
	[tilespmem:$0x4800] =	vst v63  }
0x105: {  	_ =	swait.ge [sflag:s4], $0x4000  }
0x106: {  	[sflag:s4] =	ssyncset.done $0x0  }
0x107: {  	[sflag:s4] =	ssyncadd.s32 $0xFFFFC000  }
0x108: {  	[tilespmem:s6], [sflag:$0x1] =	stream.indirect.gather [hbm4b:s2+s5], $0x80, s28, s5, $0xb8;
	[tilespmem:$0x4800] =	vst v63  }
0x109: {  	_ =	swait.ge [sflag:s7], $0x4000  }
0x10a: {  	[sflag:s7] =	ssyncset.done $0x0  }
0x10b: {  	[sflag:s7] =	ssyncadd.s32 $0xFFFFC000  }
0x10c: {  	[hbm4b:s29+s3] =	stream.linear.scatter [tilespmem:s6], [sflag:$0x2], $0x4000, $0x38;
	[tilespmem:$0x4800] =	vst v63  }
0x10d: {  	_ =	swait.ge [sflag:s4], $0x4000  }
0x10e: {  	[sflag:s4] =	ssyncset.done $0x0  }
0x10f: {  	p0 =	sne.s32 s1, $0x1;
	[sflag:s4] =	ssyncadd.s32 $0xFFFFC000  }
0x110: {  	[tilespmem:s6], [sflag:$0x1] =	stream.indirect.gather [hbm4b:s2+s5], $0x80, s30, s5, $0xb8;
	[tilespmem:$0x4800] =	vst v63  }
.Ltmp1:
0x111: {  	_ =	swait.ge [sflag:s7], $0x4000;
	(pc) =	sbr.rel @p0 .LBB2_1-.Ltmp1, $4  }
0x112: {  	[sflag:s7] =	ssyncset.done $0x0  }
0x113: {  	[sflag:s7] =	ssyncadd.s32 $0xFFFFC000  }
0x114: {  	[hbm4b:s31+s3] =	stream.linear.scatter [tilespmem:s6], [sflag:$0x2], $0x4000, $0x38;
	[tilespmem:$0x4800] =	vst v63  }
0x115: {  	s1 =	sadd.s32 $0xFFFFFFFF, s1;
	_ =	swait.ge [sflag:s4], $0x4000  }
.LBB2_2:
0x116: {  	[sflag:s4] =	ssyncset.done $0x0  }
0x117: {  	[sflag:s4] =	ssyncadd.s32 $0xFFFFC000  }
0x118: {  	_ =	sfence.sel $0x180000  }
0x119: {  	[bflag:$0x0] =	sbarrier.arrive $0xFFFF  }
0x11a: {  	_ =	strace $0x90000047  }
0x11b: {  	s0 =	stileid.u32;
	[bflag:$0x2] =	sbarrier.arrive $0xFFFF  }
0x11c: {  	p0 =	sne.s32 s0, $0x0;
	s0 =	rddreg [dreg:$0x2]  }
0x11d: {  	s0 =	sadd.s32 @!p0 $0x100000, s0  }
0x11e: {  	[sflag:s0] =	ssyncadd.tile.s32 @!p0 $0x1;
	_ =	shalt  }
.Lfunc_end2:
_tile_overlayer_lowered:
.L_overlay_start_2:
0x11f: {  	(tag) =	ssettag $0x2  }
0x120: {  	s0 =	rddreg [dreg:$0x0];
	s2 =	stileid.u32  }
0x121: {  	s1 =	rddreg [dreg:$0x1];
	p0 =	sne.s32 s2, $0x0  }
0x122: {  	s3 =	rddreg [dreg:$0x2];
	[bflag:$0x3] =	sbarrier.arrive $0xFFFF;
	s2 =	simm.s32 @!p0 $0x1C02  }
0x123: {  	[timem:s3], [sflag:s2] =	dma.local @!p0 [hbm:s0], s1  }
0x124: {  	s0 =	simm.s32 @!p0 $0x2  }
0x125: {  	_ =	swait.ge @!p0 [sflag:s0], s1  }
0x126: {  	s1 =	ssub.s32 @!p0 $0x0, s1;
	[sflag:s0] =	ssyncset.done @!p0 $0x0  }
0x127: {  	[sflag:s0] =	ssyncadd.s32 @!p0 s1  }
0x128: {  	[bflag:$0x3] =	sbarrier.arrive $0xFFFF  }
0x129: {  	_ =	shalt  }

// kernel: kernel.15.cloned.1.call-start
scs
__scs_entry_jumppad:
0x0: {  	(pc) =	sbr.rel $0x88, $3  }
0x1: {  	(tag) =	ssettag $0x0;
	lr =	simm.s32 $0x1  }
0x2: {  	[smem:$0x3F97] =	sst lr;
	_ =	strace $0xD0000000  }
0x3: {  	_ = 	snop  }
0x4: {  	_ = 	snop  }
0x5: {  	_ = 	snop  }
0x6: {  	_ = 	snop  }
0x7: {  	_ = 	snop  }
__scs_overlays_trampoline_lowered:
0x8: {  	[smem:$0x3FA6] =	sst s0  }
0x9: {  	[smem:$0x3FA7] =	sst s1  }
0xa: {  	[smem:$0x3FA8] =	sst s2  }
0xb: {  	[smem:$0x3FA9] =	sst s3  }
0xc: {  	[smem:$0x3FAA] =	sst s4  }
0xd: {  	[smem:$0x3FAB] =	sst s5  }
0xe: {  	[smem:$0x3FAC] =	sst s6  }
0xf: {  	[smem:$0x3FAD] =	sst s7  }
0x10: {  	[smem:$0x3FAE] =	sst s8  }
0x11: {  	[smem:$0x3FAF] =	sst s9;
	s0 =	simm.s32 @!p0 $0x0  }
0x12: {  	s1 =	sld [smem:$0x3F95];
	s0 =	simm.s32 @p0 $0x1  }
0x13: {  	[smem:$0x3FB0] =	sst s0;
	s0 =	simm.s32 @!p1 $0x0  }
0x14: {  	s2 =	sld [smem:$0x3F94];
	s0 =	simm.s32 @p1 $0x1  }
0x15: {  	[smem:$0x3FB1] =	sst s0;
	s0 =	simm.s32 @!p2 $0x0  }
0x16: {  	s3 =	sld [smem:$0x3FDB];
	s0 =	simm.s32 @p2 $0x1  }
0x17: {  	s4 =	simm.s32 $0x1BF5;
	[smem:$0x3FB3] =	sst s0  }
0x18: {  	s0 =	sld [smem:$0x3F96];
	_ =	swait.ge [sflag:s4], $0x0  }
0x19: {  	s7 =	sld [smem:$0x3F97]  }
0x1a: {  	s8 =	sadd.s32 $0xFFFFE003, lr  }
0x1b: {  	s9 =	sadd.s32 $0xFFFFFEF7, lr;
	s5 =	simm.s32 $0xFFFFFFFF;
	p2 =	slt.u32 s8, $0xFFFFF086  }
0x1c: {  	p1 =	slt.u32 s9, $0xF7A;
	s5 =	simm.s32 @!p2 $0x0  }
0x1d: {  	s5 =	simm.s32 @p1 $0x1;
	p0 =	seq.s32 s7, s2  }
0x1e: {  	s7 =	smul.u32 @!p0 $0xF7A, s2;
	p2 =	seq.s32 @!p0 s5, $0x0  }
0x1f: {  	s9 =	smul.u32 $0xF7A, s1;
	s8 =	simm.s32 @!p0 $0x1BF5;
	p2 =	por !p2, p0  }
0x20: {  	[sflag:s8] =	ssyncset.s32 @!p0 $0xFFFFF086;
	s6 =	sadd.s32 @!p0 s3, s7;
	s7 =	simm.s32 @!p0 $0x108  }
0x21: {  	s3 =	sadd.s32 s3, s9;
	s6 =	sadd.s32 @!p0 $0x88, s6;
	s7 =	simm.s32 @p2 $0x1082  }
0x22: {  	[simem:s7], [sflag:s8] =	dma.local @!p0 [hbm:s6], $0xF7A  }
0x23: {  	s9 =	sor.u32 $0xD0000000, s2;
	s6 =	simm.s32 $0x108;
	_ =	swait.ge @!p0 [sflag:s8], $0x0  }
0x24: {  	s3 =	sadd.s32 $0x88, s3;
	s6 =	simm.s32 @!p1 $0x1082;
	[sflag:s4] =	ssyncset.s32 $0xFFFFF086  }
0x25: {  	[simem:s6], [sflag:s4] =	dma.local [hbm:s3], $0xF7A  }
0x26: {  	[smem:$0x3F97] =	sst s1;
	(tag) =	ssettag s2;
	_ =	strace s9  }
0x27: {  	s1 =	sld [smem:$0x3FA7]  }
0x28: {  	s2 =	sld [smem:$0x3FA8]  }
0x29: {  	s4 =	sld [smem:$0x3FAA]  }
0x2a: {  	p0 =	seq.s32 s5, $0x0;
	s5 =	sld [smem:$0x3FAB]  }
0x2b: {  	s6 =	sld [smem:$0x3FAC]  }
0x2c: {  	s7 =	sld [smem:$0x3FAD]  }
0x2d: {  	s3 =	simm.s32 $0x108;
	s8 =	sld [smem:$0x3FAE]  }
0x2e: {  	s3 =	simm.s32 @!p0 $0x1082;
	s9 =	sld [smem:$0x3FAF]  }
0x2f: {  	lr =	sadd.s32 s0, s3;
	s0 =	sld [smem:$0x3FA6]  }
0x30: {  	s3 =	sld [smem:$0x3FA9]  }
0x31: {  	[smem:$0x3FB2] =	sst s10  }
0x32: {  	s10 =	sld [smem:$0x3FB0];
	_ =	sdelay $0x3  }
0x33: {  	p0 =	seq.s32 s10, $0x1;
	s10 =	sld [smem:$0x3FB2];
	_ =	sdelay $0x3  }
0x34: {  	[smem:$0x3FB2] =	sst s10  }
0x35: {  	s10 =	sld [smem:$0x3FB1];
	_ =	sdelay $0x3  }
0x36: {  	p1 =	seq.s32 s10, $0x1;
	s10 =	sld [smem:$0x3FB2];
	_ =	sdelay $0x3  }
0x37: {  	[smem:$0x3FB2] =	sst s10  }
0x38: {  	s10 =	sld [smem:$0x3FB3]  }
0x39: {  	_ = 	snop;
	(pc) =	sbr.ind lr, $3  }
0x3a: {  	_ = 	snop  }
0x3b: {  	_ = 	snop  }
0x3c: {  	p2 =	seq.s32 s10, $0x1;
	s10 =	sld [smem:$0x3FB2]  }
0x3d: {  	_ =	shalt  }
0x3e: {  	_ =	shalt  }
0x3f: {  	_ =	shalt  }
0x40: {  	_ =	shalt  }
0x41: {  	_ =	shalt  }
0x42: {  	_ =	shalt  }
0x43: {  	_ =	shalt  }
0x44: {  	_ =	shalt  }
0x45: {  	_ =	shalt  }
0x46: {  	_ =	shalt  }
0x47: {  	_ =	shalt  }
0x48: {  	_ =	shalt  }
0x49: {  	_ =	shalt  }
0x4a: {  	_ =	shalt  }
0x4b: {  	_ =	shalt  }
0x4c: {  	_ =	shalt  }
0x4d: {  	_ =	shalt  }
0x4e: {  	_ =	shalt  }
0x4f: {  	_ =	shalt  }
0x50: {  	_ =	shalt  }
0x51: {  	_ =	shalt  }
0x52: {  	_ =	shalt  }
0x53: {  	_ =	shalt  }
0x54: {  	_ =	shalt  }
0x55: {  	_ =	shalt  }
0x56: {  	_ =	shalt  }
0x57: {  	_ =	shalt  }
0x58: {  	_ =	shalt  }
0x59: {  	_ =	shalt  }
0x5a: {  	_ =	shalt  }
0x5b: {  	_ =	shalt  }
0x5c: {  	_ =	shalt  }
0x5d: {  	_ =	shalt  }
0x5e: {  	_ =	shalt  }
0x5f: {  	_ =	shalt  }
0x60: {  	_ =	shalt  }
0x61: {  	_ =	shalt  }
0x62: {  	_ =	shalt  }
0x63: {  	_ =	shalt  }
0x64: {  	_ =	shalt  }
0x65: {  	_ =	shalt  }
0x66: {  	_ =	shalt  }
0x67: {  	_ =	shalt  }
0x68: {  	_ =	shalt  }
0x69: {  	_ =	shalt  }
0x6a: {  	_ =	shalt  }
0x6b: {  	_ =	shalt  }
0x6c: {  	_ =	shalt  }
0x6d: {  	_ =	shalt  }
0x6e: {  	_ =	shalt  }
0x6f: {  	_ =	shalt  }
0x70: {  	_ =	shalt  }
0x71: {  	_ =	shalt  }
0x72: {  	_ =	shalt  }
0x73: {  	_ =	shalt  }
0x74: {  	_ =	shalt  }
0x75: {  	_ =	shalt  }
0x76: {  	_ =	shalt  }
0x77: {  	_ =	shalt  }
0x78: {  	_ =	shalt  }
0x79: {  	_ =	shalt  }
0x7a: {  	_ =	shalt  }
0x7b: {  	_ =	shalt  }
0x7c: {  	_ =	shalt  }
0x7d: {  	_ =	shalt  }
0x7e: {  	_ =	shalt  }
0x7f: {  	_ =	shalt  }
0x80: {  	_ =	shalt  }
0x81: {  	_ =	shalt  }
0x82: {  	_ =	shalt  }
0x83: {  	_ =	shalt  }
0x84: {  	_ =	shalt  }
0x85: {  	_ =	shalt  }
0x86: {  	_ =	shalt  }
0x87: {  	_ =	shalt  }
.Lfunc_end0:
.L_simem_size_0:
called_computation.1_lowered:
.L_overlay_start_0:
0x88: {  	s2 =	sld [smem:$0x3FD9]  }
0x89: {  	s3 =	sld [smem:$0x3FFE];
	_ =	sdelay $0x1  }
0x8a: {  	s1 =	srdreg.scid  }
0x8b: {  	s0 =	sand.u32 $0x1, s1  }
0x8c: {  	s17 =	sshll.u32 s0, $0xA;
	s2 =	sadd.s32 s3, s2  }
0x8d: {  	s2 =	sadd.s32 s2, s17  }
0x8e: {  	[smem:$0x3FBE] =	sst s2  }
0x8f: {  	_ = 	snop  }
0x90: {  	s2 =	sld [smem:$0x3FD0];
	(tm) =	ssettm $0x1  }
0x91: {  	s18 =	sld [smem:$0x3FFB];
	_ =	sdelay $0x3  }
0x92: {  	_ =	strace s18  }
0x93: {  	s3 =	sld [smem:$0x3FFC];
	_ =	sdelay $0x3  }
0x94: {  	_ =	strace s3  }
0x95: {  	s3 =	sld [smem:$0x3FFD];
	_ =	sdelay $0x3  }
0x96: {  	_ =	strace s3  }
0x97: {  	_ =	strace $0x8FFFFFFF  }
0x98: {  	s19 =	sld [smem:$0x3FDB];
	_ =	sdelay $0x1  }
0x99: {  	s4 =	simm.s32 $_scs_section_size  }
0x9a: {  	s5 =	simm.s32 $_size__tile_overlayer_lowered;
	s6 =	simm.s32 $_tile_overlayer_lowered  }
0x9b: {  	s22 =	simm.s32 $0x1BFF;
	s21 =	sshll.u32 s6, $0x1;
	s3 =	sadd.s32 s4, s19  }
0x9c: {  	s7 =	simm.s32 $0x0;
	s20 =	sshll.u32 s5, $0x1;
	s5 =	sadd.s32 s21, s3  }
0x9d: {  	[timem:s7], [sflag:s22] =	dma.local [hbm:s5], s20  }
0x9e: {  	_ =	swait.ge [sflag:s22], s20  }
0x9f: {  	s4 =	ssub.s32 $0x0, s20;
	[sflag:s22] =	ssyncset.done $0x0  }
0xa0: {  	[sflag:s22] =	ssyncadd.s32 s4;
	_ =	sdelay $0x1  }
0xa1: {  	s23 =	simm.s32 $0x1B8B  }
0xa2: {  	_ =	swait.ge [sflag:s23], $0x1  }
0xa3: {  	[sflag:s23] =	ssyncset.done $0x0  }
0xa4: {  	s25 =	simm.s32 $0x1B8E;
	s24 =	sld [smem:$0x3FFE];
	[sflag:s23] =	ssyncadd.s32 $0xFFFFFFFF  }
0xa5: {  	s26 =	simm.s32 $execute0_lowered;
	[smem:$0x3FD2] =	sst s25  }
0xa6: {  	s5 =	sshll.u32 s26, $0x1;
	_ =	strace $0x80000049;
	[dreg:$0x1] =	wrdreg $0xFFFFFFFF  }
0xa7: {  	s28 =	simm.s32 $_size_execute0_lowered;
	s3 =	sadd.s32 s3, s5;
	[dreg:$0x0] =	wrdreg $0x0  }
0xa8: {  	s5 =	sshll.u32 s28, $0x1;
	[dreg:$0x2] =	wrdreg s3  }
0xa9: {  	[dreg:$0x3] =	wrdreg s5  }
0xaa: {  	[dreg:$0x4] =	wrdreg $0xC0  }
0xab: {  	_ =	task [dreg:s7], $0x5FFFF  }
0xac: {  	[dreg:$0x1] =	wrdreg $0xFFFFFFFF  }
0xad: {  	[dreg:$0x0] =	wrdreg $0x60  }
0xae: {  	[dreg:$0x2] =	wrdreg s2  }
0xaf: {  	[dreg:$0x3] =	wrdreg s24  }
0xb0: {  	[dreg:$0x4] =	wrdreg $0x9  }
0xb1: {  	_ =	task.clear_ibuf [dreg:s7], $0x5FFFF;
	_ =	strace $0x90000049  }
0xb2: {  	s29 =	simm.s32 $0x9;
	_ =	strace $0x8000004B  }
0xb3: {  	_ =	swait.ge [sflag:s29], $0x1  }
0xb4: {  	[sflag:s29] =	ssyncadd.s32 $0xFFFFFFFF  }
0xb5: {  	_ =	strace $0x9000004B  }
0xb6: {  	_ =	sfence  }
0xb7: {  	s30 =	sld [smem:$0x0];
	_ =	sdelay $0x2  }
0xb8: {  	s31 =	sshll.u32 s1, $0xD;
	s1 =	sshrl.u32 s1, $0x2  }
0xb9: {  	s3 =	sand.u32 $0x4000, s31;
	s1 =	sadd.s32 s1, s30  }
0xba: {  	s0 =	sor.u32 s3, s0;
	s1 =	sshll.u32 s1, $0x11  }
0xbb: {  	s0 =	sor.u32 s1, s0  }
0xbc: {  	s0 =	sadd.s32 $0x8F2B, s0  }
0xbd: {  	[sflag:s0] =	ssyncadd.remote.s32 $0x1  }
0xbe: {  	_ =	sfence.sel $0xFFFF  }
0xbf: {  	[dreg:$0x0] =	wrdreg $0xFFFFFFFF;
	(pc) =	sbr.abs _section_cstart, $3  }
0xc0: {  	[dreg:$0x1] =	wrdreg $0xFFFFFFFF  }
0xc1: {  	_ =	task.clear_ibuf [dreg:s7], $0x2FFFF;
	_ =	strace $0x9FFFFFFF  }
0xc2: {  	(tm) =	ssettm $0x7FFFFFFF  }
0xc3: {  	_ =	shalt  }
tec
execute0_lowered:
.L_overlay_start_1:
0x0: {  	(tag) =	ssettag $0x1  }
0x1: {  	s1 =	srdreg.scid;
	s0 =	stileid.u32  }
0x2: {  	s2 =	rddreg [dreg:$0x0];
	s10 =	sand.u32 $0x1, s1;
	s30 =	sshll.u32 s0, $0x1  }
0x3: {  	s9 =	rddreg [dreg:$0x1];
	s11 =	sor.u32 s10, s30  }
0x4: {  	s3 =	simm.s32 $0x0;
	s1 =	rddreg [dreg:$0x2];
	s4 =	sshll.u32 s11, $0x5  }
0x5: {  	[smem:$0x7FF] =	sst s3;
	s4 =	sadd.s32 s4, s9  }
0x6: {  	_ =	strace $0x8000004A;
	s5 =	sadd.s32 $0x105000, s4;
	s4 =	simm.s32 $0x2  }
0x7: {  	[tilespmem:s3], [sflag:$0x2] =	stream.linear.gather [hbm4b:s5+s3], $0x100, $0x38;
	[tilespmem:$0x4100] =	vst v63  }
0x8: {  	_ =	swait.ge [sflag:s4], $0x100  }
0x9: {  	s6 =	simm.s32 $0x80;
	[sflag:s4] =	ssyncset.done $0x0  }
0xa: {  	s7 =	simm.s32 $0x100;
	s8 =	simm.s32 $0x1;
	[sflag:s4] =	ssyncadd.s32 $0xFFFFFF00  }
0xb: {  	[tilespmem:s7], [sflag:$0x1] =	stream.indirect.gather [hbm4b:s2+s6], $0x80, s3, s6, $0xb8;
	[tilespmem:$0x4100] =	vst v63  }
0xc: {  	s11 =	sshll.u32 s11, $0xC;
	_ =	swait.ge [sflag:s8], $0x4000  }
0xd: {  	s11 =	sadd.s32 s11, s9;
	[sflag:s8] =	ssyncset.done $0x0  }
0xe: {  	s10 =	ssub.s32 $0x2, s10;
	s9 =	sadd.s32 $0x5000, s11;
	[sflag:s8] =	ssyncadd.s32 $0xFFFFC000  }
0xf: {  	[hbm4b:s9+s3] =	stream.linear.scatter [tilespmem:s7], [sflag:$0x2], $0x4000, $0x38;
	[tilespmem:$0x4100] =	vst v63  }
0x10: {  	s12 =	sshrl.u32 s10, $0x1;
	_ =	swait.ge [sflag:s4], $0x4000  }
0x11: {  	s12 =	ssub.s32 s10, s12;
	[sflag:s4] =	ssyncset.done $0x0  }
0x12: {  	s31 =	smax.u32 s12, $0x1;
	[sflag:s4] =	ssyncadd.s32 $0xFFFFC000  }
0x13: {  	[tilespmem:s7], [sflag:$0x1] =	stream.indirect.gather [hbm4b:s2+s6], $0x80, s6, s6, $0xb8;
	[tilespmem:$0x4100] =	vst v63  }
0x14: {  	p0 =	sne.s32 s31, $0x1;
	_ =	swait.ge [sflag:s8], $0x4000  }
.Ltmp0:
0x15: {  	[sflag:s8] =	ssyncset.done $0x0;
	(pc) =	sbr.rel @!p0 .LBB2_2-.Ltmp0, $4  }
0x16: {  	s10 =	sadd.s32 $0x5800, s11;
	[sflag:s8] =	ssyncadd.s32 $0xFFFFC000  }
0x17: {  	[hbm4b:s10+s3] =	stream.linear.scatter [tilespmem:s7], [sflag:$0x2], $0x4000, $0x38;
	[tilespmem:$0x4100] =	vst v63  }
0x18: {  	_ =	swait.ge [sflag:s4], $0x4000  }
0x19: {  	s11 =	sadd.s32 $0xFFFFFFFF, s31;
	[sflag:s4] =	ssyncset.done $0x0  }
.LBB2_1:
0x1a: {  	p0 =	sne.s32 s11, $0x1;
	s11 =	sadd.s32 $0xFFFFFFFF, s11;
	[sflag:s4] =	ssyncadd.s32 $0xFFFFC000  }
0x1b: {  	[tilespmem:s3], [sflag:$0x2] =	stream.linear.gather [hbm4b:s5+s3], $0x100, $0x38;
	[tilespmem:$0x4100] =	vst v63  }
0x1c: {  	_ =	swait.ge [sflag:s4], $0x100  }
0x1d: {  	[sflag:s4] =	ssyncset.done $0x0  }
0x1e: {  	[sflag:s4] =	ssyncadd.s32 $0xFFFFFF00  }
0x1f: {  	[tilespmem:s7], [sflag:$0x1] =	stream.indirect.gather [hbm4b:s2+s6], $0x80, s3, s6, $0xb8;
	[tilespmem:$0x4100] =	vst v63  }
0x20: {  	_ =	swait.ge [sflag:s8], $0x4000  }
0x21: {  	[sflag:s8] =	ssyncset.done $0x0  }
0x22: {  	[sflag:s8] =	ssyncadd.s32 $0xFFFFC000  }
0x23: {  	[hbm4b:s9+s3] =	stream.linear.scatter [tilespmem:s7], [sflag:$0x2], $0x4000, $0x38;
	[tilespmem:$0x4100] =	vst v63  }
0x24: {  	_ =	swait.ge [sflag:s4], $0x4000  }
0x25: {  	[sflag:s4] =	ssyncset.done $0x0  }
0x26: {  	[sflag:s4] =	ssyncadd.s32 $0xFFFFC000  }
0x27: {  	[tilespmem:s7], [sflag:$0x1] =	stream.indirect.gather [hbm4b:s2+s6], $0x80, s6, s6, $0xb8;
	[tilespmem:$0x4100] =	vst v63  }
0x28: {  	_ =	swait.ge [sflag:s8], $0x4000  }
.Ltmp1:
0x29: {  	[sflag:s8] =	ssyncset.done $0x0;
	(pc) =	sbr.rel @p0 .LBB2_1-.Ltmp1, $4  }
0x2a: {  	[sflag:s8] =	ssyncadd.s32 $0xFFFFC000  }
0x2b: {  	[hbm4b:s10+s3] =	stream.linear.scatter [tilespmem:s7], [sflag:$0x2], $0x4000, $0x38;
	[tilespmem:$0x4100] =	vst v63  }
0x2c: {  	_ =	swait.ge [sflag:s4], $0x4000  }
0x2d: {  	[sflag:s4] =	ssyncset.done $0x0  }
.LBB2_2:
0x2e: {  	[sflag:s4] =	ssyncadd.s32 $0xFFFFC000  }
0x2f: {  	_ =	sfence.sel $0x180000  }
0x30: {  	[bflag:$0x0] =	sbarrier.arrive $0xFFFF  }
0x31: {  	p0 =	sne.s32 s0, $0x0;
	_ =	strace $0x9000004A  }
0x32: {  	s0 =	sadd.s32 @!p0 $0x100000, s1;
	[bflag:$0x2] =	sbarrier.arrive $0xFFFF  }
0x33: {  	[sflag:s0] =	ssyncadd.tile.s32 @!p0 $0x1;
	_ =	shalt  }
.Lfunc_end2:
_tile_overlayer_lowered:
.L_overlay_start_2:
0x34: {  	(tag) =	ssettag $0x2  }
0x35: {  	s0 =	rddreg [dreg:$0x0];
	s2 =	stileid.u32  }
0x36: {  	s1 =	rddreg [dreg:$0x1];
	p0 =	sne.s32 s2, $0x0  }
0x37: {  	s3 =	rddreg [dreg:$0x2];
	[bflag:$0x3] =	sbarrier.arrive $0xFFFF;
	s2 =	simm.s32 @!p0 $0x1C02  }
0x38: {  	[timem:s3], [sflag:s2] =	dma.local @!p0 [hbm:s0], s1  }
0x39: {  	s0 =	simm.s32 @!p0 $0x2  }
0x3a: {  	_ =	swait.ge @!p0 [sflag:s0], s1  }
0x3b: {  	s1 =	ssub.s32 @!p0 $0x0, s1;
	[sflag:s0] =	ssyncset.done @!p0 $0x0  }
0x3c: {  	[sflag:s0] =	ssyncadd.s32 @!p0 s1  }
0x3d: {  	[bflag:$0x3] =	sbarrier.arrive $0xFFFF  }
0x3e: {  	_ =	shalt  }

// kernel: kernel.18.cloned.1.call-start
scs
__scs_entry_jumppad:
0x0: {  	(pc) =	sbr.rel $0x88, $3  }
0x1: {  	(tag) =	ssettag $0x0;
	lr =	simm.s32 $0x1  }
0x2: {  	[smem:$0x3F97] =	sst lr;
	_ =	strace $0xD0000000  }
0x3: {  	_ = 	snop  }
0x4: {  	_ = 	snop  }
0x5: {  	_ = 	snop  }
0x6: {  	_ = 	snop  }
0x7: {  	_ = 	snop  }
__scs_overlays_trampoline_lowered:
0x8: {  	[smem:$0x3FA6] =	sst s0  }
0x9: {  	[smem:$0x3FA7] =	sst s1  }
0xa: {  	[smem:$0x3FA8] =	sst s2  }
0xb: {  	[smem:$0x3FA9] =	sst s3  }
0xc: {  	[smem:$0x3FAA] =	sst s4  }
0xd: {  	[smem:$0x3FAB] =	sst s5  }
0xe: {  	[smem:$0x3FAC] =	sst s6  }
0xf: {  	[smem:$0x3FAD] =	sst s7  }
0x10: {  	[smem:$0x3FAE] =	sst s8  }
0x11: {  	[smem:$0x3FAF] =	sst s9;
	s0 =	simm.s32 @!p0 $0x0  }
0x12: {  	s1 =	sld [smem:$0x3F95];
	s0 =	simm.s32 @p0 $0x1  }
0x13: {  	[smem:$0x3FB0] =	sst s0;
	s0 =	simm.s32 @!p1 $0x0  }
0x14: {  	s2 =	sld [smem:$0x3F94];
	s0 =	simm.s32 @p1 $0x1  }
0x15: {  	[smem:$0x3FB1] =	sst s0;
	s0 =	simm.s32 @!p2 $0x0  }
0x16: {  	s3 =	sld [smem:$0x3FDB];
	s0 =	simm.s32 @p2 $0x1  }
0x17: {  	s4 =	simm.s32 $0x1BF5;
	[smem:$0x3FB3] =	sst s0  }
0x18: {  	s0 =	sld [smem:$0x3F96];
	_ =	swait.ge [sflag:s4], $0x0  }
0x19: {  	s7 =	sld [smem:$0x3F97]  }
0x1a: {  	s8 =	sadd.s32 $0xFFFFE003, lr  }
0x1b: {  	s9 =	sadd.s32 $0xFFFFFEF7, lr;
	s5 =	simm.s32 $0xFFFFFFFF;
	p2 =	slt.u32 s8, $0xFFFFF086  }
0x1c: {  	p1 =	slt.u32 s9, $0xF7A;
	s5 =	simm.s32 @!p2 $0x0  }
0x1d: {  	s5 =	simm.s32 @p1 $0x1;
	p0 =	seq.s32 s7, s2  }
0x1e: {  	s7 =	smul.u32 @!p0 $0xF7A, s2;
	p2 =	seq.s32 @!p0 s5, $0x0  }
0x1f: {  	s9 =	smul.u32 $0xF7A, s1;
	s8 =	simm.s32 @!p0 $0x1BF5;
	p2 =	por !p2, p0  }
0x20: {  	[sflag:s8] =	ssyncset.s32 @!p0 $0xFFFFF086;
	s6 =	sadd.s32 @!p0 s3, s7;
	s7 =	simm.s32 @!p0 $0x108  }
0x21: {  	s3 =	sadd.s32 s3, s9;
	s6 =	sadd.s32 @!p0 $0x88, s6;
	s7 =	simm.s32 @p2 $0x1082  }
0x22: {  	[simem:s7], [sflag:s8] =	dma.local @!p0 [hbm:s6], $0xF7A  }
0x23: {  	s9 =	sor.u32 $0xD0000000, s2;
	s6 =	simm.s32 $0x108;
	_ =	swait.ge @!p0 [sflag:s8], $0x0  }
0x24: {  	s3 =	sadd.s32 $0x88, s3;
	s6 =	simm.s32 @!p1 $0x1082;
	[sflag:s4] =	ssyncset.s32 $0xFFFFF086  }
0x25: {  	[simem:s6], [sflag:s4] =	dma.local [hbm:s3], $0xF7A  }
0x26: {  	[smem:$0x3F97] =	sst s1;
	(tag) =	ssettag s2;
	_ =	strace s9  }
0x27: {  	s1 =	sld [smem:$0x3FA7]  }
0x28: {  	s2 =	sld [smem:$0x3FA8]  }
0x29: {  	s4 =	sld [smem:$0x3FAA]  }
0x2a: {  	p0 =	seq.s32 s5, $0x0;
	s5 =	sld [smem:$0x3FAB]  }
0x2b: {  	s6 =	sld [smem:$0x3FAC]  }
0x2c: {  	s7 =	sld [smem:$0x3FAD]  }
0x2d: {  	s3 =	simm.s32 $0x108;
	s8 =	sld [smem:$0x3FAE]  }
0x2e: {  	s3 =	simm.s32 @!p0 $0x1082;
	s9 =	sld [smem:$0x3FAF]  }
0x2f: {  	lr =	sadd.s32 s0, s3;
	s0 =	sld [smem:$0x3FA6]  }
0x30: {  	s3 =	sld [smem:$0x3FA9]  }
0x31: {  	[smem:$0x3FB2] =	sst s10  }
0x32: {  	s10 =	sld [smem:$0x3FB0];
	_ =	sdelay $0x3  }
0x33: {  	p0 =	seq.s32 s10, $0x1;
	s10 =	sld [smem:$0x3FB2];
	_ =	sdelay $0x3  }
0x34: {  	[smem:$0x3FB2] =	sst s10  }
0x35: {  	s10 =	sld [smem:$0x3FB1];
	_ =	sdelay $0x3  }
0x36: {  	p1 =	seq.s32 s10, $0x1;
	s10 =	sld [smem:$0x3FB2];
	_ =	sdelay $0x3  }
0x37: {  	[smem:$0x3FB2] =	sst s10  }
0x38: {  	s10 =	sld [smem:$0x3FB3]  }
0x39: {  	_ = 	snop;
	(pc) =	sbr.ind lr, $3  }
0x3a: {  	_ = 	snop  }
0x3b: {  	_ = 	snop  }
0x3c: {  	p2 =	seq.s32 s10, $0x1;
	s10 =	sld [smem:$0x3FB2]  }
0x3d: {  	_ =	shalt  }
0x3e: {  	_ =	shalt  }
0x3f: {  	_ =	shalt  }
0x40: {  	_ =	shalt  }
0x41: {  	_ =	shalt  }
0x42: {  	_ =	shalt  }
0x43: {  	_ =	shalt  }
0x44: {  	_ =	shalt  }
0x45: {  	_ =	shalt  }
0x46: {  	_ =	shalt  }
0x47: {  	_ =	shalt  }
0x48: {  	_ =	shalt  }
0x49: {  	_ =	shalt  }
0x4a: {  	_ =	shalt  }
0x4b: {  	_ =	shalt  }
0x4c: {  	_ =	shalt  }
0x4d: {  	_ =	shalt  }
0x4e: {  	_ =	shalt  }
0x4f: {  	_ =	shalt  }
0x50: {  	_ =	shalt  }
0x51: {  	_ =	shalt  }
0x52: {  	_ =	shalt  }
0x53: {  	_ =	shalt  }
0x54: {  	_ =	shalt  }
0x55: {  	_ =	shalt  }
0x56: {  	_ =	shalt  }
0x57: {  	_ =	shalt  }
0x58: {  	_ =	shalt  }
0x59: {  	_ =	shalt  }
0x5a: {  	_ =	shalt  }
0x5b: {  	_ =	shalt  }
0x5c: {  	_ =	shalt  }
0x5d: {  	_ =	shalt  }
0x5e: {  	_ =	shalt  }
0x5f: {  	_ =	shalt  }
0x60: {  	_ =	shalt  }
0x61: {  	_ =	shalt  }
0x62: {  	_ =	shalt  }
0x63: {  	_ =	shalt  }
0x64: {  	_ =	shalt  }
0x65: {  	_ =	shalt  }
0x66: {  	_ =	shalt  }
0x67: {  	_ =	shalt  }
0x68: {  	_ =	shalt  }
0x69: {  	_ =	shalt  }
0x6a: {  	_ =	shalt  }
0x6b: {  	_ =	shalt  }
0x6c: {  	_ =	shalt  }
0x6d: {  	_ =	shalt  }
0x6e: {  	_ =	shalt  }
0x6f: {  	_ =	shalt  }
0x70: {  	_ =	shalt  }
0x71: {  	_ =	shalt  }
0x72: {  	_ =	shalt  }
0x73: {  	_ =	shalt  }
0x74: {  	_ =	shalt  }
0x75: {  	_ =	shalt  }
0x76: {  	_ =	shalt  }
0x77: {  	_ =	shalt  }
0x78: {  	_ =	shalt  }
0x79: {  	_ =	shalt  }
0x7a: {  	_ =	shalt  }
0x7b: {  	_ =	shalt  }
0x7c: {  	_ =	shalt  }
0x7d: {  	_ =	shalt  }
0x7e: {  	_ =	shalt  }
0x7f: {  	_ =	shalt  }
0x80: {  	_ =	shalt  }
0x81: {  	_ =	shalt  }
0x82: {  	_ =	shalt  }
0x83: {  	_ =	shalt  }
0x84: {  	_ =	shalt  }
0x85: {  	_ =	shalt  }
0x86: {  	_ =	shalt  }
0x87: {  	_ =	shalt  }
.Lfunc_end0:
.L_simem_size_0:
called_computation.2_lowered:
.L_overlay_start_0:
0x88: {  	s2 =	sld [smem:$0x3FD9]  }
0x89: {  	s3 =	sld [smem:$0x3FFE];
	_ =	sdelay $0x1  }
0x8a: {  	s1 =	srdreg.scid  }
0x8b: {  	s0 =	sand.u32 $0x1, s1  }
0x8c: {  	s17 =	sshll.u32 s0, $0xA;
	s2 =	sadd.s32 s3, s2  }
0x8d: {  	s2 =	sadd.s32 s2, s17  }
0x8e: {  	[smem:$0x3FBE] =	sst s2  }
0x8f: {  	_ = 	snop  }
0x90: {  	s2 =	sld [smem:$0x3FD0];
	(tm) =	ssettm $0x1  }
0x91: {  	s18 =	sld [smem:$0x3FFB];
	_ =	sdelay $0x3  }
0x92: {  	_ =	strace s18  }
0x93: {  	s3 =	sld [smem:$0x3FFC];
	_ =	sdelay $0x3  }
0x94: {  	_ =	strace s3  }
0x95: {  	s3 =	sld [smem:$0x3FFD];
	_ =	sdelay $0x3  }
0x96: {  	_ =	strace s3  }
0x97: {  	_ =	strace $0x8FFFFFFF  }
0x98: {  	s19 =	sld [smem:$0x3FDB];
	_ =	sdelay $0x1  }
0x99: {  	s4 =	simm.s32 $_scs_section_size  }
0x9a: {  	s5 =	simm.s32 $_size__tile_overlayer_lowered;
	s6 =	simm.s32 $_tile_overlayer_lowered  }
0x9b: {  	s22 =	simm.s32 $0x1BFF;
	s21 =	sshll.u32 s6, $0x1;
	s3 =	sadd.s32 s4, s19  }
0x9c: {  	s7 =	simm.s32 $0x0;
	s20 =	sshll.u32 s5, $0x1;
	s5 =	sadd.s32 s21, s3  }
0x9d: {  	[timem:s7], [sflag:s22] =	dma.local [hbm:s5], s20  }
0x9e: {  	_ =	swait.ge [sflag:s22], s20  }
0x9f: {  	s4 =	ssub.s32 $0x0, s20;
	[sflag:s22] =	ssyncset.done $0x0  }
0xa0: {  	[sflag:s22] =	ssyncadd.s32 s4;
	_ =	sdelay $0x1  }
0xa1: {  	s23 =	simm.s32 $0x1B8B  }
0xa2: {  	_ =	swait.ge [sflag:s23], $0x1  }
0xa3: {  	[sflag:s23] =	ssyncset.done $0x0  }
0xa4: {  	s25 =	simm.s32 $0x1B8E;
	s24 =	sld [smem:$0x3FFE];
	[sflag:s23] =	ssyncadd.s32 $0xFFFFFFFF  }
0xa5: {  	s26 =	simm.s32 $execute0_lowered;
	[smem:$0x3FD2] =	sst s25  }
0xa6: {  	s5 =	sshll.u32 s26, $0x1;
	_ =	strace $0x8000004C;
	[dreg:$0x1] =	wrdreg $0xFFFFFFFF  }
0xa7: {  	s28 =	simm.s32 $_size_execute0_lowered;
	s3 =	sadd.s32 s3, s5;
	[dreg:$0x0] =	wrdreg $0x0  }
0xa8: {  	s5 =	sshll.u32 s28, $0x1;
	[dreg:$0x2] =	wrdreg s3  }
0xa9: {  	[dreg:$0x3] =	wrdreg s5  }
0xaa: {  	[dreg:$0x4] =	wrdreg $0xC0  }
0xab: {  	_ =	task [dreg:s7], $0x5FFFF  }
0xac: {  	[dreg:$0x1] =	wrdreg $0xFFFFFFFF  }
0xad: {  	[dreg:$0x0] =	wrdreg $0x60  }
0xae: {  	[dreg:$0x2] =	wrdreg s2  }
0xaf: {  	[dreg:$0x3] =	wrdreg s24  }
0xb0: {  	[dreg:$0x4] =	wrdreg $0x9  }
0xb1: {  	_ =	task.clear_ibuf [dreg:s7], $0x5FFFF;
	_ =	strace $0x9000004C  }
0xb2: {  	s29 =	simm.s32 $0x9;
	_ =	strace $0x8000004E  }
0xb3: {  	_ =	swait.ge [sflag:s29], $0x1  }
0xb4: {  	[sflag:s29] =	ssyncadd.s32 $0xFFFFFFFF  }
0xb5: {  	_ =	strace $0x9000004E  }
0xb6: {  	_ =	sfence  }
0xb7: {  	s30 =	sld [smem:$0x0];
	_ =	sdelay $0x2  }
0xb8: {  	s31 =	sshll.u32 s1, $0xD;
	s1 =	sshrl.u32 s1, $0x2  }
0xb9: {  	s3 =	sand.u32 $0x4000, s31;
	s1 =	sadd.s32 s1, s30  }
0xba: {  	s0 =	sor.u32 s3, s0;
	s1 =	sshll.u32 s1, $0x11  }
0xbb: {  	s0 =	sor.u32 s1, s0  }
0xbc: {  	s0 =	sadd.s32 $0x8F2B, s0  }
0xbd: {  	[sflag:s0] =	ssyncadd.remote.s32 $0x1  }
0xbe: {  	_ =	sfence.sel $0xFFFF  }
0xbf: {  	[dreg:$0x0] =	wrdreg $0xFFFFFFFF;
	(pc) =	sbr.abs _section_cstart, $3  }
0xc0: {  	[dreg:$0x1] =	wrdreg $0xFFFFFFFF  }
0xc1: {  	_ =	task.clear_ibuf [dreg:s7], $0x2FFFF;
	_ =	strace $0x9FFFFFFF  }
0xc2: {  	(tm) =	ssettm $0x7FFFFFFF  }
0xc3: {  	_ =	shalt  }
tec
execute0_lowered:
.L_overlay_start_1:
0x0: {  	(tag) =	ssettag $0x1  }
0x1: {  	s1 =	srdreg.scid;
	s0 =	stileid.u32  }
0x2: {  	s1 =	sand.u32 $0x1, s1;
	s3 =	sshll.u32 s0, $0x1  }
0x3: {  	s2 =	rddreg [dreg:$0x0];
	s5 =	sor.u32 s1, s3  }
0x4: {  	s4 =	rddreg [dreg:$0x1];
	s6 =	sshll.u32 s5, $0x8  }
0x5: {  	s3 =	simm.s32 $0x0;
	s5 =	sshll.u32 s5, $0xF;
	s6 =	sadd.s32 s6, s4  }
0x6: {  	[smem:$0x7FF] =	sst s3;
	s31 =	sadd.s32 s5, s4;
	s17 =	sadd.s32 $0x3000, s6  }
0x7: {  	_ =	strace $0x8000004D;
	s18 =	sadd.s32 $0x5000, s31;
	[dreg:$0x3] =	wrdreg s17  }
0x8: {  	s19 =	sadd.s32 $0x5800, s31;
	[dreg:$0x4] =	wrdreg s18  }
0x9: {  	s20 =	sadd.s32 $0x6000, s31;
	[dreg:$0x5] =	wrdreg s19  }
0xa: {  	s21 =	sadd.s32 $0x6800, s31;
	[dreg:$0x6] =	wrdreg s20  }
0xb: {  	s22 =	sadd.s32 $0x7000, s31;
	[dreg:$0x7] =	wrdreg s21  }
0xc: {  	s23 =	sadd.s32 $0x7800, s31;
	[dreg:$0x8] =	wrdreg s22  }
0xd: {  	s25 =	sadd.s32 $0x8000, s31;
	[dreg:$0x9] =	wrdreg s23  }
0xe: {  	[dreg:$0xa] =	wrdreg s25  }
0xf: {  	s4 =	simm.s32 $0x2;
	s24 =	rddreg [dreg:$0x3]  }
0x10: {  	[tilespmem:s3], [sflag:$0x2] =	stream.linear.gather [hbm4b:s24+s3], $0x800, $0x38;
	[tilespmem:$0x4800] =	vst v63  }
0x11: {  	_ =	swait.ge [sflag:s4], $0x800  }
0x12: {  	s7 =	simm.s32 $0x1;
	[sflag:s4] =	ssyncset.done $0x0  }
0x13: {  	s5 =	simm.s32 $0x80;
	s6 =	simm.s32 $0x800;
	[sflag:s4] =	ssyncadd.s32 $0xFFFFF800  }
0x14: {  	[tilespmem:s6], [sflag:$0x1] =	stream.indirect.gather [hbm4b:s2+s5], $0x80, s3, s5, $0xb8;
	[tilespmem:$0x4800] =	vst v63  }
0x15: {  	_ =	swait.ge [sflag:s7], $0x4000  }
0x16: {  	[sflag:s7] =	ssyncset.done $0x0  }
0x17: {  	s8 =	rddreg [dreg:$0x4];
	[sflag:s7] =	ssyncadd.s32 $0xFFFFC000  }
0x18: {  	[hbm4b:s8+s3] =	stream.linear.scatter [tilespmem:s6], [sflag:$0x2], $0x4000, $0x38;
	[tilespmem:$0x4800] =	vst v63  }
0x19: {  	_ =	swait.ge [sflag:s4], $0x4000  }
0x1a: {  	[sflag:s4] =	ssyncset.done $0x0  }
0x1b: {  	[sflag:s4] =	ssyncadd.s32 $0xFFFFC000  }
0x1c: {  	[tilespmem:s6], [sflag:$0x1] =	stream.indirect.gather [hbm4b:s2+s5], $0x80, s5, s5, $0xb8;
	[tilespmem:$0x4800] =	vst v63  }
0x1d: {  	_ =	swait.ge [sflag:s7], $0x4000  }
0x1e: {  	[sflag:s7] =	ssyncset.done $0x0  }
0x1f: {  	s26 =	rddreg [dreg:$0x5];
	[sflag:s7] =	ssyncadd.s32 $0xFFFFC000  }
0x20: {  	[hbm4b:s26+s3] =	stream.linear.scatter [tilespmem:s6], [sflag:$0x2], $0x4000, $0x38;
	[tilespmem:$0x4800] =	vst v63  }
0x21: {  	_ =	swait.ge [sflag:s4], $0x4000  }
0x22: {  	[sflag:s4] =	ssyncset.done $0x0  }
0x23: {  	s8 =	simm.s32 $0x100;
	[sflag:s4] =	ssyncadd.s32 $0xFFFFC000  }
0x24: {  	[tilespmem:s6], [sflag:$0x1] =	stream.indirect.gather [hbm4b:s2+s5], $0x80, s8, s5, $0xb8;
	[tilespmem:$0x4800] =	vst v63  }
0x25: {  	_ =	swait.ge [sflag:s7], $0x4000  }
0x26: {  	[sflag:s7] =	ssyncset.done $0x0  }
0x27: {  	s9 =	rddreg [dreg:$0x6];
	[sflag:s7] =	ssyncadd.s32 $0xFFFFC000  }
0x28: {  	[hbm4b:s9+s3] =	stream.linear.scatter [tilespmem:s6], [sflag:$0x2], $0x4000, $0x38;
	[tilespmem:$0x4800] =	vst v63  }
0x29: {  	_ =	swait.ge [sflag:s4], $0x4000  }
0x2a: {  	[sflag:s4] =	ssyncset.done $0x0  }
0x2b: {  	s9 =	simm.s32 $0x180;
	[sflag:s4] =	ssyncadd.s32 $0xFFFFC000  }
0x2c: {  	[tilespmem:s6], [sflag:$0x1] =	stream.indirect.gather [hbm4b:s2+s5], $0x80, s9, s5, $0xb8;
	[tilespmem:$0x4800] =	vst v63  }
0x2d: {  	_ =	swait.ge [sflag:s7], $0x4000  }
0x2e: {  	[sflag:s7] =	ssyncset.done $0x0  }
0x2f: {  	s10 =	rddreg [dreg:$0x7];
	[sflag:s7] =	ssyncadd.s32 $0xFFFFC000  }
0x30: {  	[hbm4b:s10+s3] =	stream.linear.scatter [tilespmem:s6], [sflag:$0x2], $0x4000, $0x38;
	[tilespmem:$0x4800] =	vst v63  }
0x31: {  	_ =	swait.ge [sflag:s4], $0x4000  }
0x32: {  	[sflag:s4] =	ssyncset.done $0x0  }
0x33: {  	s10 =	simm.s32 $0x200;
	[sflag:s4] =	ssyncadd.s32 $0xFFFFC000  }
0x34: {  	[tilespmem:s6], [sflag:$0x1] =	stream.indirect.gather [hbm4b:s2+s5], $0x80, s10, s5, $0xb8;
	[tilespmem:$0x4800] =	vst v63  }
0x35: {  	_ =	swait.ge [sflag:s7], $0x4000  }
0x36: {  	[sflag:s7] =	ssyncset.done $0x0  }
0x37: {  	s11 =	rddreg [dreg:$0x8];
	[sflag:s7] =	ssyncadd.s32 $0xFFFFC000  }
0x38: {  	[hbm4b:s11+s3] =	stream.linear.scatter [tilespmem:s6], [sflag:$0x2], $0x4000, $0x38;
	[tilespmem:$0x4800] =	vst v63  }
0x39: {  	_ =	swait.ge [sflag:s4], $0x4000  }
0x3a: {  	[sflag:s4] =	ssyncset.done $0x0  }
0x3b: {  	s11 =	simm.s32 $0x280;
	[sflag:s4] =	ssyncadd.s32 $0xFFFFC000  }
0x3c: {  	[tilespmem:s6], [sflag:$0x1] =	stream.indirect.gather [hbm4b:s2+s5], $0x80, s11, s5, $0xb8;
	[tilespmem:$0x4800] =	vst v63  }
0x3d: {  	_ =	swait.ge [sflag:s7], $0x4000  }
0x3e: {  	[sflag:s7] =	ssyncset.done $0x0  }
0x3f: {  	s12 =	rddreg [dreg:$0x9];
	[sflag:s7] =	ssyncadd.s32 $0xFFFFC000  }
0x40: {  	[hbm4b:s12+s3] =	stream.linear.scatter [tilespmem:s6], [sflag:$0x2], $0x4000, $0x38;
	[tilespmem:$0x4800] =	vst v63  }
0x41: {  	_ =	swait.ge [sflag:s4], $0x4000  }
0x42: {  	[sflag:s4] =	ssyncset.done $0x0  }
0x43: {  	s12 =	simm.s32 $0x300;
	[sflag:s4] =	ssyncadd.s32 $0xFFFFC000  }
0x44: {  	[tilespmem:s6], [sflag:$0x1] =	stream.indirect.gather [hbm4b:s2+s5], $0x80, s12, s5, $0xb8;
	[tilespmem:$0x4800] =	vst v63  }
0x45: {  	_ =	swait.ge [sflag:s7], $0x4000  }
0x46: {  	[sflag:s7] =	ssyncset.done $0x0  }
0x47: {  	s13 =	rddreg [dreg:$0xa];
	[sflag:s7] =	ssyncadd.s32 $0xFFFFC000  }
0x48: {  	[hbm4b:s13+s3] =	stream.linear.scatter [tilespmem:s6], [sflag:$0x2], $0x4000, $0x38;
	[tilespmem:$0x4800] =	vst v63  }
0x49: {  	_ =	swait.ge [sflag:s4], $0x4000  }
0x4a: {  	[sflag:s4] =	ssyncset.done $0x0  }
0x4b: {  	s13 =	simm.s32 $0x380;
	[sflag:s4] =	ssyncadd.s32 $0xFFFFC000  }
0x4c: {  	[tilespmem:s6], [sflag:$0x1] =	stream.indirect.gather [hbm4b:s2+s5], $0x80, s13, s5, $0xb8;
	[tilespmem:$0x4800] =	vst v63  }
0x4d: {  	_ =	swait.ge [sflag:s7], $0x4000  }
0x4e: {  	[sflag:s7] =	ssyncset.done $0x0  }
0x4f: {  	s14 =	sadd.s32 $0x8800, s31;
	[sflag:s7] =	ssyncadd.s32 $0xFFFFC000  }
0x50: {  	[hbm4b:s14+s3] =	stream.linear.scatter [tilespmem:s6], [sflag:$0x2], $0x4000, $0x38;
	[tilespmem:$0x4800] =	vst v63  }
0x51: {  	_ =	swait.ge [sflag:s4], $0x4000  }
0x52: {  	[sflag:s4] =	ssyncset.done $0x0  }
0x53: {  	s15 =	simm.s32 $0x400;
	[sflag:s4] =	ssyncadd.s32 $0xFFFFC000  }
0x54: {  	[tilespmem:s6], [sflag:$0x1] =	stream.indirect.gather [hbm4b:s2+s5], $0x80, s15, s5, $0xb8;
	[tilespmem:$0x4800] =	vst v63  }
0x55: {  	_ =	swait.ge [sflag:s7], $0x4000  }
0x56: {  	[sflag:s7] =	ssyncset.done $0x0  }
0x57: {  	s16 =	sadd.s32 $0x9000, s31;
	[sflag:s7] =	ssyncadd.s32 $0xFFFFC000  }
0x58: {  	[hbm4b:s16+s3] =	stream.linear.scatter [tilespmem:s6], [sflag:$0x2], $0x4000, $0x38;
	[tilespmem:$0x4800] =	vst v63  }
0x59: {  	_ =	swait.ge [sflag:s4], $0x4000  }
0x5a: {  	[sflag:s4] =	ssyncset.done $0x0  }
0x5b: {  	s17 =	simm.s32 $0x480;
	[sflag:s4] =	ssyncadd.s32 $0xFFFFC000  }
0x5c: {  	[tilespmem:s6], [sflag:$0x1] =	stream.indirect.gather [hbm4b:s2+s5], $0x80, s17, s5, $0xb8;
	[tilespmem:$0x4800] =	vst v63  }
0x5d: {  	_ =	swait.ge [sflag:s7], $0x4000  }
0x5e: {  	[sflag:s7] =	ssyncset.done $0x0  }
0x5f: {  	s18 =	sadd.s32 $0x9800, s31;
	[sflag:s7] =	ssyncadd.s32 $0xFFFFC000  }
0x60: {  	[hbm4b:s18+s3] =	stream.linear.scatter [tilespmem:s6], [sflag:$0x2], $0x4000, $0x38;
	[tilespmem:$0x4800] =	vst v63  }
0x61: {  	_ =	swait.ge [sflag:s4], $0x4000  }
0x62: {  	[sflag:s4] =	ssyncset.done $0x0  }
0x63: {  	s19 =	simm.s32 $0x500;
	[sflag:s4] =	ssyncadd.s32 $0xFFFFC000  }
0x64: {  	[tilespmem:s6], [sflag:$0x1] =	stream.indirect.gather [hbm4b:s2+s5], $0x80, s19, s5, $0xb8;
	[tilespmem:$0x4800] =	vst v63  }
0x65: {  	_ =	swait.ge [sflag:s7], $0x4000  }
0x66: {  	[sflag:s7] =	ssyncset.done $0x0  }
0x67: {  	s20 =	sadd.s32 $0xA000, s31;
	[sflag:s7] =	ssyncadd.s32 $0xFFFFC000  }
0x68: {  	[hbm4b:s20+s3] =	stream.linear.scatter [tilespmem:s6], [sflag:$0x2], $0x4000, $0x38;
	[tilespmem:$0x4800] =	vst v63  }
0x69: {  	_ =	swait.ge [sflag:s4], $0x4000  }
0x6a: {  	[sflag:s4] =	ssyncset.done $0x0  }
0x6b: {  	s21 =	simm.s32 $0x580;
	[sflag:s4] =	ssyncadd.s32 $0xFFFFC000  }
0x6c: {  	[tilespmem:s6], [sflag:$0x1] =	stream.indirect.gather [hbm4b:s2+s5], $0x80, s21, s5, $0xb8;
	[tilespmem:$0x4800] =	vst v63  }
0x6d: {  	_ =	swait.ge [sflag:s7], $0x4000  }
0x6e: {  	[sflag:s7] =	ssyncset.done $0x0  }
0x6f: {  	s22 =	sadd.s32 $0xA800, s31;
	[sflag:s7] =	ssyncadd.s32 $0xFFFFC000  }
0x70: {  	[hbm4b:s22+s3] =	stream.linear.scatter [tilespmem:s6], [sflag:$0x2], $0x4000, $0x38;
	[tilespmem:$0x4800] =	vst v63  }
0x71: {  	_ =	swait.ge [sflag:s4], $0x4000  }
0x72: {  	[sflag:s4] =	ssyncset.done $0x0  }
0x73: {  	s23 =	simm.s32 $0x600;
	[sflag:s4] =	ssyncadd.s32 $0xFFFFC000  }
0x74: {  	[tilespmem:s6], [sflag:$0x1] =	stream.indirect.gather [hbm4b:s2+s5], $0x80, s23, s5, $0xb8;
	[tilespmem:$0x4800] =	vst v63  }
0x75: {  	_ =	swait.ge [sflag:s7], $0x4000  }
0x76: {  	[sflag:s7] =	ssyncset.done $0x0  }
0x77: {  	s24 =	sadd.s32 $0xB000, s31;
	[sflag:s7] =	ssyncadd.s32 $0xFFFFC000  }
0x78: {  	[hbm4b:s24+s3] =	stream.linear.scatter [tilespmem:s6], [sflag:$0x2], $0x4000, $0x38;
	[tilespmem:$0x4800] =	vst v63  }
0x79: {  	_ =	swait.ge [sflag:s4], $0x4000  }
0x7a: {  	[sflag:s4] =	ssyncset.done $0x0  }
0x7b: {  	s25 =	simm.s32 $0x680;
	[sflag:s4] =	ssyncadd.s32 $0xFFFFC000  }
0x7c: {  	[tilespmem:s6], [sflag:$0x1] =	stream.indirect.gather [hbm4b:s2+s5], $0x80, s25, s5, $0xb8;
	[tilespmem:$0x4800] =	vst v63  }
0x7d: {  	_ =	swait.ge [sflag:s7], $0x4000  }
0x7e: {  	[sflag:s7] =	ssyncset.done $0x0  }
0x7f: {  	s26 =	sadd.s32 $0xB800, s31;
	[sflag:s7] =	ssyncadd.s32 $0xFFFFC000  }
0x80: {  	[hbm4b:s26+s3] =	stream.linear.scatter [tilespmem:s6], [sflag:$0x2], $0x4000, $0x38;
	[tilespmem:$0x4800] =	vst v63  }
0x81: {  	_ =	swait.ge [sflag:s4], $0x4000  }
0x82: {  	[sflag:s4] =	ssyncset.done $0x0  }
0x83: {  	s28 =	simm.s32 $0x700;
	[sflag:s4] =	ssyncadd.s32 $0xFFFFC000  }
0x84: {  	[tilespmem:s6], [sflag:$0x1] =	stream.indirect.gather [hbm4b:s2+s5], $0x80, s28, s5, $0xb8;
	[tilespmem:$0x4800] =	vst v63  }
0x85: {  	_ =	swait.ge [sflag:s7], $0x4000  }
0x86: {  	s1 =	ssub.s32 $0x2, s1;
	[sflag:s7] =	ssyncset.done $0x0  }
0x87: {  	s0 =	sshrl.u32 s1, $0x1;
	s29 =	sadd.s32 $0xC000, s31;
	[sflag:s7] =	ssyncadd.s32 $0xFFFFC000  }
0x88: {  	[hbm4b:s29+s3] =	stream.linear.scatter [tilespmem:s6], [sflag:$0x2], $0x4000, $0x38;
	[tilespmem:$0x4800] =	vst v63  }
0x89: {  	s0 =	ssub.s32 s1, s0;
	_ =	swait.ge [sflag:s4], $0x4000  }
0x8a: {  	s0 =	smax.u32 s0, $0x1;
	[sflag:s4] =	ssyncset.done $0x0  }
0x8b: {  	s30 =	simm.s32 $0x780;
	p0 =	sne.s32 s0, $0x1;
	[sflag:s4] =	ssyncadd.s32 $0xFFFFC000  }
0x8c: {  	[tilespmem:s6], [sflag:$0x1] =	stream.indirect.gather [hbm4b:s2+s5], $0x80, s30, s5, $0xb8;
	[tilespmem:$0x4800] =	vst v63  }
.Ltmp0:
0x8d: {  	_ =	swait.ge [sflag:s7], $0x4000;
	(pc) =	sbr.rel @!p0 .LBB2_2-.Ltmp0, $4  }
0x8e: {  	[sflag:s7] =	ssyncset.done $0x0  }
0x8f: {  	s31 =	sadd.s32 $0xC800, s31;
	[sflag:s7] =	ssyncadd.s32 $0xFFFFC000  }
0x90: {  	[hbm4b:s31+s3] =	stream.linear.scatter [tilespmem:s6], [sflag:$0x2], $0x4000, $0x38;
	[tilespmem:$0x4800] =	vst v63  }
0x91: {  	s1 =	sadd.s32 $0xFFFFFFFF, s0;
	_ =	swait.ge [sflag:s4], $0x4000  }
.LBB2_1:
0x92: {  	[sflag:s4] =	ssyncset.done $0x0  }
0x93: {  	s0 =	rddreg [dreg:$0x3];
	[sflag:s4] =	ssyncadd.s32 $0xFFFFC000  }
0x94: {  	[tilespmem:s3], [sflag:$0x2] =	stream.linear.gather [hbm4b:s0+s3], $0x800, $0x38;
	[tilespmem:$0x4800] =	vst v63  }
0x95: {  	_ =	swait.ge [sflag:s4], $0x800  }
0x96: {  	[sflag:s4] =	ssyncset.done $0x0  }
0x97: {  	[sflag:s4] =	ssyncadd.s32 $0xFFFFF800  }
0x98: {  	[tilespmem:s6], [sflag:$0x1] =	stream.indirect.gather [hbm4b:s2+s5], $0x80, s3, s5, $0xb8;
	[tilespmem:$0x4800] =	vst v63  }
0x99: {  	_ =	swait.ge [sflag:s7], $0x4000  }
0x9a: {  	[sflag:s7] =	ssyncset.done $0x0  }
0x9b: {  	s0 =	rddreg [dreg:$0x4];
	[sflag:s7] =	ssyncadd.s32 $0xFFFFC000  }
0x9c: {  	[hbm4b:s0+s3] =	stream.linear.scatter [tilespmem:s6], [sflag:$0x2], $0x4000, $0x38;
	[tilespmem:$0x4800] =	vst v63  }
0x9d: {  	_ =	swait.ge [sflag:s4], $0x4000  }
0x9e: {  	[sflag:s4] =	ssyncset.done $0x0  }
0x9f: {  	[sflag:s4] =	ssyncadd.s32 $0xFFFFC000  }
0xa0: {  	[tilespmem:s6], [sflag:$0x1] =	stream.indirect.gather [hbm4b:s2+s5], $0x80, s5, s5, $0xb8;
	[tilespmem:$0x4800] =	vst v63  }
0xa1: {  	_ =	swait.ge [sflag:s7], $0x4000  }
0xa2: {  	[sflag:s7] =	ssyncset.done $0x0  }
0xa3: {  	s0 =	rddreg [dreg:$0x5];
	[sflag:s7] =	ssyncadd.s32 $0xFFFFC000  }
0xa4: {  	[hbm4b:s0+s3] =	stream.linear.scatter [tilespmem:s6], [sflag:$0x2], $0x4000, $0x38;
	[tilespmem:$0x4800] =	vst v63  }
0xa5: {  	_ =	swait.ge [sflag:s4], $0x4000  }
0xa6: {  	[sflag:s4] =	ssyncset.done $0x0  }
0xa7: {  	[sflag:s4] =	ssyncadd.s32 $0xFFFFC000  }
0xa8: {  	[tilespmem:s6], [sflag:$0x1] =	stream.indirect.gather [hbm4b:s2+s5], $0x80, s8, s5, $0xb8;
	[tilespmem:$0x4800] =	vst v63  }
0xa9: {  	_ =	swait.ge [sflag:s7], $0x4000  }
0xaa: {  	[sflag:s7] =	ssyncset.done $0x0  }
0xab: {  	s0 =	rddreg [dreg:$0x6];
	[sflag:s7] =	ssyncadd.s32 $0xFFFFC000  }
0xac: {  	[hbm4b:s0+s3] =	stream.linear.scatter [tilespmem:s6], [sflag:$0x2], $0x4000, $0x38;
	[tilespmem:$0x4800] =	vst v63  }
0xad: {  	_ =	swait.ge [sflag:s4], $0x4000  }
0xae: {  	[sflag:s4] =	ssyncset.done $0x0  }
0xaf: {  	[sflag:s4] =	ssyncadd.s32 $0xFFFFC000  }
0xb0: {  	[tilespmem:s6], [sflag:$0x1] =	stream.indirect.gather [hbm4b:s2+s5], $0x80, s9, s5, $0xb8;
	[tilespmem:$0x4800] =	vst v63  }
0xb1: {  	_ =	swait.ge [sflag:s7], $0x4000  }
0xb2: {  	[sflag:s7] =	ssyncset.done $0x0  }
0xb3: {  	s0 =	rddreg [dreg:$0x7];
	[sflag:s7] =	ssyncadd.s32 $0xFFFFC000  }
0xb4: {  	[hbm4b:s0+s3] =	stream.linear.scatter [tilespmem:s6], [sflag:$0x2], $0x4000, $0x38;
	[tilespmem:$0x4800] =	vst v63  }
0xb5: {  	_ =	swait.ge [sflag:s4], $0x4000  }
0xb6: {  	[sflag:s4] =	ssyncset.done $0x0  }
0xb7: {  	[sflag:s4] =	ssyncadd.s32 $0xFFFFC000  }
0xb8: {  	[tilespmem:s6], [sflag:$0x1] =	stream.indirect.gather [hbm4b:s2+s5], $0x80, s10, s5, $0xb8;
	[tilespmem:$0x4800] =	vst v63  }
0xb9: {  	_ =	swait.ge [sflag:s7], $0x4000  }
0xba: {  	[sflag:s7] =	ssyncset.done $0x0  }
0xbb: {  	s0 =	rddreg [dreg:$0x8];
	[sflag:s7] =	ssyncadd.s32 $0xFFFFC000  }
0xbc: {  	[hbm4b:s0+s3] =	stream.linear.scatter [tilespmem:s6], [sflag:$0x2], $0x4000, $0x38;
	[tilespmem:$0x4800] =	vst v63  }
0xbd: {  	_ =	swait.ge [sflag:s4], $0x4000  }
0xbe: {  	[sflag:s4] =	ssyncset.done $0x0  }
0xbf: {  	[sflag:s4] =	ssyncadd.s32 $0xFFFFC000  }
0xc0: {  	[tilespmem:s6], [sflag:$0x1] =	stream.indirect.gather [hbm4b:s2+s5], $0x80, s11, s5, $0xb8;
	[tilespmem:$0x4800] =	vst v63  }
0xc1: {  	_ =	swait.ge [sflag:s7], $0x4000  }
0xc2: {  	[sflag:s7] =	ssyncset.done $0x0  }
0xc3: {  	s0 =	rddreg [dreg:$0x9];
	[sflag:s7] =	ssyncadd.s32 $0xFFFFC000  }
0xc4: {  	[hbm4b:s0+s3] =	stream.linear.scatter [tilespmem:s6], [sflag:$0x2], $0x4000, $0x38;
	[tilespmem:$0x4800] =	vst v63  }
0xc5: {  	_ =	swait.ge [sflag:s4], $0x4000  }
0xc6: {  	[sflag:s4] =	ssyncset.done $0x0  }
0xc7: {  	[sflag:s4] =	ssyncadd.s32 $0xFFFFC000  }
0xc8: {  	[tilespmem:s6], [sflag:$0x1] =	stream.indirect.gather [hbm4b:s2+s5], $0x80, s12, s5, $0xb8;
	[tilespmem:$0x4800] =	vst v63  }
0xc9: {  	_ =	swait.ge [sflag:s7], $0x4000  }
0xca: {  	[sflag:s7] =	ssyncset.done $0x0  }
0xcb: {  	s0 =	rddreg [dreg:$0xa];
	[sflag:s7] =	ssyncadd.s32 $0xFFFFC000  }
0xcc: {  	[hbm4b:s0+s3] =	stream.linear.scatter [tilespmem:s6], [sflag:$0x2], $0x4000, $0x38;
	[tilespmem:$0x4800] =	vst v63  }
0xcd: {  	_ =	swait.ge [sflag:s4], $0x4000  }
0xce: {  	[sflag:s4] =	ssyncset.done $0x0  }
0xcf: {  	[sflag:s4] =	ssyncadd.s32 $0xFFFFC000  }
0xd0: {  	[tilespmem:s6], [sflag:$0x1] =	stream.indirect.gather [hbm4b:s2+s5], $0x80, s13, s5, $0xb8;
	[tilespmem:$0x4800] =	vst v63  }
0xd1: {  	_ =	swait.ge [sflag:s7], $0x4000  }
0xd2: {  	[sflag:s7] =	ssyncset.done $0x0  }
0xd3: {  	[sflag:s7] =	ssyncadd.s32 $0xFFFFC000  }
0xd4: {  	[hbm4b:s14+s3] =	stream.linear.scatter [tilespmem:s6], [sflag:$0x2], $0x4000, $0x38;
	[tilespmem:$0x4800] =	vst v63  }
0xd5: {  	_ =	swait.ge [sflag:s4], $0x4000  }
0xd6: {  	[sflag:s4] =	ssyncset.done $0x0  }
0xd7: {  	[sflag:s4] =	ssyncadd.s32 $0xFFFFC000  }
0xd8: {  	[tilespmem:s6], [sflag:$0x1] =	stream.indirect.gather [hbm4b:s2+s5], $0x80, s15, s5, $0xb8;
	[tilespmem:$0x4800] =	vst v63  }
0xd9: {  	_ =	swait.ge [sflag:s7], $0x4000  }
0xda: {  	[sflag:s7] =	ssyncset.done $0x0  }
0xdb: {  	[sflag:s7] =	ssyncadd.s32 $0xFFFFC000  }
0xdc: {  	[hbm4b:s16+s3] =	stream.linear.scatter [tilespmem:s6], [sflag:$0x2], $0x4000, $0x38;
	[tilespmem:$0x4800] =	vst v63  }
0xdd: {  	_ =	swait.ge [sflag:s4], $0x4000  }
0xde: {  	[sflag:s4] =	ssyncset.done $0x0  }
0xdf: {  	[sflag:s4] =	ssyncadd.s32 $0xFFFFC000  }
0xe0: {  	[tilespmem:s6], [sflag:$0x1] =	stream.indirect.gather [hbm4b:s2+s5], $0x80, s17, s5, $0xb8;
	[tilespmem:$0x4800] =	vst v63  }
0xe1: {  	_ =	swait.ge [sflag:s7], $0x4000  }
0xe2: {  	[sflag:s7] =	ssyncset.done $0x0  }
0xe3: {  	[sflag:s7] =	ssyncadd.s32 $0xFFFFC000  }
0xe4: {  	[hbm4b:s18+s3] =	stream.linear.scatter [tilespmem:s6], [sflag:$0x2], $0x4000, $0x38;
	[tilespmem:$0x4800] =	vst v63  }
0xe5: {  	_ =	swait.ge [sflag:s4], $0x4000  }
0xe6: {  	[sflag:s4] =	ssyncset.done $0x0  }
0xe7: {  	[sflag:s4] =	ssyncadd.s32 $0xFFFFC000  }
0xe8: {  	[tilespmem:s6], [sflag:$0x1] =	stream.indirect.gather [hbm4b:s2+s5], $0x80, s19, s5, $0xb8;
	[tilespmem:$0x4800] =	vst v63  }
0xe9: {  	_ =	swait.ge [sflag:s7], $0x4000  }
0xea: {  	[sflag:s7] =	ssyncset.done $0x0  }
0xeb: {  	[sflag:s7] =	ssyncadd.s32 $0xFFFFC000  }
0xec: {  	[hbm4b:s20+s3] =	stream.linear.scatter [tilespmem:s6], [sflag:$0x2], $0x4000, $0x38;
	[tilespmem:$0x4800] =	vst v63  }
0xed: {  	_ =	swait.ge [sflag:s4], $0x4000  }
0xee: {  	[sflag:s4] =	ssyncset.done $0x0  }
0xef: {  	[sflag:s4] =	ssyncadd.s32 $0xFFFFC000  }
0xf0: {  	[tilespmem:s6], [sflag:$0x1] =	stream.indirect.gather [hbm4b:s2+s5], $0x80, s21, s5, $0xb8;
	[tilespmem:$0x4800] =	vst v63  }
0xf1: {  	_ =	swait.ge [sflag:s7], $0x4000  }
0xf2: {  	[sflag:s7] =	ssyncset.done $0x0  }
0xf3: {  	[sflag:s7] =	ssyncadd.s32 $0xFFFFC000  }
0xf4: {  	[hbm4b:s22+s3] =	stream.linear.scatter [tilespmem:s6], [sflag:$0x2], $0x4000, $0x38;
	[tilespmem:$0x4800] =	vst v63  }
0xf5: {  	_ =	swait.ge [sflag:s4], $0x4000  }
0xf6: {  	[sflag:s4] =	ssyncset.done $0x0  }
0xf7: {  	[sflag:s4] =	ssyncadd.s32 $0xFFFFC000  }
0xf8: {  	[tilespmem:s6], [sflag:$0x1] =	stream.indirect.gather [hbm4b:s2+s5], $0x80, s23, s5, $0xb8;
	[tilespmem:$0x4800] =	vst v63  }
0xf9: {  	_ =	swait.ge [sflag:s7], $0x4000  }
0xfa: {  	[sflag:s7] =	ssyncset.done $0x0  }
0xfb: {  	[sflag:s7] =	ssyncadd.s32 $0xFFFFC000  }
0xfc: {  	[hbm4b:s24+s3] =	stream.linear.scatter [tilespmem:s6], [sflag:$0x2], $0x4000, $0x38;
	[tilespmem:$0x4800] =	vst v63  }
0xfd: {  	_ =	swait.ge [sflag:s4], $0x4000  }
0xfe: {  	[sflag:s4] =	ssyncset.done $0x0  }
0xff: {  	[sflag:s4] =	ssyncadd.s32 $0xFFFFC000  }
0x100: {  	[tilespmem:s6], [sflag:$0x1] =	stream.indirect.gather [hbm4b:s2+s5], $0x80, s25, s5, $0xb8;
	[tilespmem:$0x4800] =	vst v63  }
0x101: {  	_ =	swait.ge [sflag:s7], $0x4000  }
0x102: {  	[sflag:s7] =	ssyncset.done $0x0  }
0x103: {  	[sflag:s7] =	ssyncadd.s32 $0xFFFFC000  }
0x104: {  	[hbm4b:s26+s3] =	stream.linear.scatter [tilespmem:s6], [sflag:$0x2], $0x4000, $0x38;
	[tilespmem:$0x4800] =	vst v63  }
0x105: {  	_ =	swait.ge [sflag:s4], $0x4000  }
0x106: {  	[sflag:s4] =	ssyncset.done $0x0  }
0x107: {  	[sflag:s4] =	ssyncadd.s32 $0xFFFFC000  }
0x108: {  	[tilespmem:s6], [sflag:$0x1] =	stream.indirect.gather [hbm4b:s2+s5], $0x80, s28, s5, $0xb8;
	[tilespmem:$0x4800] =	vst v63  }
0x109: {  	_ =	swait.ge [sflag:s7], $0x4000  }
0x10a: {  	[sflag:s7] =	ssyncset.done $0x0  }
0x10b: {  	[sflag:s7] =	ssyncadd.s32 $0xFFFFC000  }
0x10c: {  	[hbm4b:s29+s3] =	stream.linear.scatter [tilespmem:s6], [sflag:$0x2], $0x4000, $0x38;
	[tilespmem:$0x4800] =	vst v63  }
0x10d: {  	_ =	swait.ge [sflag:s4], $0x4000  }
0x10e: {  	[sflag:s4] =	ssyncset.done $0x0  }
0x10f: {  	p0 =	sne.s32 s1, $0x1;
	[sflag:s4] =	ssyncadd.s32 $0xFFFFC000  }
0x110: {  	[tilespmem:s6], [sflag:$0x1] =	stream.indirect.gather [hbm4b:s2+s5], $0x80, s30, s5, $0xb8;
	[tilespmem:$0x4800] =	vst v63  }
.Ltmp1:
0x111: {  	_ =	swait.ge [sflag:s7], $0x4000;
	(pc) =	sbr.rel @p0 .LBB2_1-.Ltmp1, $4  }
0x112: {  	[sflag:s7] =	ssyncset.done $0x0  }
0x113: {  	[sflag:s7] =	ssyncadd.s32 $0xFFFFC000  }
0x114: {  	[hbm4b:s31+s3] =	stream.linear.scatter [tilespmem:s6], [sflag:$0x2], $0x4000, $0x38;
	[tilespmem:$0x4800] =	vst v63  }
0x115: {  	s1 =	sadd.s32 $0xFFFFFFFF, s1;
	_ =	swait.ge [sflag:s4], $0x4000  }
.LBB2_2:
0x116: {  	[sflag:s4] =	ssyncset.done $0x0  }
0x117: {  	[sflag:s4] =	ssyncadd.s32 $0xFFFFC000  }
0x118: {  	_ =	sfence.sel $0x180000  }
0x119: {  	[bflag:$0x0] =	sbarrier.arrive $0xFFFF  }
0x11a: {  	_ =	strace $0x9000004D  }
0x11b: {  	s0 =	stileid.u32;
	[bflag:$0x2] =	sbarrier.arrive $0xFFFF  }
0x11c: {  	p0 =	sne.s32 s0, $0x0;
	s0 =	rddreg [dreg:$0x2]  }
0x11d: {  	s0 =	sadd.s32 @!p0 $0x100000, s0  }
0x11e: {  	[sflag:s0] =	ssyncadd.tile.s32 @!p0 $0x1;
	_ =	shalt  }
.Lfunc_end2:
_tile_overlayer_lowered:
.L_overlay_start_2:
0x11f: {  	(tag) =	ssettag $0x2  }
0x120: {  	s0 =	rddreg [dreg:$0x0];
	s2 =	stileid.u32  }
0x121: {  	s1 =	rddreg [dreg:$0x1];
	p0 =	sne.s32 s2, $0x0  }
0x122: {  	s3 =	rddreg [dreg:$0x2];
	[bflag:$0x3] =	sbarrier.arrive $0xFFFF;
	s2 =	simm.s32 @!p0 $0x1C02  }
0x123: {  	[timem:s3], [sflag:s2] =	dma.local @!p0 [hbm:s0], s1  }
0x124: {  	s0 =	simm.s32 @!p0 $0x2  }
0x125: {  	_ =	swait.ge @!p0 [sflag:s0], s1  }
0x126: {  	s1 =	ssub.s32 @!p0 $0x0, s1;
	[sflag:s0] =	ssyncset.done @!p0 $0x0  }
0x127: {  	[sflag:s0] =	ssyncadd.s32 @!p0 s1  }
0x128: {  	[bflag:$0x3] =	sbarrier.arrive $0xFFFF  }
0x129: {  	_ =	shalt  }

// kernel: kernel.21.cloned.1.call-start
scs
__scs_entry_jumppad:
0x0: {  	(pc) =	sbr.rel $0x88, $3  }
0x1: {  	(tag) =	ssettag $0x0;
	lr =	simm.s32 $0x1  }
0x2: {  	[smem:$0x3F97] =	sst lr;
	_ =	strace $0xD0000000  }
0x3: {  	_ = 	snop  }
0x4: {  	_ = 	snop  }
0x5: {  	_ = 	snop  }
0x6: {  	_ = 	snop  }
0x7: {  	_ = 	snop  }
__scs_overlays_trampoline_lowered:
0x8: {  	[smem:$0x3FA6] =	sst s0  }
0x9: {  	[smem:$0x3FA7] =	sst s1  }
0xa: {  	[smem:$0x3FA8] =	sst s2  }
0xb: {  	[smem:$0x3FA9] =	sst s3  }
0xc: {  	[smem:$0x3FAA] =	sst s4  }
0xd: {  	[smem:$0x3FAB] =	sst s5  }
0xe: {  	[smem:$0x3FAC] =	sst s6  }
0xf: {  	[smem:$0x3FAD] =	sst s7  }
0x10: {  	[smem:$0x3FAE] =	sst s8  }
0x11: {  	[smem:$0x3FAF] =	sst s9;
	s0 =	simm.s32 @!p0 $0x0  }
0x12: {  	s1 =	sld [smem:$0x3F95];
	s0 =	simm.s32 @p0 $0x1  }
0x13: {  	[smem:$0x3FB0] =	sst s0;
	s0 =	simm.s32 @!p1 $0x0  }
0x14: {  	s2 =	sld [smem:$0x3F94];
	s0 =	simm.s32 @p1 $0x1  }
0x15: {  	[smem:$0x3FB1] =	sst s0;
	s0 =	simm.s32 @!p2 $0x0  }
0x16: {  	s3 =	sld [smem:$0x3FDB];
	s0 =	simm.s32 @p2 $0x1  }
0x17: {  	s4 =	simm.s32 $0x1BF5;
	[smem:$0x3FB3] =	sst s0  }
0x18: {  	s0 =	sld [smem:$0x3F96];
	_ =	swait.ge [sflag:s4], $0x0  }
0x19: {  	s7 =	sld [smem:$0x3F97]  }
0x1a: {  	s8 =	sadd.s32 $0xFFFFE003, lr  }
0x1b: {  	s9 =	sadd.s32 $0xFFFFFEF7, lr;
	s5 =	simm.s32 $0xFFFFFFFF;
	p2 =	slt.u32 s8, $0xFFFFF086  }
0x1c: {  	p1 =	slt.u32 s9, $0xF7A;
	s5 =	simm.s32 @!p2 $0x0  }
0x1d: {  	s5 =	simm.s32 @p1 $0x1;
	p0 =	seq.s32 s7, s2  }
0x1e: {  	s7 =	smul.u32 @!p0 $0xF7A, s2;
	p2 =	seq.s32 @!p0 s5, $0x0  }
0x1f: {  	s9 =	smul.u32 $0xF7A, s1;
	s8 =	simm.s32 @!p0 $0x1BF5;
	p2 =	por !p2, p0  }
0x20: {  	[sflag:s8] =	ssyncset.s32 @!p0 $0xFFFFF086;
	s6 =	sadd.s32 @!p0 s3, s7;
	s7 =	simm.s32 @!p0 $0x108  }
0x21: {  	s3 =	sadd.s32 s3, s9;
	s6 =	sadd.s32 @!p0 $0x88, s6;
	s7 =	simm.s32 @p2 $0x1082  }
0x22: {  	[simem:s7], [sflag:s8] =	dma.local @!p0 [hbm:s6], $0xF7A  }
0x23: {  	s9 =	sor.u32 $0xD0000000, s2;
	s6 =	simm.s32 $0x108;
	_ =	swait.ge @!p0 [sflag:s8], $0x0  }
0x24: {  	s3 =	sadd.s32 $0x88, s3;
	s6 =	simm.s32 @!p1 $0x1082;
	[sflag:s4] =	ssyncset.s32 $0xFFFFF086  }
0x25: {  	[simem:s6], [sflag:s4] =	dma.local [hbm:s3], $0xF7A  }
0x26: {  	[smem:$0x3F97] =	sst s1;
	(tag) =	ssettag s2;
	_ =	strace s9  }
0x27: {  	s1 =	sld [smem:$0x3FA7]  }
0x28: {  	s2 =	sld [smem:$0x3FA8]  }
0x29: {  	s4 =	sld [smem:$0x3FAA]  }
0x2a: {  	p0 =	seq.s32 s5, $0x0;
	s5 =	sld [smem:$0x3FAB]  }
0x2b: {  	s6 =	sld [smem:$0x3FAC]  }
0x2c: {  	s7 =	sld [smem:$0x3FAD]  }
0x2d: {  	s3 =	simm.s32 $0x108;
	s8 =	sld [smem:$0x3FAE]  }
0x2e: {  	s3 =	simm.s32 @!p0 $0x1082;
	s9 =	sld [smem:$0x3FAF]  }
0x2f: {  	lr =	sadd.s32 s0, s3;
	s0 =	sld [smem:$0x3FA6]  }
0x30: {  	s3 =	sld [smem:$0x3FA9]  }
0x31: {  	[smem:$0x3FB2] =	sst s10  }
0x32: {  	s10 =	sld [smem:$0x3FB0];
	_ =	sdelay $0x3  }
0x33: {  	p0 =	seq.s32 s10, $0x1;
	s10 =	sld [smem:$0x3FB2];
	_ =	sdelay $0x3  }
0x34: {  	[smem:$0x3FB2] =	sst s10  }
0x35: {  	s10 =	sld [smem:$0x3FB1];
	_ =	sdelay $0x3  }
0x36: {  	p1 =	seq.s32 s10, $0x1;
	s10 =	sld [smem:$0x3FB2];
	_ =	sdelay $0x3  }
0x37: {  	[smem:$0x3FB2] =	sst s10  }
0x38: {  	s10 =	sld [smem:$0x3FB3]  }
0x39: {  	_ = 	snop;
	(pc) =	sbr.ind lr, $3  }
0x3a: {  	_ = 	snop  }
0x3b: {  	_ = 	snop  }
0x3c: {  	p2 =	seq.s32 s10, $0x1;
	s10 =	sld [smem:$0x3FB2]  }
0x3d: {  	_ =	shalt  }
0x3e: {  	_ =	shalt  }
0x3f: {  	_ =	shalt  }
0x40: {  	_ =	shalt  }
0x41: {  	_ =	shalt  }
0x42: {  	_ =	shalt  }
0x43: {  	_ =	shalt  }
0x44: {  	_ =	shalt  }
0x45: {  	_ =	shalt  }
0x46: {  	_ =	shalt  }
0x47: {  	_ =	shalt  }
0x48: {  	_ =	shalt  }
0x49: {  	_ =	shalt  }
0x4a: {  	_ =	shalt  }
0x4b: {  	_ =	shalt  }
0x4c: {  	_ =	shalt  }
0x4d: {  	_ =	shalt  }
0x4e: {  	_ =	shalt  }
0x4f: {  	_ =	shalt  }
0x50: {  	_ =	shalt  }
0x51: {  	_ =	shalt  }
0x52: {  	_ =	shalt  }
0x53: {  	_ =	shalt  }
0x54: {  	_ =	shalt  }
0x55: {  	_ =	shalt  }
0x56: {  	_ =	shalt  }
0x57: {  	_ =	shalt  }
0x58: {  	_ =	shalt  }
0x59: {  	_ =	shalt  }
0x5a: {  	_ =	shalt  }
0x5b: {  	_ =	shalt  }
0x5c: {  	_ =	shalt  }
0x5d: {  	_ =	shalt  }
0x5e: {  	_ =	shalt  }
0x5f: {  	_ =	shalt  }
0x60: {  	_ =	shalt  }
0x61: {  	_ =	shalt  }
0x62: {  	_ =	shalt  }
0x63: {  	_ =	shalt  }
0x64: {  	_ =	shalt  }
0x65: {  	_ =	shalt  }
0x66: {  	_ =	shalt  }
0x67: {  	_ =	shalt  }
0x68: {  	_ =	shalt  }
0x69: {  	_ =	shalt  }
0x6a: {  	_ =	shalt  }
0x6b: {  	_ =	shalt  }
0x6c: {  	_ =	shalt  }
0x6d: {  	_ =	shalt  }
0x6e: {  	_ =	shalt  }
0x6f: {  	_ =	shalt  }
0x70: {  	_ =	shalt  }
0x71: {  	_ =	shalt  }
0x72: {  	_ =	shalt  }
0x73: {  	_ =	shalt  }
0x74: {  	_ =	shalt  }
0x75: {  	_ =	shalt  }
0x76: {  	_ =	shalt  }
0x77: {  	_ =	shalt  }
0x78: {  	_ =	shalt  }
0x79: {  	_ =	shalt  }
0x7a: {  	_ =	shalt  }
0x7b: {  	_ =	shalt  }
0x7c: {  	_ =	shalt  }
0x7d: {  	_ =	shalt  }
0x7e: {  	_ =	shalt  }
0x7f: {  	_ =	shalt  }
0x80: {  	_ =	shalt  }
0x81: {  	_ =	shalt  }
0x82: {  	_ =	shalt  }
0x83: {  	_ =	shalt  }
0x84: {  	_ =	shalt  }
0x85: {  	_ =	shalt  }
0x86: {  	_ =	shalt  }
0x87: {  	_ =	shalt  }
.Lfunc_end0:
.L_simem_size_0:
called_computation.3_lowered:
.L_overlay_start_0:
0x88: {  	s2 =	sld [smem:$0x3FD9]  }
0x89: {  	s3 =	sld [smem:$0x3FFE];
	_ =	sdelay $0x1  }
0x8a: {  	s1 =	srdreg.scid  }
0x8b: {  	s0 =	sand.u32 $0x1, s1  }
0x8c: {  	s17 =	sshll.u32 s0, $0xA;
	s2 =	sadd.s32 s3, s2  }
0x8d: {  	s2 =	sadd.s32 s2, s17  }
0x8e: {  	[smem:$0x3FBE] =	sst s2  }
0x8f: {  	_ = 	snop  }
0x90: {  	s2 =	sld [smem:$0x3FD0];
	(tm) =	ssettm $0x1  }
0x91: {  	s18 =	sld [smem:$0x3FFB];
	_ =	sdelay $0x3  }
0x92: {  	_ =	strace s18  }
0x93: {  	s3 =	sld [smem:$0x3FFC];
	_ =	sdelay $0x3  }
0x94: {  	_ =	strace s3  }
0x95: {  	s3 =	sld [smem:$0x3FFD];
	_ =	sdelay $0x3  }
0x96: {  	_ =	strace s3  }
0x97: {  	_ =	strace $0x8FFFFFFF  }
0x98: {  	s19 =	sld [smem:$0x3FDB];
	_ =	sdelay $0x1  }
0x99: {  	s4 =	simm.s32 $_scs_section_size  }
0x9a: {  	s5 =	simm.s32 $_size__tile_overlayer_lowered;
	s6 =	simm.s32 $_tile_overlayer_lowered  }
0x9b: {  	s22 =	simm.s32 $0x1BFF;
	s21 =	sshll.u32 s6, $0x1;
	s3 =	sadd.s32 s4, s19  }
0x9c: {  	s7 =	simm.s32 $0x0;
	s20 =	sshll.u32 s5, $0x1;
	s5 =	sadd.s32 s21, s3  }
0x9d: {  	[timem:s7], [sflag:s22] =	dma.local [hbm:s5], s20  }
0x9e: {  	_ =	swait.ge [sflag:s22], s20  }
0x9f: {  	s4 =	ssub.s32 $0x0, s20;
	[sflag:s22] =	ssyncset.done $0x0  }
0xa0: {  	[sflag:s22] =	ssyncadd.s32 s4;
	_ =	sdelay $0x1  }
0xa1: {  	s23 =	simm.s32 $0x1B8B  }
0xa2: {  	_ =	swait.ge [sflag:s23], $0x1  }
0xa3: {  	[sflag:s23] =	ssyncset.done $0x0  }
0xa4: {  	s25 =	simm.s32 $0x1B8E;
	s24 =	sld [smem:$0x3FFE];
	[sflag:s23] =	ssyncadd.s32 $0xFFFFFFFF  }
0xa5: {  	s26 =	simm.s32 $execute0_lowered;
	[smem:$0x3FD2] =	sst s25  }
0xa6: {  	s5 =	sshll.u32 s26, $0x1;
	_ =	strace $0x8000004F;
	[dreg:$0x1] =	wrdreg $0xFFFFFFFF  }
0xa7: {  	s28 =	simm.s32 $_size_execute0_lowered;
	s3 =	sadd.s32 s3, s5;
	[dreg:$0x0] =	wrdreg $0x0  }
0xa8: {  	s5 =	sshll.u32 s28, $0x1;
	[dreg:$0x2] =	wrdreg s3  }
0xa9: {  	[dreg:$0x3] =	wrdreg s5  }
0xaa: {  	[dreg:$0x4] =	wrdreg $0xC0  }
0xab: {  	_ =	task [dreg:s7], $0x5FFFF  }
0xac: {  	[dreg:$0x1] =	wrdreg $0xFFFFFFFF  }
0xad: {  	[dreg:$0x0] =	wrdreg $0x60  }
0xae: {  	[dreg:$0x2] =	wrdreg s2  }
0xaf: {  	[dreg:$0x3] =	wrdreg s24  }
0xb0: {  	[dreg:$0x4] =	wrdreg $0x9  }
0xb1: {  	_ =	task.clear_ibuf [dreg:s7], $0x5FFFF;
	_ =	strace $0x9000004F  }
0xb2: {  	s29 =	simm.s32 $0x9;
	_ =	strace $0x80000051  }
0xb3: {  	_ =	swait.ge [sflag:s29], $0x1  }
0xb4: {  	[sflag:s29] =	ssyncadd.s32 $0xFFFFFFFF  }
0xb5: {  	_ =	strace $0x90000051  }
0xb6: {  	_ =	sfence  }
0xb7: {  	s30 =	sld [smem:$0x0];
	_ =	sdelay $0x2  }
0xb8: {  	s31 =	sshll.u32 s1, $0xD;
	s1 =	sshrl.u32 s1, $0x2  }
0xb9: {  	s3 =	sand.u32 $0x4000, s31;
	s1 =	sadd.s32 s1, s30  }
0xba: {  	s0 =	sor.u32 s3, s0;
	s1 =	sshll.u32 s1, $0x11  }
0xbb: {  	s0 =	sor.u32 s1, s0  }
0xbc: {  	s0 =	sadd.s32 $0x8F2B, s0  }
0xbd: {  	[sflag:s0] =	ssyncadd.remote.s32 $0x1  }
0xbe: {  	_ =	sfence.sel $0xFFFF  }
0xbf: {  	[dreg:$0x0] =	wrdreg $0xFFFFFFFF;
	(pc) =	sbr.abs _section_cstart, $3  }
0xc0: {  	[dreg:$0x1] =	wrdreg $0xFFFFFFFF  }
0xc1: {  	_ =	task.clear_ibuf [dreg:s7], $0x2FFFF;
	_ =	strace $0x9FFFFFFF  }
0xc2: {  	(tm) =	ssettm $0x7FFFFFFF  }
0xc3: {  	_ =	shalt  }
tec
execute0_lowered:
.L_overlay_start_1:
0x0: {  	(tag) =	ssettag $0x1  }
0x1: {  	s1 =	srdreg.scid;
	s0 =	stileid.u32  }
0x2: {  	s2 =	rddreg [dreg:$0x0];
	s10 =	sand.u32 $0x1, s1;
	s30 =	sshll.u32 s0, $0x1  }
0x3: {  	s9 =	rddreg [dreg:$0x1];
	s11 =	sor.u32 s10, s30  }
0x4: {  	s3 =	simm.s32 $0x0;
	s1 =	rddreg [dreg:$0x2];
	s4 =	sshll.u32 s11, $0x5  }
0x5: {  	[smem:$0x7FF] =	sst s3;
	s4 =	sadd.s32 s4, s9  }
0x6: {  	_ =	strace $0x80000050;
	s5 =	sadd.s32 $0x105000, s4;
	s4 =	simm.s32 $0x2  }
0x7: {  	[tilespmem:s3], [sflag:$0x2] =	stream.linear.gather [hbm4b:s5+s3], $0x100, $0x38;
	[tilespmem:$0x4100] =	vst v63  }
0x8: {  	_ =	swait.ge [sflag:s4], $0x100  }
0x9: {  	s6 =	simm.s32 $0x80;
	[sflag:s4] =	ssyncset.done $0x0  }
0xa: {  	s7 =	simm.s32 $0x100;
	s8 =	simm.s32 $0x1;
	[sflag:s4] =	ssyncadd.s32 $0xFFFFFF00  }
0xb: {  	[tilespmem:s7], [sflag:$0x1] =	stream.indirect.gather [hbm4b:s2+s6], $0x80, s3, s6, $0xb8;
	[tilespmem:$0x4100] =	vst v63  }
0xc: {  	s11 =	sshll.u32 s11, $0xC;
	_ =	swait.ge [sflag:s8], $0x4000  }
0xd: {  	s11 =	sadd.s32 s11, s9;
	[sflag:s8] =	ssyncset.done $0x0  }
0xe: {  	s10 =	ssub.s32 $0x2, s10;
	s9 =	sadd.s32 $0x3000, s11;
	[sflag:s8] =	ssyncadd.s32 $0xFFFFC000  }
0xf: {  	[hbm4b:s9+s3] =	stream.linear.scatter [tilespmem:s7], [sflag:$0x2], $0x4000, $0x38;
	[tilespmem:$0x4100] =	vst v63  }
0x10: {  	s12 =	sshrl.u32 s10, $0x1;
	_ =	swait.ge [sflag:s4], $0x4000  }
0x11: {  	s12 =	ssub.s32 s10, s12;
	[sflag:s4] =	ssyncset.done $0x0  }
0x12: {  	s31 =	smax.u32 s12, $0x1;
	[sflag:s4] =	ssyncadd.s32 $0xFFFFC000  }
0x13: {  	[tilespmem:s7], [sflag:$0x1] =	stream.indirect.gather [hbm4b:s2+s6], $0x80, s6, s6, $0xb8;
	[tilespmem:$0x4100] =	vst v63  }
0x14: {  	p0 =	sne.s32 s31, $0x1;
	_ =	swait.ge [sflag:s8], $0x4000  }
.Ltmp0:
0x15: {  	[sflag:s8] =	ssyncset.done $0x0;
	(pc) =	sbr.rel @!p0 .LBB2_2-.Ltmp0, $4  }
0x16: {  	s10 =	sadd.s32 $0x3800, s11;
	[sflag:s8] =	ssyncadd.s32 $0xFFFFC000  }
0x17: {  	[hbm4b:s10+s3] =	stream.linear.scatter [tilespmem:s7], [sflag:$0x2], $0x4000, $0x38;
	[tilespmem:$0x4100] =	vst v63  }
0x18: {  	_ =	swait.ge [sflag:s4], $0x4000  }
0x19: {  	s11 =	sadd.s32 $0xFFFFFFFF, s31;
	[sflag:s4] =	ssyncset.done $0x0  }
.LBB2_1:
0x1a: {  	p0 =	sne.s32 s11, $0x1;
	s11 =	sadd.s32 $0xFFFFFFFF, s11;
	[sflag:s4] =	ssyncadd.s32 $0xFFFFC000  }
0x1b: {  	[tilespmem:s3], [sflag:$0x2] =	stream.linear.gather [hbm4b:s5+s3], $0x100, $0x38;
	[tilespmem:$0x4100] =	vst v63  }
0x1c: {  	_ =	swait.ge [sflag:s4], $0x100  }
0x1d: {  	[sflag:s4] =	ssyncset.done $0x0  }
0x1e: {  	[sflag:s4] =	ssyncadd.s32 $0xFFFFFF00  }
0x1f: {  	[tilespmem:s7], [sflag:$0x1] =	stream.indirect.gather [hbm4b:s2+s6], $0x80, s3, s6, $0xb8;
	[tilespmem:$0x4100] =	vst v63  }
0x20: {  	_ =	swait.ge [sflag:s8], $0x4000  }
0x21: {  	[sflag:s8] =	ssyncset.done $0x0  }
0x22: {  	[sflag:s8] =	ssyncadd.s32 $0xFFFFC000  }
0x23: {  	[hbm4b:s9+s3] =	stream.linear.scatter [tilespmem:s7], [sflag:$0x2], $0x4000, $0x38;
	[tilespmem:$0x4100] =	vst v63  }
0x24: {  	_ =	swait.ge [sflag:s4], $0x4000  }
0x25: {  	[sflag:s4] =	ssyncset.done $0x0  }
0x26: {  	[sflag:s4] =	ssyncadd.s32 $0xFFFFC000  }
0x27: {  	[tilespmem:s7], [sflag:$0x1] =	stream.indirect.gather [hbm4b:s2+s6], $0x80, s6, s6, $0xb8;
	[tilespmem:$0x4100] =	vst v63  }
0x28: {  	_ =	swait.ge [sflag:s8], $0x4000  }
.Ltmp1:
0x29: {  	[sflag:s8] =	ssyncset.done $0x0;
	(pc) =	sbr.rel @p0 .LBB2_1-.Ltmp1, $4  }
0x2a: {  	[sflag:s8] =	ssyncadd.s32 $0xFFFFC000  }
0x2b: {  	[hbm4b:s10+s3] =	stream.linear.scatter [tilespmem:s7], [sflag:$0x2], $0x4000, $0x38;
	[tilespmem:$0x4100] =	vst v63  }
0x2c: {  	_ =	swait.ge [sflag:s4], $0x4000  }
0x2d: {  	[sflag:s4] =	ssyncset.done $0x0  }
.LBB2_2:
0x2e: {  	[sflag:s4] =	ssyncadd.s32 $0xFFFFC000  }
0x2f: {  	_ =	sfence.sel $0x180000  }
0x30: {  	[bflag:$0x0] =	sbarrier.arrive $0xFFFF  }
0x31: {  	p0 =	sne.s32 s0, $0x0;
	_ =	strace $0x90000050  }
0x32: {  	s0 =	sadd.s32 @!p0 $0x100000, s1;
	[bflag:$0x2] =	sbarrier.arrive $0xFFFF  }
0x33: {  	[sflag:s0] =	ssyncadd.tile.s32 @!p0 $0x1;
	_ =	shalt  }
.Lfunc_end2:
_tile_overlayer_lowered:
.L_overlay_start_2:
0x34: {  	(tag) =	ssettag $0x2  }
0x35: {  	s0 =	rddreg [dreg:$0x0];
	s2 =	stileid.u32  }
0x36: {  	s1 =	rddreg [dreg:$0x1];
	p0 =	sne.s32 s2, $0x0  }
0x37: {  	s3 =	rddreg [dreg:$0x2];
	[bflag:$0x3] =	sbarrier.arrive $0xFFFF;
	s2 =	simm.s32 @!p0 $0x1C02  }
0x38: {  	[timem:s3], [sflag:s2] =	dma.local @!p0 [hbm:s0], s1  }
0x39: {  	s0 =	simm.s32 @!p0 $0x2  }
0x3a: {  	_ =	swait.ge @!p0 [sflag:s0], s1  }
0x3b: {  	s1 =	ssub.s32 @!p0 $0x0, s1;
	[sflag:s0] =	ssyncset.done @!p0 $0x0  }
0x3c: {  	[sflag:s0] =	ssyncadd.s32 @!p0 s1  }
0x3d: {  	[bflag:$0x3] =	sbarrier.arrive $0xFFFF  }
0x3e: {  	_ =	shalt  }

</sc_bundles>
